<compile_context>
chip_gen: v7x
topology: tpu7x:2x2x1
jax: 0.10.2.dev20260603
libtpu: 0.0.44.dev20260713+nightly
codegen_flags: <defaults>
</compile_context>

<pallas_src>
import functools
import numpy as np
import jax
import jax.numpy as jnp
from jax import lax
from jax.experimental import pallas as pl
from jax.experimental.pallas import tpu as pltpu
from jax.experimental.pallas import tpu_sc as plsc

_N = 2048
_K = (_N - 1) // 2
_INT_MIN = np.int32(-2147483648)


_ROWS_PER_BLOCK = 256


def _tc_median_block_kernel(x_ref, o_ref):
    x = x_ref[...]
    i = jax.lax.bitcast_convert_type(x, jnp.int32)
    int_min = jnp.int32(_INT_MIN)
    keys = jnp.where(i >= 0, i, int_min - i)

    res = jnp.zeros((x.shape[0], 1), dtype=jnp.int32)
    for b in range(31, -1, -1):
        bit = jnp.int32(np.array(1 << b, dtype=np.uint64).astype(np.uint32).view(np.int32))
        trial = res | bit
        trial_s = trial ^ int_min
        cnt = jnp.sum((keys < trial_s).astype(jnp.int32), axis=1, keepdims=True)
        res = jnp.where(cnt <= _K, trial, res)

    med_s = res ^ int_min
    med_i = jnp.where(med_s >= 0, med_s, int_min - med_s)
    o_ref[...] = jax.lax.bitcast_convert_type(med_i, jnp.float32)


def _tc_median(x2, row_start, nrows):
    blk0 = row_start // _ROWS_PER_BLOCK
    return pl.pallas_call(
        _tc_median_block_kernel,
        grid=(nrows // _ROWS_PER_BLOCK,),
        in_specs=[pl.BlockSpec((_ROWS_PER_BLOCK, _N), lambda g: (g + blk0, 0))],
        out_specs=pl.BlockSpec((_ROWS_PER_BLOCK, 1), lambda g: (g, 0)),
        out_shape=jax.ShapeDtypeStruct((nrows, 1), x2.dtype),
    )(x2)



_NW = 32
_GRP = 16


def _sc_median(x2, sc_rows):
    rows_per_w = sc_rows // _NW
    n_blocks = rows_per_w // _GRP
    mesh = plsc.VectorSubcoreMesh(core_axis_name="c", subcore_axis_name="s",
                                  num_cores=2, num_subcores=16)

    @functools.partial(
        pl.kernel,
        out_type=jax.ShapeDtypeStruct((sc_rows,), jnp.float32),
        mesh=mesh,
        scratch_types=[
            pltpu.VMEM((_GRP * _N,), jnp.float32),
            pltpu.VMEM((_GRP * _N,), jnp.int32),
            pltpu.VMEM((256 * 16,), jnp.int32),
            pltpu.VMEM((16 * 16,), jnp.int32),
            pltpu.VMEM((rows_per_w,), jnp.float32),
            pltpu.SemaphoreType.DMA,
        ],
        compiler_params=pltpu.CompilerParams(needs_layout_passes=False),
    )
    def sc_kernel(x_hbm, o_hbm, stage, work, hist8, hist4, outv, sem):
        int_min = jnp.int32(_INT_MIN)
        iota = lax.iota(jnp.int32, 16)
        ones = jnp.ones((16,), jnp.int32)
        zeros16 = jnp.zeros((16,), jnp.int32)
        wbase = iota * _N

        wid = lax.axis_index("s") * 2 + lax.axis_index("c")
        base = wid * rows_per_w

        def to_key(raw_f32):
            u = lax.bitcast_convert_type(raw_f32, jnp.int32)
            return u ^ ((u >> 31) | int_min)

        @plsc.parallel_loop(0, 256, unroll=8)
        def zero8(i):
            hist8[pl.ds(i * 16, 16)] = zeros16

        def blk_loop(blk, _):
            descs = [
                pltpu.async_copy(x_hbm.at[base + blk * _GRP + j],
                                 stage.at[pl.ds(j * _N, _N)], sem)
                for j in range(_GRP)
            ]
            for d in descs:
                d.wait()

            @plsc.parallel_loop(0, _N, unroll=8, carry=wbase)
            def hist_a(e, pos):
                key = to_key(plsc.load_gather(stage, [pos]))
                digit = lax.shift_right_logical(key, 24)
                plsc.addupdate_scatter(hist8, [digit * 16 + iota], ones)
                return pos + 1

            kk0 = jnp.full((16,), _K, jnp.int32)

            def walk_a(c, carry):
                cum, bin8, below, mnew, found = carry
                for bb in range(16):
                    b = c * 16 + bb
                    cnt = hist8[pl.ds(b * 16, 16)]
                    hist8[pl.ds(b * 16, 16)] = zeros16
                    ncum = cum + cnt
                    sel = jnp.logical_and(jnp.logical_not(found), ncum > kk0)
                    bin8 = jnp.where(sel, b, bin8)
                    below = jnp.where(sel, cum, below)
                    mnew = jnp.where(sel, cnt, mnew)
                    found = jnp.logical_or(found, sel)
                    cum = ncum
                return cum, bin8, below, mnew, found

            _, bin8, below, m, _ = lax.fori_loop(
                0, 16, walk_a,
                (zeros16, zeros16, zeros16, zeros16, iota < 0))
            kk = kk0 - below

            @plsc.parallel_loop(0, _N, unroll=8, carry=(wbase, wbase))
            def compact_a(e, carry):
                woff, pos = carry
                key = to_key(plsc.load_gather(stage, [pos]))
                digit = lax.shift_right_logical(key, 24)
                match = digit == bin8
                plsc.store_scatter(work, [woff], key, mask=match)
                return woff + match.astype(jnp.int32), pos + 1

            def lvl_cond(carry):
                lv, kk, m = carry
                return jnp.logical_and(lv < 7, jnp.max(m) > 1)

            def lvl_body(carry):
                lv, kk, m = carry
                shift = 24 - 4 * lv
                maxm = jnp.max(m)
                for l in range(16):
                    hist4[pl.ds(l * 16, 16)] = zeros16

                @plsc.parallel_loop(0, maxm, unroll=4, carry=zeros16)
                def hist_l(e, ev):
                    key = plsc.load_gather(work, [wbase + ev])
                    digit = lax.shift_right_logical(key, shift) & 15
                    plsc.addupdate_scatter(hist4, [digit * 16 + iota], ones,
                                           mask=m > ev)
                    return ev + 1

                cum = zeros16
                bin4 = zeros16
                below = zeros16
                mnew = zeros16
                found = iota < 0
                for b in range(16):
                    cnt = hist4[pl.ds(b * 16, 16)]
                    ncum = cum + cnt
                    sel = jnp.logical_and(jnp.logical_not(found), ncum > kk)
                    bin4 = jnp.where(sel, b, bin4)
                    below = jnp.where(sel, cum, below)
                    mnew = jnp.where(sel, cnt, mnew)
                    found = jnp.logical_or(found, sel)
                    cum = ncum

                @plsc.parallel_loop(0, maxm, unroll=4, carry=(wbase, zeros16))
                def compact_l(e, carry):
                    woff, ev = carry
                    key = plsc.load_gather(work, [wbase + ev])
                    digit = lax.shift_right_logical(key, shift) & 15
                    match = jnp.logical_and(digit == bin4, m > ev)
                    plsc.store_scatter(work, [woff], key, mask=match)
                    return woff + match.astype(jnp.int32), ev + 1
                return lv + 1, kk - below, mnew

            lax.while_loop(lvl_cond, lvl_body, (1, kk, m))

            key = plsc.load_gather(work, [wbase])
            u = key ^ ((~(key >> 31)) | int_min)
            outv[pl.ds(blk * _GRP, 16)] = lax.bitcast_convert_type(u, jnp.float32)
            return 0

        lax.fori_loop(0, n_blocks, blk_loop, 0)
        pltpu.sync_copy(outv, o_hbm.at[pl.ds(base, rows_per_w)])

    return sc_kernel(x2)


_SC_ROWS = 2560


def kernel(x):
    b, s, n = x.shape
    rows = b * s
    x2 = x.reshape(rows, n)
    out_sc = _sc_median(x2, _SC_ROWS)
    out_tc = _tc_median(x2, _SC_ROWS, rows - _SC_ROWS)
    out = jnp.concatenate([out_sc[:, None], out_tc], axis=0)
    return out.reshape(b, s, 1)

# --- scband reference (transcript-rebuilt; emitter-appended) ---
"""Pipeline reference for scband-median-pool-5995774345774 (READ-ONLY COPY).

The authoritative reference and input builder live on the scoring server;
editing this copy changes nothing except your own understanding.
"""

import jax, jax.numpy as jnp
import numpy as np

def setup_inputs(seed: int = 0) -> dict:
    key = jax.random.key(seed)
    x = jax.random.normal(key, (2, 4096, 2048), dtype=jnp.float32)
    return {"x": x}

def reference(x):
    # torch.median(x, dim=-1, keepdim=True)[0] returns the LOWER median:
    # sorted element at index (n-1)//2 along the last dim.
    n = x.shape[-1]
    xs = jnp.sort(x, axis=-1)
    med = xs[..., (n - 1) // 2]
    return med[..., None]

if __name__ == "__main__":
    import jax
    _d = setup_inputs()
    print(jax.jit(kernel)(*tuple(_d.values())))

</pallas_src>

<mosaic_0001>
#map = affine_map<(d0, d1) -> (0, 0)>
#map1 = affine_map<(d0, d1) -> (0)>
module attributes {stable_mosaic.version = 14 : i64} {
  func.func @sc_kernel(%arg0: i32, %arg1: i32, %arg2: memref<8192x2048xf32, #tpu.memory_space<hbm>>, %arg3: memref<2560xf32, #tpu.memory_space<hbm>>, %arg4: memref<32768xf32, #tpu.memory_space<vmem>>, %arg5: memref<32768xi32, #tpu.memory_space<vmem>>, %arg6: memref<4096xi32, #tpu.memory_space<vmem>>, %arg7: memref<256xi32, #tpu.memory_space<vmem>>, %arg8: memref<80xf32, #tpu.memory_space<vmem>>, %arg9: memref<!tpu.dma_semaphore, #tpu.memory_space<semaphore_mem>>) attributes {dimension_semantics = [#tpu.dimension_semantics<core_parallel>, #tpu.dimension_semantics<subcore_parallel>], iteration_bounds = array<i64: 2, 16>, scalar_prefetch = 0 : i64, scratch_operands = 6 : i64, tpu.core_type = #tpu.core_type<sc_vector_subcore>, window_params = [{transform_indices = #map}, {transform_indices = #map1}]} {
    %iota3A = tpu.iota {dimensions = array<i32: 0>} : vector<16xi32>
    %broadcast_in_dim3A = arith.constant 1 : i32
    %broadcast_in_dim3A_0 = vector.broadcast %broadcast_in_dim3A : i32 to vector<16xi32>
    %broadcast_in_dim3A_1 = arith.constant 0 : i32
    %broadcast_in_dim3A_2 = vector.broadcast %broadcast_in_dim3A_1 : i32 to vector<16xi32>
    %mul3A = arith.constant 2048 : i32
    %mul3A_3 = vector.broadcast %mul3A : i32 to vector<16xi32>
    %mul3A_4 = arith.muli %iota3A, %mul3A_3 : vector<16xi32>
    %mul3A_5 = arith.constant 2 : i32
    %mul3A_6 = arith.muli %arg1, %mul3A_5 : i32
    %add3A = arith.addi %mul3A_6, %arg0 : i32
    %mul3A_7 = arith.constant 80 : i32
    %mul3A_8 = arith.muli %add3A, %mul3A_7 : i32
    %parallel_loop3A = arith.constant 0 : i32
    %parallel_loop3A_9 = arith.constant 256 : i32
    %parallel_loop3A_10 = arith.constant 1 : i32
    scf.for %parallel_loop3A_18 = %parallel_loop3A to %parallel_loop3A_9 step %parallel_loop3A_10  : i32 {
      %parallel_loop3A_19 = arith.constant 16 : i32
      %parallel_loop3A_20 = arith.muli %parallel_loop3A_18, %parallel_loop3A_19 : i32
      %parallel_loop3A_21 = arith.index_cast %parallel_loop3A_20 : i32 to index
      %parallel_loop3A_22 = tpu.vector_load %arg6[%parallel_loop3A_21] {strides = array<i32>} : memref<4096xi32, #tpu.memory_space<vmem>>, vector<16xi32>,
      tpu.vector_store %arg6[%parallel_loop3A_21], %broadcast_in_dim3A_2 {strides = array<i32>} : memref<4096xi32, #tpu.memory_space<vmem>>, vector<16xi32>,
    } {sc.loop_unroll_factor = 8 : i64, sc.parallel_access}
    %scan3A = arith.constant -2147483648 : i32
    %scan3A_11 = arith.constant 0 : i32
    %scan3A_12 = arith.constant 0 : i32
    %scan3A_13 = arith.constant 5 : i32
    %scan3A_14 = arith.addi %scan3A_12, %scan3A_13 : i32
    %scan3A_15 = arith.constant 1 : i32
    %scan3A_16 = scf.for %scan3A_18 = %scan3A_12 to %scan3A_14 step %scan3A_15 iter_args(%scan3A_19 = %scan3A_11) -> (i32)  : i32 {
      %mul3A_20 = arith.constant 16 : i32
      %mul3A_21 = arith.muli %scan3A_18, %mul3A_20 : i32
      %add3A_22 = arith.addi %mul3A_8, %mul3A_21 : i32
      %add3A_23 = arith.constant 0 : i32
      %add3A_24 = arith.addi %add3A_22, %add3A_23 : i32
      %dma_start3A = arith.constant 0 : i32
      %dma_start3A_25 = tpu.memref_slice %arg4[%dma_start3A] : memref<32768xf32, #tpu.memory_space<vmem>> -> memref<2048xf32, #tpu.memory_space<vmem>>
      %dma_start3A_26 = arith.constant 0 : i32
      %dma_start3A_27 = tpu.memref_slice %arg2[%add3A_24, %dma_start3A_26] : memref<8192x2048xf32, #tpu.memory_space<hbm>> -> memref<1x2048xf32, #tpu.memory_space<hbm>>
      %dma_start3A_28 = tpu.memref_squeeze %dma_start3A_27 : memref<1x2048xf32, #tpu.memory_space<hbm>> -> memref<2048xf32, #tpu.memory_space<hbm>>
      %dma_start3A_29 = arith.constant 0 : i32
      %dma_start3A_30 = tpu.memref_slice %arg4[%dma_start3A_29] : memref<32768xf32, #tpu.memory_space<vmem>> -> memref<2048xf32, #tpu.memory_space<vmem>>
      %dma_start3A_31 = arith.constant 0 : i32
      %dma_start3A_32 = tpu.memref_slice %arg2[%add3A_24, %dma_start3A_31] : memref<8192x2048xf32, #tpu.memory_space<hbm>> -> memref<1x2048xf32, #tpu.memory_space<hbm>>
      %dma_start3A_33 = tpu.memref_squeeze %dma_start3A_32 : memref<1x2048xf32, #tpu.memory_space<hbm>> -> memref<2048xf32, #tpu.memory_space<hbm>>
      tpu.enqueue_dma source(%dma_start3A_33 : memref<2048xf32, #tpu.memory_space<hbm>>) target(%dma_start3A_30 : memref<2048xf32, #tpu.memory_space<vmem>>) target_semaphore(%arg9 : memref<!tpu.dma_semaphore, #tpu.memory_space<semaphore_mem>>)
      %mul3A_34 = arith.constant 16 : i32
      %mul3A_35 = arith.muli %scan3A_18, %mul3A_34 : i32
      %add3A_36 = arith.addi %mul3A_8, %mul3A_35 : i32
      %add3A_37 = arith.constant 1 : i32
      %add3A_38 = arith.addi %add3A_36, %add3A_37 : i32
      %dma_start3A_39 = arith.constant 2048 : i32
      %dma_start3A_40 = tpu.memref_slice %arg4[%dma_start3A_39] : memref<32768xf32, #tpu.memory_space<vmem>> -> memref<2048xf32, #tpu.memory_space<vmem>>
      %dma_start3A_41 = arith.constant 0 : i32
      %dma_start3A_42 = tpu.memref_slice %arg2[%add3A_38, %dma_start3A_41] : memref<8192x2048xf32, #tpu.memory_space<hbm>> -> memref<1x2048xf32, #tpu.memory_space<hbm>>
      %dma_start3A_43 = tpu.memref_squeeze %dma_start3A_42 : memref<1x2048xf32, #tpu.memory_space<hbm>> -> memref<2048xf32, #tpu.memory_space<hbm>>
      %dma_start3A_44 = arith.constant 2048 : i32
      %dma_start3A_45 = tpu.memref_slice %arg4[%dma_start3A_44] : memref<32768xf32, #tpu.memory_space<vmem>> -> memref<2048xf32, #tpu.memory_space<vmem>>
      %dma_start3A_46 = arith.constant 0 : i32
      %dma_start3A_47 = tpu.memref_slice %arg2[%add3A_38, %dma_start3A_46] : memref<8192x2048xf32, #tpu.memory_space<hbm>> -> memref<1x2048xf32, #tpu.memory_space<hbm>>
      %dma_start3A_48 = tpu.memref_squeeze %dma_start3A_47 : memref<1x2048xf32, #tpu.memory_space<hbm>> -> memref<2048xf32, #tpu.memory_space<hbm>>
      tpu.enqueue_dma source(%dma_start3A_48 : memref<2048xf32, #tpu.memory_space<hbm>>) target(%dma_start3A_45 : memref<2048xf32, #tpu.memory_space<vmem>>) target_semaphore(%arg9 : memref<!tpu.dma_semaphore, #tpu.memory_space<semaphore_mem>>)
      %mul3A_49 = arith.constant 16 : i32
      %mul3A_50 = arith.muli %scan3A_18, %mul3A_49 : i32
      %add3A_51 = arith.addi %mul3A_8, %mul3A_50 : i32
      %add3A_52 = arith.constant 2 : i32
      %add3A_53 = arith.addi %add3A_51, %add3A_52 : i32
      %dma_start3A_54 = arith.constant 4096 : i32
      %dma_start3A_55 = tpu.memref_slice %arg4[%dma_start3A_54] : memref<32768xf32, #tpu.memory_space<vmem>> -> memref<2048xf32, #tpu.memory_space<vmem>>
      %dma_start3A_56 = arith.constant 0 : i32
      %dma_start3A_57 = tpu.memref_slice %arg2[%add3A_53, %dma_start3A_56] : memref<8192x2048xf32, #tpu.memory_space<hbm>> -> memref<1x2048xf32, #tpu.memory_space<hbm>>
      %dma_start3A_58 = tpu.memref_squeeze %dma_start3A_57 : memref<1x2048xf32, #tpu.memory_space<hbm>> -> memref<2048xf32, #tpu.memory_space<hbm>>
      %dma_start3A_59 = arith.constant 4096 : i32
      %dma_start3A_60 = tpu.memref_slice %arg4[%dma_start3A_59] : memref<32768xf32, #tpu.memory_space<vmem>> -> memref<2048xf32, #tpu.memory_space<vmem>>
      %dma_start3A_61 = arith.constant 0 : i32
      %dma_start3A_62 = tpu.memref_slice %arg2[%add3A_53, %dma_start3A_61] : memref<8192x2048xf32, #tpu.memory_space<hbm>> -> memref<1x2048xf32, #tpu.memory_space<hbm>>
      %dma_start3A_63 = tpu.memref_squeeze %dma_start3A_62 : memref<1x2048xf32, #tpu.memory_space<hbm>> -> memref<2048xf32, #tpu.memory_space<hbm>>
      tpu.enqueue_dma source(%dma_start3A_63 : memref<2048xf32, #tpu.memory_space<hbm>>) target(%dma_start3A_60 : memref<2048xf32, #tpu.memory_space<vmem>>) target_semaphore(%arg9 : memref<!tpu.dma_semaphore, #tpu.memory_space<semaphore_mem>>)
      %mul3A_64 = arith.constant 16 : i32
      %mul3A_65 = arith.muli %scan3A_18, %mul3A_64 : i32
      %add3A_66 = arith.addi %mul3A_8, %mul3A_65 : i32
      %add3A_67 = arith.constant 3 : i32
      %add3A_68 = arith.addi %add3A_66, %add3A_67 : i32
      %dma_start3A_69 = arith.constant 6144 : i32
      %dma_start3A_70 = tpu.memref_slice %arg4[%dma_start3A_69] : memref<32768xf32, #tpu.memory_space<vmem>> -> memref<2048xf32, #tpu.memory_space<vmem>>
      %dma_start3A_71 = arith.constant 0 : i32
      %dma_start3A_72 = tpu.memref_slice %arg2[%add3A_68, %dma_start3A_71] : memref<8192x2048xf32, #tpu.memory_space<hbm>> -> memref<1x2048xf32, #tpu.memory_space<hbm>>
      %dma_start3A_73 = tpu.memref_squeeze %dma_start3A_72 : memref<1x2048xf32, #tpu.memory_space<hbm>> -> memref<2048xf32, #tpu.memory_space<hbm>>
      %dma_start3A_74 = arith.constant 6144 : i32
      %dma_start3A_75 = tpu.memref_slice %arg4[%dma_start3A_74] : memref<32768xf32, #tpu.memory_space<vmem>> -> memref<2048xf32, #tpu.memory_space<vmem>>
      %dma_start3A_76 = arith.constant 0 : i32
      %dma_start3A_77 = tpu.memref_slice %arg2[%add3A_68, %dma_start3A_76] : memref<8192x2048xf32, #tpu.memory_space<hbm>> -> memref<1x2048xf32, #tpu.memory_space<hbm>>
      %dma_start3A_78 = tpu.memref_squeeze %dma_start3A_77 : memref<1x2048xf32, #tpu.memory_space<hbm>> -> memref<2048xf32, #tpu.memory_space<hbm>>
      tpu.enqueue_dma source(%dma_start3A_78 : memref<2048xf32, #tpu.memory_space<hbm>>) target(%dma_start3A_75 : memref<2048xf32, #tpu.memory_space<vmem>>) target_semaphore(%arg9 : memref<!tpu.dma_semaphore, #tpu.memory_space<semaphore_mem>>)
      %mul3A_79 = arith.constant 16 : i32
      %mul3A_80 = arith.muli %scan3A_18, %mul3A_79 : i32
      %add3A_81 = arith.addi %mul3A_8, %mul3A_80 : i32
      %add3A_82 = arith.constant 4 : i32
      %add3A_83 = arith.addi %add3A_81, %add3A_82 : i32
      %dma_start3A_84 = arith.constant 8192 : i32
      %dma_start3A_85 = tpu.memref_slice %arg4[%dma_start3A_84] : memref<32768xf32, #tpu.memory_space<vmem>> -> memref<2048xf32, #tpu.memory_space<vmem>>
      %dma_start3A_86 = arith.constant 0 : i32
      %dma_start3A_87 = tpu.memref_slice %arg2[%add3A_83, %dma_start3A_86] : memref<8192x2048xf32, #tpu.memory_space<hbm>> -> memref<1x2048xf32, #tpu.memory_space<hbm>>
      %dma_start3A_88 = tpu.memref_squeeze %dma_start3A_87 : memref<1x2048xf32, #tpu.memory_space<hbm>> -> memref<2048xf32, #tpu.memory_space<hbm>>
      %dma_start3A_89 = arith.constant 8192 : i32
      %dma_start3A_90 = tpu.memref_slice %arg4[%dma_start3A_89] : memref<32768xf32, #tpu.memory_space<vmem>> -> memref<2048xf32, #tpu.memory_space<vmem>>
      %dma_start3A_91 = arith.constant 0 : i32
      %dma_start3A_92 = tpu.memref_slice %arg2[%add3A_83, %dma_start3A_91] : memref<8192x2048xf32, #tpu.memory_space<hbm>> -> memref<1x2048xf32, #tpu.memory_space<hbm>>
      %dma_start3A_93 = tpu.memref_squeeze %dma_start3A_92 : memref<1x2048xf32, #tpu.memory_space<hbm>> -> memref<2048xf32, #tpu.memory_space<hbm>>
      tpu.enqueue_dma source(%dma_start3A_93 : memref<2048xf32, #tpu.memory_space<hbm>>) target(%dma_start3A_90 : memref<2048xf32, #tpu.memory_space<vmem>>) target_semaphore(%arg9 : memref<!tpu.dma_semaphore, #tpu.memory_space<semaphore_mem>>)
      %mul3A_94 = arith.constant 16 : i32
      %mul3A_95 = arith.muli %scan3A_18, %mul3A_94 : i32
      %add3A_96 = arith.addi %mul3A_8, %mul3A_95 : i32
      %add3A_97 = arith.constant 5 : i32
      %add3A_98 = arith.addi %add3A_96, %add3A_97 : i32
      %dma_start3A_99 = arith.constant 10240 : i32
      %dma_start3A_100 = tpu.memref_slice %arg4[%dma_start3A_99] : memref<32768xf32, #tpu.memory_space<vmem>> -> memref<2048xf32, #tpu.memory_space<vmem>>
      %dma_start3A_101 = arith.constant 0 : i32
      %dma_start3A_102 = tpu.memref_slice %arg2[%add3A_98, %dma_start3A_101] : memref<8192x2048xf32, #tpu.memory_space<hbm>> -> memref<1x2048xf32, #tpu.memory_space<hbm>>
      %dma_start3A_103 = tpu.memref_squeeze %dma_start3A_102 : memref<1x2048xf32, #tpu.memory_space<hbm>> -> memref<2048xf32, #tpu.memory_space<hbm>>
      %dma_start3A_104 = arith.constant 10240 : i32
      %dma_start3A_105 = tpu.memref_slice %arg4[%dma_start3A_104] : memref<32768xf32, #tpu.memory_space<vmem>> -> memref<2048xf32, #tpu.memory_space<vmem>>
      %dma_start3A_106 = arith.constant 0 : i32
      %dma_start3A_107 = tpu.memref_slice %arg2[%add3A_98, %dma_start3A_106] : memref<8192x2048xf32, #tpu.memory_space<hbm>> -> memref<1x2048xf32, #tpu.memory_space<hbm>>
      %dma_start3A_108 = tpu.memref_squeeze %dma_start3A_107 : memref<1x2048xf32, #tpu.memory_space<hbm>> -> memref<2048xf32, #tpu.memory_space<hbm>>
      tpu.enqueue_dma source(%dma_start3A_108 : memref<2048xf32, #tpu.memory_space<hbm>>) target(%dma_start3A_105 : memref<2048xf32, #tpu.memory_space<vmem>>) target_semaphore(%arg9 : memref<!tpu.dma_semaphore, #tpu.memory_space<semaphore_mem>>)
      %mul3A_109 = arith.constant 16 : i32
      %mul3A_110 = arith.muli %scan3A_18, %mul3A_109 : i32
      %add3A_111 = arith.addi %mul3A_8, %mul3A_110 : i32
      %add3A_112 = arith.constant 6 : i32
      %add3A_113 = arith.addi %add3A_111, %add3A_112 : i32
      %dma_start3A_114 = arith.constant 12288 : i32
      %dma_start3A_115 = tpu.memref_slice %arg4[%dma_start3A_114] : memref<32768xf32, #tpu.memory_space<vmem>> -> memref<2048xf32, #tpu.memory_space<vmem>>
      %dma_start3A_116 = arith.constant 0 : i32
      %dma_start3A_117 = tpu.memref_slice %arg2[%add3A_113, %dma_start3A_116] : memref<8192x2048xf32, #tpu.memory_space<hbm>> -> memref<1x2048xf32, #tpu.memory_space<hbm>>
      %dma_start3A_118 = tpu.memref_squeeze %dma_start3A_117 : memref<1x2048xf32, #tpu.memory_space<hbm>> -> memref<2048xf32, #tpu.memory_space<hbm>>
      %dma_start3A_119 = arith.constant 12288 : i32
      %dma_start3A_120 = tpu.memref_slice %arg4[%dma_start3A_119] : memref<32768xf32, #tpu.memory_space<vmem>> -> memref<2048xf32, #tpu.memory_space<vmem>>
      %dma_start3A_121 = arith.constant 0 : i32
      %dma_start3A_122 = tpu.memref_slice %arg2[%add3A_113, %dma_start3A_121] : memref<8192x2048xf32, #tpu.memory_space<hbm>> -> memref<1x2048xf32, #tpu.memory_space<hbm>>
      %dma_start3A_123 = tpu.memref_squeeze %dma_start3A_122 : memref<1x2048xf32, #tpu.memory_space<hbm>> -> memref<2048xf32, #tpu.memory_space<hbm>>
      tpu.enqueue_dma source(%dma_start3A_123 : memref<2048xf32, #tpu.memory_space<hbm>>) target(%dma_start3A_120 : memref<2048xf32, #tpu.memory_space<vmem>>) target_semaphore(%arg9 : memref<!tpu.dma_semaphore, #tpu.memory_space<semaphore_mem>>)
      %mul3A_124 = arith.constant 16 : i32
      %mul3A_125 = arith.muli %scan3A_18, %mul3A_124 : i32
      %add3A_126 = arith.addi %mul3A_8, %mul3A_125 : i32
      %add3A_127 = arith.constant 7 : i32
      %add3A_128 = arith.addi %add3A_126, %add3A_127 : i32
      %dma_start3A_129 = arith.constant 14336 : i32
      %dma_start3A_130 = tpu.memref_slice %arg4[%dma_start3A_129] : memref<32768xf32, #tpu.memory_space<vmem>> -> memref<2048xf32, #tpu.memory_space<vmem>>
      %dma_start3A_131 = arith.constant 0 : i32
      %dma_start3A_132 = tpu.memref_slice %arg2[%add3A_128, %dma_start3A_131] : memref<8192x2048xf32, #tpu.memory_space<hbm>> -> memref<1x2048xf32, #tpu.memory_space<hbm>>
      %dma_start3A_133 = tpu.memref_squeeze %dma_start3A_132 : memref<1x2048xf32, #tpu.memory_space<hbm>> -> memref<2048xf32, #tpu.memory_space<hbm>>
      %dma_start3A_134 = arith.constant 14336 : i32
      %dma_start3A_135 = tpu.memref_slice %arg4[%dma_start3A_134] : memref<32768xf32, #tpu.memory_space<vmem>> -> memref<2048xf32, #tpu.memory_space<vmem>>
      %dma_start3A_136 = arith.constant 0 : i32
      %dma_start3A_137 = tpu.memref_slice %arg2[%add3A_128, %dma_start3A_136] : memref<8192x2048xf32, #tpu.memory_space<hbm>> -> memref<1x2048xf32, #tpu.memory_space<hbm>>
      %dma_start3A_138 = tpu.memref_squeeze %dma_start3A_137 : memref<1x2048xf32, #tpu.memory_space<hbm>> -> memref<2048xf32, #tpu.memory_space<hbm>>
      tpu.enqueue_dma source(%dma_start3A_138 : memref<2048xf32, #tpu.memory_space<hbm>>) target(%dma_start3A_135 : memref<2048xf32, #tpu.memory_space<vmem>>) target_semaphore(%arg9 : memref<!tpu.dma_semaphore, #tpu.memory_space<semaphore_mem>>)
      %mul3A_139 = arith.constant 16 : i32
      %mul3A_140 = arith.muli %scan3A_18, %mul3A_139 : i32
      %add3A_141 = arith.addi %mul3A_8, %mul3A_140 : i32
      %add3A_142 = arith.constant 8 : i32
      %add3A_143 = arith.addi %add3A_141, %add3A_142 : i32
      %dma_start3A_144 = arith.constant 16384 : i32
      %dma_start3A_145 = tpu.memref_slice %arg4[%dma_start3A_144] : memref<32768xf32, #tpu.memory_space<vmem>> -> memref<2048xf32, #tpu.memory_space<vmem>>
      %dma_start3A_146 = arith.constant 0 : i32
      %dma_start3A_147 = tpu.memref_slice %arg2[%add3A_143, %dma_start3A_146] : memref<8192x2048xf32, #tpu.memory_space<hbm>> -> memref<1x2048xf32, #tpu.memory_space<hbm>>
      %dma_start3A_148 = tpu.memref_squeeze %dma_start3A_147 : memref<1x2048xf32, #tpu.memory_space<hbm>> -> memref<2048xf32, #tpu.memory_space<hbm>>
      %dma_start3A_149 = arith.constant 16384 : i32
      %dma_start3A_150 = tpu.memref_slice %arg4[%dma_start3A_149] : memref<32768xf32, #tpu.memory_space<vmem>> -> memref<2048xf32, #tpu.memory_space<vmem>>
      %dma_start3A_151 = arith.constant 0 : i32
      %dma_start3A_152 = tpu.memref_slice %arg2[%add3A_143, %dma_start3A_151] : memref<8192x2048xf32, #tpu.memory_space<hbm>> -> memref<1x2048xf32, #tpu.memory_space<hbm>>
      %dma_start3A_153 = tpu.memref_squeeze %dma_start3A_152 : memref<1x2048xf32, #tpu.memory_space<hbm>> -> memref<2048xf32, #tpu.memory_space<hbm>>
      tpu.enqueue_dma source(%dma_start3A_153 : memref<2048xf32, #tpu.memory_space<hbm>>) target(%dma_start3A_150 : memref<2048xf32, #tpu.memory_space<vmem>>) target_semaphore(%arg9 : memref<!tpu.dma_semaphore, #tpu.memory_space<semaphore_mem>>)
      %mul3A_154 = arith.constant 16 : i32
      %mul3A_155 = arith.muli %scan3A_18, %mul3A_154 : i32
      %add3A_156 = arith.addi %mul3A_8, %mul3A_155 : i32
      %add3A_157 = arith.constant 9 : i32
      %add3A_158 = arith.addi %add3A_156, %add3A_157 : i32
      %dma_start3A_159 = arith.constant 18432 : i32
      %dma_start3A_160 = tpu.memref_slice %arg4[%dma_start3A_159] : memref<32768xf32, #tpu.memory_space<vmem>> -> memref<2048xf32, #tpu.memory_space<vmem>>
      %dma_start3A_161 = arith.constant 0 : i32
      %dma_start3A_162 = tpu.memref_slice %arg2[%add3A_158, %dma_start3A_161] : memref<8192x2048xf32, #tpu.memory_space<hbm>> -> memref<1x2048xf32, #tpu.memory_space<hbm>>
      %dma_start3A_163 = tpu.memref_squeeze %dma_start3A_162 : memref<1x2048xf32, #tpu.memory_space<hbm>> -> memref<2048xf32, #tpu.memory_space<hbm>>
      %dma_start3A_164 = arith.constant 18432 : i32
      %dma_start3A_165 = tpu.memref_slice %arg4[%dma_start3A_164] : memref<32768xf32, #tpu.memory_space<vmem>> -> memref<2048xf32, #tpu.memory_space<vmem>>
      %dma_start3A_166 = arith.constant 0 : i32
      %dma_start3A_167 = tpu.memref_slice %arg2[%add3A_158, %dma_start3A_166] : memref<8192x2048xf32, #tpu.memory_space<hbm>> -> memref<1x2048xf32, #tpu.memory_space<hbm>>
      %dma_start3A_168 = tpu.memref_squeeze %dma_start3A_167 : memref<1x2048xf32, #tpu.memory_space<hbm>> -> memref<2048xf32, #tpu.memory_space<hbm>>
      tpu.enqueue_dma source(%dma_start3A_168 : memref<2048xf32, #tpu.memory_space<hbm>>) target(%dma_start3A_165 : memref<2048xf32, #tpu.memory_space<vmem>>) target_semaphore(%arg9 : memref<!tpu.dma_semaphore, #tpu.memory_space<semaphore_mem>>)
      %mul3A_169 = arith.constant 16 : i32
      %mul3A_170 = arith.muli %scan3A_18, %mul3A_169 : i32
      %add3A_171 = arith.addi %mul3A_8, %mul3A_170 : i32
      %add3A_172 = arith.constant 10 : i32
      %add3A_173 = arith.addi %add3A_171, %add3A_172 : i32
      %dma_start3A_174 = arith.constant 20480 : i32
      %dma_start3A_175 = tpu.memref_slice %arg4[%dma_start3A_174] : memref<32768xf32, #tpu.memory_space<vmem>> -> memref<2048xf32, #tpu.memory_space<vmem>>
      %dma_start3A_176 = arith.constant 0 : i32
      %dma_start3A_177 = tpu.memref_slice %arg2[%add3A_173, %dma_start3A_176] : memref<8192x2048xf32, #tpu.memory_space<hbm>> -> memref<1x2048xf32, #tpu.memory_space<hbm>>
      %dma_start3A_178 = tpu.memref_squeeze %dma_start3A_177 : memref<1x2048xf32, #tpu.memory_space<hbm>> -> memref<2048xf32, #tpu.memory_space<hbm>>
      %dma_start3A_179 = arith.constant 20480 : i32
      %dma_start3A_180 = tpu.memref_slice %arg4[%dma_start3A_179] : memref<32768xf32, #tpu.memory_space<vmem>> -> memref<2048xf32, #tpu.memory_space<vmem>>
      %dma_start3A_181 = arith.constant 0 : i32
      %dma_start3A_182 = tpu.memref_slice %arg2[%add3A_173, %dma_start3A_181] : memref<8192x2048xf32, #tpu.memory_space<hbm>> -> memref<1x2048xf32, #tpu.memory_space<hbm>>
      %dma_start3A_183 = tpu.memref_squeeze %dma_start3A_182 : memref<1x2048xf32, #tpu.memory_space<hbm>> -> memref<2048xf32, #tpu.memory_space<hbm>>
      tpu.enqueue_dma source(%dma_start3A_183 : memref<2048xf32, #tpu.memory_space<hbm>>) target(%dma_start3A_180 : memref<2048xf32, #tpu.memory_space<vmem>>) target_semaphore(%arg9 : memref<!tpu.dma_semaphore, #tpu.memory_space<semaphore_mem>>)
      %mul3A_184 = arith.constant 16 : i32
      %mul3A_185 = arith.muli %scan3A_18, %mul3A_184 : i32
      %add3A_186 = arith.addi %mul3A_8, %mul3A_185 : i32
      %add3A_187 = arith.constant 11 : i32
      %add3A_188 = arith.addi %add3A_186, %add3A_187 : i32
      %dma_start3A_189 = arith.constant 22528 : i32
      %dma_start3A_190 = tpu.memref_slice %arg4[%dma_start3A_189] : memref<32768xf32, #tpu.memory_space<vmem>> -> memref<2048xf32, #tpu.memory_space<vmem>>
      %dma_start3A_191 = arith.constant 0 : i32
      %dma_start3A_192 = tpu.memref_slice %arg2[%add3A_188, %dma_start3A_191] : memref<8192x2048xf32, #tpu.memory_space<hbm>> -> memref<1x2048xf32, #tpu.memory_space<hbm>>
      %dma_start3A_193 = tpu.memref_squeeze %dma_start3A_192 : memref<1x2048xf32, #tpu.memory_space<hbm>> -> memref<2048xf32, #tpu.memory_space<hbm>>
      %dma_start3A_194 = arith.constant 22528 : i32
      %dma_start3A_195 = tpu.memref_slice %arg4[%dma_start3A_194] : memref<32768xf32, #tpu.memory_space<vmem>> -> memref<2048xf32, #tpu.memory_space<vmem>>
      %dma_start3A_196 = arith.constant 0 : i32
      %dma_start3A_197 = tpu.memref_slice %arg2[%add3A_188, %dma_start3A_196] : memref<8192x2048xf32, #tpu.memory_space<hbm>> -> memref<1x2048xf32, #tpu.memory_space<hbm>>
      %dma_start3A_198 = tpu.memref_squeeze %dma_start3A_197 : memref<1x2048xf32, #tpu.memory_space<hbm>> -> memref<2048xf32, #tpu.memory_space<hbm>>
      tpu.enqueue_dma source(%dma_start3A_198 : memref<2048xf32, #tpu.memory_space<hbm>>) target(%dma_start3A_195 : memref<2048xf32, #tpu.memory_space<vmem>>) target_semaphore(%arg9 : memref<!tpu.dma_semaphore, #tpu.memory_space<semaphore_mem>>)
      %mul3A_199 = arith.constant 16 : i32
      %mul3A_200 = arith.muli %scan3A_18, %mul3A_199 : i32
      %add3A_201 = arith.addi %mul3A_8, %mul3A_200 : i32
      %add3A_202 = arith.constant 12 : i32
      %add3A_203 = arith.addi %add3A_201, %add3A_202 : i32
      %dma_start3A_204 = arith.constant 24576 : i32
      %dma_start3A_205 = tpu.memref_slice %arg4[%dma_start3A_204] : memref<32768xf32, #tpu.memory_space<vmem>> -> memref<2048xf32, #tpu.memory_space<vmem>>
      %dma_start3A_206 = arith.constant 0 : i32
      %dma_start3A_207 = tpu.memref_slice %arg2[%add3A_203, %dma_start3A_206] : memref<8192x2048xf32, #tpu.memory_space<hbm>> -> memref<1x2048xf32, #tpu.memory_space<hbm>>
      %dma_start3A_208 = tpu.memref_squeeze %dma_start3A_207 : memref<1x2048xf32, #tpu.memory_space<hbm>> -> memref<2048xf32, #tpu.memory_space<hbm>>
      %dma_start3A_209 = arith.constant 24576 : i32
      %dma_start3A_210 = tpu.memref_slice %arg4[%dma_start3A_209] : memref<32768xf32, #tpu.memory_space<vmem>> -> memref<2048xf32, #tpu.memory_space<vmem>>
      %dma_start3A_211 = arith.constant 0 : i32
      %dma_start3A_212 = tpu.memref_slice %arg2[%add3A_203, %dma_start3A_211] : memref<8192x2048xf32, #tpu.memory_space<hbm>> -> memref<1x2048xf32, #tpu.memory_space<hbm>>
      %dma_start3A_213 = tpu.memref_squeeze %dma_start3A_212 : memref<1x2048xf32, #tpu.memory_space<hbm>> -> memref<2048xf32, #tpu.memory_space<hbm>>
      tpu.enqueue_dma source(%dma_start3A_213 : memref<2048xf32, #tpu.memory_space<hbm>>) target(%dma_start3A_210 : memref<2048xf32, #tpu.memory_space<vmem>>) target_semaphore(%arg9 : memref<!tpu.dma_semaphore, #tpu.memory_space<semaphore_mem>>)
      %mul3A_214 = arith.constant 16 : i32
      %mul3A_215 = arith.muli %scan3A_18, %mul3A_214 : i32
      %add3A_216 = arith.addi %mul3A_8, %mul3A_215 : i32
      %add3A_217 = arith.constant 13 : i32
      %add3A_218 = arith.addi %add3A_216, %add3A_217 : i32
      %dma_start3A_219 = arith.constant 26624 : i32
      %dma_start3A_220 = tpu.memref_slice %arg4[%dma_start3A_219] : memref<32768xf32, #tpu.memory_space<vmem>> -> memref<2048xf32, #tpu.memory_space<vmem>>
      %dma_start3A_221 = arith.constant 0 : i32
      %dma_start3A_222 = tpu.memref_slice %arg2[%add3A_218, %dma_start3A_221] : memref<8192x2048xf32, #tpu.memory_space<hbm>> -> memref<1x2048xf32, #tpu.memory_space<hbm>>
      %dma_start3A_223 = tpu.memref_squeeze %dma_start3A_222 : memref<1x2048xf32, #tpu.memory_space<hbm>> -> memref<2048xf32, #tpu.memory_space<hbm>>
      %dma_start3A_224 = arith.constant 26624 : i32
      %dma_start3A_225 = tpu.memref_slice %arg4[%dma_start3A_224] : memref<32768xf32, #tpu.memory_space<vmem>> -> memref<2048xf32, #tpu.memory_space<vmem>>
      %dma_start3A_226 = arith.constant 0 : i32
      %dma_start3A_227 = tpu.memref_slice %arg2[%add3A_218, %dma_start3A_226] : memref<8192x2048xf32, #tpu.memory_space<hbm>> -> memref<1x2048xf32, #tpu.memory_space<hbm>>
      %dma_start3A_228 = tpu.memref_squeeze %dma_start3A_227 : memref<1x2048xf32, #tpu.memory_space<hbm>> -> memref<2048xf32, #tpu.memory_space<hbm>>
      tpu.enqueue_dma source(%dma_start3A_228 : memref<2048xf32, #tpu.memory_space<hbm>>) target(%dma_start3A_225 : memref<2048xf32, #tpu.memory_space<vmem>>) target_semaphore(%arg9 : memref<!tpu.dma_semaphore, #tpu.memory_space<semaphore_mem>>)
      %mul3A_229 = arith.constant 16 : i32
      %mul3A_230 = arith.muli %scan3A_18, %mul3A_229 : i32
      %add3A_231 = arith.addi %mul3A_8, %mul3A_230 : i32
      %add3A_232 = arith.constant 14 : i32
      %add3A_233 = arith.addi %add3A_231, %add3A_232 : i32
      %dma_start3A_234 = arith.constant 28672 : i32
      %dma_start3A_235 = tpu.memref_slice %arg4[%dma_start3A_234] : memref<32768xf32, #tpu.memory_space<vmem>> -> memref<2048xf32, #tpu.memory_space<vmem>>
      %dma_start3A_236 = arith.constant 0 : i32
      %dma_start3A_237 = tpu.memref_slice %arg2[%add3A_233, %dma_start3A_236] : memref<8192x2048xf32, #tpu.memory_space<hbm>> -> memref<1x2048xf32, #tpu.memory_space<hbm>>
      %dma_start3A_238 = tpu.memref_squeeze %dma_start3A_237 : memref<1x2048xf32, #tpu.memory_space<hbm>> -> memref<2048xf32, #tpu.memory_space<hbm>>
      %dma_start3A_239 = arith.constant 28672 : i32
      %dma_start3A_240 = tpu.memref_slice %arg4[%dma_start3A_239] : memref<32768xf32, #tpu.memory_space<vmem>> -> memref<2048xf32, #tpu.memory_space<vmem>>
      %dma_start3A_241 = arith.constant 0 : i32
      %dma_start3A_242 = tpu.memref_slice %arg2[%add3A_233, %dma_start3A_241] : memref<8192x2048xf32, #tpu.memory_space<hbm>> -> memref<1x2048xf32, #tpu.memory_space<hbm>>
      %dma_start3A_243 = tpu.memref_squeeze %dma_start3A_242 : memref<1x2048xf32, #tpu.memory_space<hbm>> -> memref<2048xf32, #tpu.memory_space<hbm>>
      tpu.enqueue_dma source(%dma_start3A_243 : memref<2048xf32, #tpu.memory_space<hbm>>) target(%dma_start3A_240 : memref<2048xf32, #tpu.memory_space<vmem>>) target_semaphore(%arg9 : memref<!tpu.dma_semaphore, #tpu.memory_space<semaphore_mem>>)
      %mul3A_244 = arith.constant 16 : i32
      %mul3A_245 = arith.muli %scan3A_18, %mul3A_244 : i32
      %add3A_246 = arith.addi %mul3A_8, %mul3A_245 : i32
      %add3A_247 = arith.constant 15 : i32
      %add3A_248 = arith.addi %add3A_246, %add3A_247 : i32
      %dma_start3A_249 = arith.constant 30720 : i32
      %dma_start3A_250 = tpu.memref_slice %arg4[%dma_start3A_249] : memref<32768xf32, #tpu.memory_space<vmem>> -> memref<2048xf32, #tpu.memory_space<vmem>>
      %dma_start3A_251 = arith.constant 0 : i32
      %dma_start3A_252 = tpu.memref_slice %arg2[%add3A_248, %dma_start3A_251] : memref<8192x2048xf32, #tpu.memory_space<hbm>> -> memref<1x2048xf32, #tpu.memory_space<hbm>>
      %dma_start3A_253 = tpu.memref_squeeze %dma_start3A_252 : memref<1x2048xf32, #tpu.memory_space<hbm>> -> memref<2048xf32, #tpu.memory_space<hbm>>
      %dma_start3A_254 = arith.constant 30720 : i32
      %dma_start3A_255 = tpu.memref_slice %arg4[%dma_start3A_254] : memref<32768xf32, #tpu.memory_space<vmem>> -> memref<2048xf32, #tpu.memory_space<vmem>>
      %dma_start3A_256 = arith.constant 0 : i32
      %dma_start3A_257 = tpu.memref_slice %arg2[%add3A_248, %dma_start3A_256] : memref<8192x2048xf32, #tpu.memory_space<hbm>> -> memref<1x2048xf32, #tpu.memory_space<hbm>>
      %dma_start3A_258 = tpu.memref_squeeze %dma_start3A_257 : memref<1x2048xf32, #tpu.memory_space<hbm>> -> memref<2048xf32, #tpu.memory_space<hbm>>
      tpu.enqueue_dma source(%dma_start3A_258 : memref<2048xf32, #tpu.memory_space<hbm>>) target(%dma_start3A_255 : memref<2048xf32, #tpu.memory_space<vmem>>) target_semaphore(%arg9 : memref<!tpu.dma_semaphore, #tpu.memory_space<semaphore_mem>>)
      %dma_wait3A = arith.constant 0 : i32
      %dma_wait3A_259 = tpu.memref_slice %arg4[%dma_wait3A] : memref<32768xf32, #tpu.memory_space<vmem>> -> memref<2048xf32, #tpu.memory_space<vmem>>
      %dma_wait3A_260 = arith.constant 0 : i32
      %dma_wait3A_261 = tpu.memref_slice %arg2[%add3A_24, %dma_wait3A_260] : memref<8192x2048xf32, #tpu.memory_space<hbm>> -> memref<1x2048xf32, #tpu.memory_space<hbm>>
      %dma_wait3A_262 = tpu.memref_squeeze %dma_wait3A_261 : memref<1x2048xf32, #tpu.memory_space<hbm>> -> memref<2048xf32, #tpu.memory_space<hbm>>
      %dma_wait3A_263 = arith.constant 0 : i32
      %dma_wait3A_264 = tpu.memref_slice %arg4[%dma_wait3A_263] : memref<32768xf32, #tpu.memory_space<vmem>> -> memref<2048xf32, #tpu.memory_space<vmem>>
      %dma_wait3A_265 = arith.constant 0 : i32
      %dma_wait3A_266 = tpu.memref_slice %arg2[%add3A_24, %dma_wait3A_265] : memref<8192x2048xf32, #tpu.memory_space<hbm>> -> memref<1x2048xf32, #tpu.memory_space<hbm>>
      %dma_wait3A_267 = tpu.memref_squeeze %dma_wait3A_266 : memref<1x2048xf32, #tpu.memory_space<hbm>> -> memref<2048xf32, #tpu.memory_space<hbm>>
      tpu.wait_dma2 semaphore(%arg9 : memref<!tpu.dma_semaphore, #tpu.memory_space<semaphore_mem>>) src(%dma_wait3A_267 : memref<2048xf32, #tpu.memory_space<hbm>>) dst(%dma_wait3A_264 : memref<2048xf32, #tpu.memory_space<vmem>>)
      %dma_wait3A_268 = arith.constant 2048 : i32
      %dma_wait3A_269 = tpu.memref_slice %arg4[%dma_wait3A_268] : memref<32768xf32, #tpu.memory_space<vmem>> -> memref<2048xf32, #tpu.memory_space<vmem>>
      %dma_wait3A_270 = arith.constant 0 : i32
      %dma_wait3A_271 = tpu.memref_slice %arg2[%add3A_38, %dma_wait3A_270] : memref<8192x2048xf32, #tpu.memory_space<hbm>> -> memref<1x2048xf32, #tpu.memory_space<hbm>>
      %dma_wait3A_272 = tpu.memref_squeeze %dma_wait3A_271 : memref<1x2048xf32, #tpu.memory_space<hbm>> -> memref<2048xf32, #tpu.memory_space<hbm>>
      %dma_wait3A_273 = arith.constant 2048 : i32
      %dma_wait3A_274 = tpu.memref_slice %arg4[%dma_wait3A_273] : memref<32768xf32, #tpu.memory_space<vmem>> -> memref<2048xf32, #tpu.memory_space<vmem>>
      %dma_wait3A_275 = arith.constant 0 : i32
      %dma_wait3A_276 = tpu.memref_slice %arg2[%add3A_38, %dma_wait3A_275] : memref<8192x2048xf32, #tpu.memory_space<hbm>> -> memref<1x2048xf32, #tpu.memory_space<hbm>>
      %dma_wait3A_277 = tpu.memref_squeeze %dma_wait3A_276 : memref<1x2048xf32, #tpu.memory_space<hbm>> -> memref<2048xf32, #tpu.memory_space<hbm>>
      tpu.wait_dma2 semaphore(%arg9 : memref<!tpu.dma_semaphore, #tpu.memory_space<semaphore_mem>>) src(%dma_wait3A_277 : memref<2048xf32, #tpu.memory_space<hbm>>) dst(%dma_wait3A_274 : memref<2048xf32, #tpu.memory_space<vmem>>)
      %dma_wait3A_278 = arith.constant 4096 : i32
      %dma_wait3A_279 = tpu.memref_slice %arg4[%dma_wait3A_278] : memref<32768xf32, #tpu.memory_space<vmem>> -> memref<2048xf32, #tpu.memory_space<vmem>>
      %dma_wait3A_280 = arith.constant 0 : i32
      %dma_wait3A_281 = tpu.memref_slice %arg2[%add3A_53, %dma_wait3A_280] : memref<8192x2048xf32, #tpu.memory_space<hbm>> -> memref<1x2048xf32, #tpu.memory_space<hbm>>
      %dma_wait3A_282 = tpu.memref_squeeze %dma_wait3A_281 : memref<1x2048xf32, #tpu.memory_space<hbm>> -> memref<2048xf32, #tpu.memory_space<hbm>>
      %dma_wait3A_283 = arith.constant 4096 : i32
      %dma_wait3A_284 = tpu.memref_slice %arg4[%dma_wait3A_283] : memref<32768xf32, #tpu.memory_space<vmem>> -> memref<2048xf32, #tpu.memory_space<vmem>>
      %dma_wait3A_285 = arith.constant 0 : i32
      %dma_wait3A_286 = tpu.memref_slice %arg2[%add3A_53, %dma_wait3A_285] : memref<8192x2048xf32, #tpu.memory_space<hbm>> -> memref<1x2048xf32, #tpu.memory_space<hbm>>
      %dma_wait3A_287 = tpu.memref_squeeze %dma_wait3A_286 : memref<1x2048xf32, #tpu.memory_space<hbm>> -> memref<2048xf32, #tpu.memory_space<hbm>>
      tpu.wait_dma2 semaphore(%arg9 : memref<!tpu.dma_semaphore, #tpu.memory_space<semaphore_mem>>) src(%dma_wait3A_287 : memref<2048xf32, #tpu.memory_space<hbm>>) dst(%dma_wait3A_284 : memref<2048xf32, #tpu.memory_space<vmem>>)
      %dma_wait3A_288 = arith.constant 6144 : i32
      %dma_wait3A_289 = tpu.memref_slice %arg4[%dma_wait3A_288] : memref<32768xf32, #tpu.memory_space<vmem>> -> memref<2048xf32, #tpu.memory_space<vmem>>
      %dma_wait3A_290 = arith.constant 0 : i32
      %dma_wait3A_291 = tpu.memref_slice %arg2[%add3A_68, %dma_wait3A_290] : memref<8192x2048xf32, #tpu.memory_space<hbm>> -> memref<1x2048xf32, #tpu.memory_space<hbm>>
      %dma_wait3A_292 = tpu.memref_squeeze %dma_wait3A_291 : memref<1x2048xf32, #tpu.memory_space<hbm>> -> memref<2048xf32, #tpu.memory_space<hbm>>
      %dma_wait3A_293 = arith.constant 6144 : i32
      %dma_wait3A_294 = tpu.memref_slice %arg4[%dma_wait3A_293] : memref<32768xf32, #tpu.memory_space<vmem>> -> memref<2048xf32, #tpu.memory_space<vmem>>
      %dma_wait3A_295 = arith.constant 0 : i32
      %dma_wait3A_296 = tpu.memref_slice %arg2[%add3A_68, %dma_wait3A_295] : memref<8192x2048xf32, #tpu.memory_space<hbm>> -> memref<1x2048xf32, #tpu.memory_space<hbm>>
      %dma_wait3A_297 = tpu.memref_squeeze %dma_wait3A_296 : memref<1x2048xf32, #tpu.memory_space<hbm>> -> memref<2048xf32, #tpu.memory_space<hbm>>
      tpu.wait_dma2 semaphore(%arg9 : memref<!tpu.dma_semaphore, #tpu.memory_space<semaphore_mem>>) src(%dma_wait3A_297 : memref<2048xf32, #tpu.memory_space<hbm>>) dst(%dma_wait3A_294 : memref<2048xf32, #tpu.memory_space<vmem>>)
      %dma_wait3A_298 = arith.constant 8192 : i32
      %dma_wait3A_299 = tpu.memref_slice %arg4[%dma_wait3A_298] : memref<32768xf32, #tpu.memory_space<vmem>> -> memref<2048xf32, #tpu.memory_space<vmem>>
      %dma_wait3A_300 = arith.constant 0 : i32
      %dma_wait3A_301 = tpu.memref_slice %arg2[%add3A_83, %dma_wait3A_300] : memref<8192x2048xf32, #tpu.memory_space<hbm>> -> memref<1x2048xf32, #tpu.memory_space<hbm>>
      %dma_wait3A_302 = tpu.memref_squeeze %dma_wait3A_301 : memref<1x2048xf32, #tpu.memory_space<hbm>> -> memref<2048xf32, #tpu.memory_space<hbm>>
      %dma_wait3A_303 = arith.constant 8192 : i32
      %dma_wait3A_304 = tpu.memref_slice %arg4[%dma_wait3A_303] : memref<32768xf32, #tpu.memory_space<vmem>> -> memref<2048xf32, #tpu.memory_space<vmem>>
      %dma_wait3A_305 = arith.constant 0 : i32
      %dma_wait3A_306 = tpu.memref_slice %arg2[%add3A_83, %dma_wait3A_305] : memref<8192x2048xf32, #tpu.memory_space<hbm>> -> memref<1x2048xf32, #tpu.memory_space<hbm>>
      %dma_wait3A_307 = tpu.memref_squeeze %dma_wait3A_306 : memref<1x2048xf32, #tpu.memory_space<hbm>> -> memref<2048xf32, #tpu.memory_space<hbm>>
      tpu.wait_dma2 semaphore(%arg9 : memref<!tpu.dma_semaphore, #tpu.memory_space<semaphore_mem>>) src(%dma_wait3A_307 : memref<2048xf32, #tpu.memory_space<hbm>>) dst(%dma_wait3A_304 : memref<2048xf32, #tpu.memory_space<vmem>>)
      %dma_wait3A_308 = arith.constant 10240 : i32
      %dma_wait3A_309 = tpu.memref_slice %arg4[%dma_wait3A_308] : memref<32768xf32, #tpu.memory_space<vmem>> -> memref<2048xf32, #tpu.memory_space<vmem>>
      %dma_wait3A_310 = arith.constant 0 : i32
      %dma_wait3A_311 = tpu.memref_slice %arg2[%add3A_98, %dma_wait3A_310] : memref<8192x2048xf32, #tpu.memory_space<hbm>> -> memref<1x2048xf32, #tpu.memory_space<hbm>>
      %dma_wait3A_312 = tpu.memref_squeeze %dma_wait3A_311 : memref<1x2048xf32, #tpu.memory_space<hbm>> -> memref<2048xf32, #tpu.memory_space<hbm>>
      %dma_wait3A_313 = arith.constant 10240 : i32
      %dma_wait3A_314 = tpu.memref_slice %arg4[%dma_wait3A_313] : memref<32768xf32, #tpu.memory_space<vmem>> -> memref<2048xf32, #tpu.memory_space<vmem>>
      %dma_wait3A_315 = arith.constant 0 : i32
      %dma_wait3A_316 = tpu.memref_slice %arg2[%add3A_98, %dma_wait3A_315] : memref<8192x2048xf32, #tpu.memory_space<hbm>> -> memref<1x2048xf32, #tpu.memory_space<hbm>>
      %dma_wait3A_317 = tpu.memref_squeeze %dma_wait3A_316 : memref<1x2048xf32, #tpu.memory_space<hbm>> -> memref<2048xf32, #tpu.memory_space<hbm>>
      tpu.wait_dma2 semaphore(%arg9 : memref<!tpu.dma_semaphore, #tpu.memory_space<semaphore_mem>>) src(%dma_wait3A_317 : memref<2048xf32, #tpu.memory_space<hbm>>) dst(%dma_wait3A_314 : memref<2048xf32, #tpu.memory_space<vmem>>)
      %dma_wait3A_318 = arith.constant 12288 : i32
      %dma_wait3A_319 = tpu.memref_slice %arg4[%dma_wait3A_318] : memref<32768xf32, #tpu.memory_space<vmem>> -> memref<2048xf32, #tpu.memory_space<vmem>>
      %dma_wait3A_320 = arith.constant 0 : i32
      %dma_wait3A_321 = tpu.memref_slice %arg2[%add3A_113, %dma_wait3A_320] : memref<8192x2048xf32, #tpu.memory_space<hbm>> -> memref<1x2048xf32, #tpu.memory_space<hbm>>
      %dma_wait3A_322 = tpu.memref_squeeze %dma_wait3A_321 : memref<1x2048xf32, #tpu.memory_space<hbm>> -> memref<2048xf32, #tpu.memory_space<hbm>>
      %dma_wait3A_323 = arith.constant 12288 : i32
      %dma_wait3A_324 = tpu.memref_slice %arg4[%dma_wait3A_323] : memref<32768xf32, #tpu.memory_space<vmem>> -> memref<2048xf32, #tpu.memory_space<vmem>>
      %dma_wait3A_325 = arith.constant 0 : i32
      %dma_wait3A_326 = tpu.memref_slice %arg2[%add3A_113, %dma_wait3A_325] : memref<8192x2048xf32, #tpu.memory_space<hbm>> -> memref<1x2048xf32, #tpu.memory_space<hbm>>
      %dma_wait3A_327 = tpu.memref_squeeze %dma_wait3A_326 : memref<1x2048xf32, #tpu.memory_space<hbm>> -> memref<2048xf32, #tpu.memory_space<hbm>>
      tpu.wait_dma2 semaphore(%arg9 : memref<!tpu.dma_semaphore, #tpu.memory_space<semaphore_mem>>) src(%dma_wait3A_327 : memref<2048xf32, #tpu.memory_space<hbm>>) dst(%dma_wait3A_324 : memref<2048xf32, #tpu.memory_space<vmem>>)
      %dma_wait3A_328 = arith.constant 14336 : i32
      %dma_wait3A_329 = tpu.memref_slice %arg4[%dma_wait3A_328] : memref<32768xf32, #tpu.memory_space<vmem>> -> memref<2048xf32, #tpu.memory_space<vmem>>
      %dma_wait3A_330 = arith.constant 0 : i32
      %dma_wait3A_331 = tpu.memref_slice %arg2[%add3A_128, %dma_wait3A_330] : memref<8192x2048xf32, #tpu.memory_space<hbm>> -> memref<1x2048xf32, #tpu.memory_space<hbm>>
      %dma_wait3A_332 = tpu.memref_squeeze %dma_wait3A_331 : memref<1x2048xf32, #tpu.memory_space<hbm>> -> memref<2048xf32, #tpu.memory_space<hbm>>
      %dma_wait3A_333 = arith.constant 14336 : i32
      %dma_wait3A_334 = tpu.memref_slice %arg4[%dma_wait3A_333] : memref<32768xf32, #tpu.memory_space<vmem>> -> memref<2048xf32, #tpu.memory_space<vmem>>
      %dma_wait3A_335 = arith.constant 0 : i32
      %dma_wait3A_336 = tpu.memref_slice %arg2[%add3A_128, %dma_wait3A_335] : memref<8192x2048xf32, #tpu.memory_space<hbm>> -> memref<1x2048xf32, #tpu.memory_space<hbm>>
      %dma_wait3A_337 = tpu.memref_squeeze %dma_wait3A_336 : memref<1x2048xf32, #tpu.memory_space<hbm>> -> memref<2048xf32, #tpu.memory_space<hbm>>
      tpu.wait_dma2 semaphore(%arg9 : memref<!tpu.dma_semaphore, #tpu.memory_space<semaphore_mem>>) src(%dma_wait3A_337 : memref<2048xf32, #tpu.memory_space<hbm>>) dst(%dma_wait3A_334 : memref<2048xf32, #tpu.memory_space<vmem>>)
      %dma_wait3A_338 = arith.constant 16384 : i32
      %dma_wait3A_339 = tpu.memref_slice %arg4[%dma_wait3A_338] : memref<32768xf32, #tpu.memory_space<vmem>> -> memref<2048xf32, #tpu.memory_space<vmem>>
      %dma_wait3A_340 = arith.constant 0 : i32
      %dma_wait3A_341 = tpu.memref_slice %arg2[%add3A_143, %dma_wait3A_340] : memref<8192x2048xf32, #tpu.memory_space<hbm>> -> memref<1x2048xf32, #tpu.memory_space<hbm>>
      %dma_wait3A_342 = tpu.memref_squeeze %dma_wait3A_341 : memref<1x2048xf32, #tpu.memory_space<hbm>> -> memref<2048xf32, #tpu.memory_space<hbm>>
      %dma_wait3A_343 = arith.constant 16384 : i32
      %dma_wait3A_344 = tpu.memref_slice %arg4[%dma_wait3A_343] : memref<32768xf32, #tpu.memory_space<vmem>> -> memref<2048xf32, #tpu.memory_space<vmem>>
      %dma_wait3A_345 = arith.constant 0 : i32
      %dma_wait3A_346 = tpu.memref_slice %arg2[%add3A_143, %dma_wait3A_345] : memref<8192x2048xf32, #tpu.memory_space<hbm>> -> memref<1x2048xf32, #tpu.memory_space<hbm>>
      %dma_wait3A_347 = tpu.memref_squeeze %dma_wait3A_346 : memref<1x2048xf32, #tpu.memory_space<hbm>> -> memref<2048xf32, #tpu.memory_space<hbm>>
      tpu.wait_dma2 semaphore(%arg9 : memref<!tpu.dma_semaphore, #tpu.memory_space<semaphore_mem>>) src(%dma_wait3A_347 : memref<2048xf32, #tpu.memory_space<hbm>>) dst(%dma_wait3A_344 : memref<2048xf32, #tpu.memory_space<vmem>>)
      %dma_wait3A_348 = arith.constant 18432 : i32
      %dma_wait3A_349 = tpu.memref_slice %arg4[%dma_wait3A_348] : memref<32768xf32, #tpu.memory_space<vmem>> -> memref<2048xf32, #tpu.memory_space<vmem>>
      %dma_wait3A_350 = arith.constant 0 : i32
      %dma_wait3A_351 = tpu.memref_slice %arg2[%add3A_158, %dma_wait3A_350] : memref<8192x2048xf32, #tpu.memory_space<hbm>> -> memref<1x2048xf32, #tpu.memory_space<hbm>>
      %dma_wait3A_352 = tpu.memref_squeeze %dma_wait3A_351 : memref<1x2048xf32, #tpu.memory_space<hbm>> -> memref<2048xf32, #tpu.memory_space<hbm>>
      %dma_wait3A_353 = arith.constant 18432 : i32
      %dma_wait3A_354 = tpu.memref_slice %arg4[%dma_wait3A_353] : memref<32768xf32, #tpu.memory_space<vmem>> -> memref<2048xf32, #tpu.memory_space<vmem>>
      %dma_wait3A_355 = arith.constant 0 : i32
      %dma_wait3A_356 = tpu.memref_slice %arg2[%add3A_158, %dma_wait3A_355] : memref<8192x2048xf32, #tpu.memory_space<hbm>> -> memref<1x2048xf32, #tpu.memory_space<hbm>>
      %dma_wait3A_357 = tpu.memref_squeeze %dma_wait3A_356 : memref<1x2048xf32, #tpu.memory_space<hbm>> -> memref<2048xf32, #tpu.memory_space<hbm>>
      tpu.wait_dma2 semaphore(%arg9 : memref<!tpu.dma_semaphore, #tpu.memory_space<semaphore_mem>>) src(%dma_wait3A_357 : memref<2048xf32, #tpu.memory_space<hbm>>) dst(%dma_wait3A_354 : memref<2048xf32, #tpu.memory_space<vmem>>)
      %dma_wait3A_358 = arith.constant 20480 : i32
      %dma_wait3A_359 = tpu.memref_slice %arg4[%dma_wait3A_358] : memref<32768xf32, #tpu.memory_space<vmem>> -> memref<2048xf32, #tpu.memory_space<vmem>>
      %dma_wait3A_360 = arith.constant 0 : i32
      %dma_wait3A_361 = tpu.memref_slice %arg2[%add3A_173, %dma_wait3A_360] : memref<8192x2048xf32, #tpu.memory_space<hbm>> -> memref<1x2048xf32, #tpu.memory_space<hbm>>
      %dma_wait3A_362 = tpu.memref_squeeze %dma_wait3A_361 : memref<1x2048xf32, #tpu.memory_space<hbm>> -> memref<2048xf32, #tpu.memory_space<hbm>>
      %dma_wait3A_363 = arith.constant 20480 : i32
      %dma_wait3A_364 = tpu.memref_slice %arg4[%dma_wait3A_363] : memref<32768xf32, #tpu.memory_space<vmem>> -> memref<2048xf32, #tpu.memory_space<vmem>>
      %dma_wait3A_365 = arith.constant 0 : i32
      %dma_wait3A_366 = tpu.memref_slice %arg2[%add3A_173, %dma_wait3A_365] : memref<8192x2048xf32, #tpu.memory_space<hbm>> -> memref<1x2048xf32, #tpu.memory_space<hbm>>
      %dma_wait3A_367 = tpu.memref_squeeze %dma_wait3A_366 : memref<1x2048xf32, #tpu.memory_space<hbm>> -> memref<2048xf32, #tpu.memory_space<hbm>>
      tpu.wait_dma2 semaphore(%arg9 : memref<!tpu.dma_semaphore, #tpu.memory_space<semaphore_mem>>) src(%dma_wait3A_367 : memref<2048xf32, #tpu.memory_space<hbm>>) dst(%dma_wait3A_364 : memref<2048xf32, #tpu.memory_space<vmem>>)
      %dma_wait3A_368 = arith.constant 22528 : i32
      %dma_wait3A_369 = tpu.memref_slice %arg4[%dma_wait3A_368] : memref<32768xf32, #tpu.memory_space<vmem>> -> memref<2048xf32, #tpu.memory_space<vmem>>
      %dma_wait3A_370 = arith.constant 0 : i32
      %dma_wait3A_371 = tpu.memref_slice %arg2[%add3A_188, %dma_wait3A_370] : memref<8192x2048xf32, #tpu.memory_space<hbm>> -> memref<1x2048xf32, #tpu.memory_space<hbm>>
      %dma_wait3A_372 = tpu.memref_squeeze %dma_wait3A_371 : memref<1x2048xf32, #tpu.memory_space<hbm>> -> memref<2048xf32, #tpu.memory_space<hbm>>
      %dma_wait3A_373 = arith.constant 22528 : i32
      %dma_wait3A_374 = tpu.memref_slice %arg4[%dma_wait3A_373] : memref<32768xf32, #tpu.memory_space<vmem>> -> memref<2048xf32, #tpu.memory_space<vmem>>
      %dma_wait3A_375 = arith.constant 0 : i32
      %dma_wait3A_376 = tpu.memref_slice %arg2[%add3A_188, %dma_wait3A_375] : memref<8192x2048xf32, #tpu.memory_space<hbm>> -> memref<1x2048xf32, #tpu.memory_space<hbm>>
      %dma_wait3A_377 = tpu.memref_squeeze %dma_wait3A_376 : memref<1x2048xf32, #tpu.memory_space<hbm>> -> memref<2048xf32, #tpu.memory_space<hbm>>
      tpu.wait_dma2 semaphore(%arg9 : memref<!tpu.dma_semaphore, #tpu.memory_space<semaphore_mem>>) src(%dma_wait3A_377 : memref<2048xf32, #tpu.memory_space<hbm>>) dst(%dma_wait3A_374 : memref<2048xf32, #tpu.memory_space<vmem>>)
      %dma_wait3A_378 = arith.constant 24576 : i32
      %dma_wait3A_379 = tpu.memref_slice %arg4[%dma_wait3A_378] : memref<32768xf32, #tpu.memory_space<vmem>> -> memref<2048xf32, #tpu.memory_space<vmem>>
      %dma_wait3A_380 = arith.constant 0 : i32
      %dma_wait3A_381 = tpu.memref_slice %arg2[%add3A_203, %dma_wait3A_380] : memref<8192x2048xf32, #tpu.memory_space<hbm>> -> memref<1x2048xf32, #tpu.memory_space<hbm>>
      %dma_wait3A_382 = tpu.memref_squeeze %dma_wait3A_381 : memref<1x2048xf32, #tpu.memory_space<hbm>> -> memref<2048xf32, #tpu.memory_space<hbm>>
      %dma_wait3A_383 = arith.constant 24576 : i32
      %dma_wait3A_384 = tpu.memref_slice %arg4[%dma_wait3A_383] : memref<32768xf32, #tpu.memory_space<vmem>> -> memref<2048xf32, #tpu.memory_space<vmem>>
      %dma_wait3A_385 = arith.constant 0 : i32
      %dma_wait3A_386 = tpu.memref_slice %arg2[%add3A_203, %dma_wait3A_385] : memref<8192x2048xf32, #tpu.memory_space<hbm>> -> memref<1x2048xf32, #tpu.memory_space<hbm>>
      %dma_wait3A_387 = tpu.memref_squeeze %dma_wait3A_386 : memref<1x2048xf32, #tpu.memory_space<hbm>> -> memref<2048xf32, #tpu.memory_space<hbm>>
      tpu.wait_dma2 semaphore(%arg9 : memref<!tpu.dma_semaphore, #tpu.memory_space<semaphore_mem>>) src(%dma_wait3A_387 : memref<2048xf32, #tpu.memory_space<hbm>>) dst(%dma_wait3A_384 : memref<2048xf32, #tpu.memory_space<vmem>>)
      %dma_wait3A_388 = arith.constant 26624 : i32
      %dma_wait3A_389 = tpu.memref_slice %arg4[%dma_wait3A_388] : memref<32768xf32, #tpu.memory_space<vmem>> -> memref<2048xf32, #tpu.memory_space<vmem>>
      %dma_wait3A_390 = arith.constant 0 : i32
      %dma_wait3A_391 = tpu.memref_slice %arg2[%add3A_218, %dma_wait3A_390] : memref<8192x2048xf32, #tpu.memory_space<hbm>> -> memref<1x2048xf32, #tpu.memory_space<hbm>>
      %dma_wait3A_392 = tpu.memref_squeeze %dma_wait3A_391 : memref<1x2048xf32, #tpu.memory_space<hbm>> -> memref<2048xf32, #tpu.memory_space<hbm>>
      %dma_wait3A_393 = arith.constant 26624 : i32
      %dma_wait3A_394 = tpu.memref_slice %arg4[%dma_wait3A_393] : memref<32768xf32, #tpu.memory_space<vmem>> -> memref<2048xf32, #tpu.memory_space<vmem>>
      %dma_wait3A_395 = arith.constant 0 : i32
      %dma_wait3A_396 = tpu.memref_slice %arg2[%add3A_218, %dma_wait3A_395] : memref<8192x2048xf32, #tpu.memory_space<hbm>> -> memref<1x2048xf32, #tpu.memory_space<hbm>>
      %dma_wait3A_397 = tpu.memref_squeeze %dma_wait3A_396 : memref<1x2048xf32, #tpu.memory_space<hbm>> -> memref<2048xf32, #tpu.memory_space<hbm>>
      tpu.wait_dma2 semaphore(%arg9 : memref<!tpu.dma_semaphore, #tpu.memory_space<semaphore_mem>>) src(%dma_wait3A_397 : memref<2048xf32, #tpu.memory_space<hbm>>) dst(%dma_wait3A_394 : memref<2048xf32, #tpu.memory_space<vmem>>)
      %dma_wait3A_398 = arith.constant 28672 : i32
      %dma_wait3A_399 = tpu.memref_slice %arg4[%dma_wait3A_398] : memref<32768xf32, #tpu.memory_space<vmem>> -> memref<2048xf32, #tpu.memory_space<vmem>>
      %dma_wait3A_400 = arith.constant 0 : i32
      %dma_wait3A_401 = tpu.memref_slice %arg2[%add3A_233, %dma_wait3A_400] : memref<8192x2048xf32, #tpu.memory_space<hbm>> -> memref<1x2048xf32, #tpu.memory_space<hbm>>
      %dma_wait3A_402 = tpu.memref_squeeze %dma_wait3A_401 : memref<1x2048xf32, #tpu.memory_space<hbm>> -> memref<2048xf32, #tpu.memory_space<hbm>>
      %dma_wait3A_403 = arith.constant 28672 : i32
      %dma_wait3A_404 = tpu.memref_slice %arg4[%dma_wait3A_403] : memref<32768xf32, #tpu.memory_space<vmem>> -> memref<2048xf32, #tpu.memory_space<vmem>>
      %dma_wait3A_405 = arith.constant 0 : i32
      %dma_wait3A_406 = tpu.memref_slice %arg2[%add3A_233, %dma_wait3A_405] : memref<8192x2048xf32, #tpu.memory_space<hbm>> -> memref<1x2048xf32, #tpu.memory_space<hbm>>
      %dma_wait3A_407 = tpu.memref_squeeze %dma_wait3A_406 : memref<1x2048xf32, #tpu.memory_space<hbm>> -> memref<2048xf32, #tpu.memory_space<hbm>>
      tpu.wait_dma2 semaphore(%arg9 : memref<!tpu.dma_semaphore, #tpu.memory_space<semaphore_mem>>) src(%dma_wait3A_407 : memref<2048xf32, #tpu.memory_space<hbm>>) dst(%dma_wait3A_404 : memref<2048xf32, #tpu.memory_space<vmem>>)
      %dma_wait3A_408 = arith.constant 30720 : i32
      %dma_wait3A_409 = tpu.memref_slice %arg4[%dma_wait3A_408] : memref<32768xf32, #tpu.memory_space<vmem>> -> memref<2048xf32, #tpu.memory_space<vmem>>
      %dma_wait3A_410 = arith.constant 0 : i32
      %dma_wait3A_411 = tpu.memref_slice %arg2[%add3A_248, %dma_wait3A_410] : memref<8192x2048xf32, #tpu.memory_space<hbm>> -> memref<1x2048xf32, #tpu.memory_space<hbm>>
      %dma_wait3A_412 = tpu.memref_squeeze %dma_wait3A_411 : memref<1x2048xf32, #tpu.memory_space<hbm>> -> memref<2048xf32, #tpu.memory_space<hbm>>
      %dma_wait3A_413 = arith.constant 30720 : i32
      %dma_wait3A_414 = tpu.memref_slice %arg4[%dma_wait3A_413] : memref<32768xf32, #tpu.memory_space<vmem>> -> memref<2048xf32, #tpu.memory_space<vmem>>
      %dma_wait3A_415 = arith.constant 0 : i32
      %dma_wait3A_416 = tpu.memref_slice %arg2[%add3A_248, %dma_wait3A_415] : memref<8192x2048xf32, #tpu.memory_space<hbm>> -> memref<1x2048xf32, #tpu.memory_space<hbm>>
      %dma_wait3A_417 = tpu.memref_squeeze %dma_wait3A_416 : memref<1x2048xf32, #tpu.memory_space<hbm>> -> memref<2048xf32, #tpu.memory_space<hbm>>
      tpu.wait_dma2 semaphore(%arg9 : memref<!tpu.dma_semaphore, #tpu.memory_space<semaphore_mem>>) src(%dma_wait3A_417 : memref<2048xf32, #tpu.memory_space<hbm>>) dst(%dma_wait3A_414 : memref<2048xf32, #tpu.memory_space<vmem>>)
      %parallel_loop3A_418 = arith.constant 0 : i32
      %parallel_loop3A_419 = arith.constant 2048 : i32
      %parallel_loop3A_420 = arith.constant 1 : i32
      %parallel_loop3A_421 = scf.for %parallel_loop3A_445 = %parallel_loop3A_418 to %parallel_loop3A_419 step %parallel_loop3A_420 iter_args(%parallel_loop3A_446 = %mul3A_4) -> (vector<16xi32>)  : i32 {
        %parallel_loop3A_447 = tpu.vector_load_idx %arg4[%parallel_loop3A_446] : memref<32768xf32, #tpu.memory_space<vmem>>[vector<16xi32>], vector<16xf32>,
        %parallel_loop3A_448 = tpu.bitcast %parallel_loop3A_447 : vector<16xf32> -> vector<16xi32>
        %parallel_loop3A_449 = arith.constant 31 : i32
        %parallel_loop3A_450 = vector.broadcast %parallel_loop3A_449 : i32 to vector<16xi32>
        %parallel_loop3A_451 = arith.shrsi %parallel_loop3A_448, %parallel_loop3A_450 : vector<16xi32>
        %parallel_loop3A_452 = vector.broadcast %scan3A : i32 to vector<16xi32>
        %parallel_loop3A_453 = arith.ori %parallel_loop3A_451, %parallel_loop3A_452 : vector<16xi32>
        %parallel_loop3A_454 = arith.xori %parallel_loop3A_448, %parallel_loop3A_453 : vector<16xi32>
        %parallel_loop3A_455 = arith.constant 24 : i32
        %parallel_loop3A_456 = vector.broadcast %parallel_loop3A_455 : i32 to vector<16xi32>
        %parallel_loop3A_457 = arith.shrui %parallel_loop3A_454, %parallel_loop3A_456 : vector<16xi32>
        %parallel_loop3A_458 = arith.constant 16 : i32
        %parallel_loop3A_459 = vector.broadcast %parallel_loop3A_458 : i32 to vector<16xi32>
        %parallel_loop3A_460 = arith.muli %parallel_loop3A_457, %parallel_loop3A_459 : vector<16xi32>
        %parallel_loop3A_461 = arith.addi %parallel_loop3A_460, %iota3A : vector<16xi32>
        tpu.vector_store_idx %arg6[%parallel_loop3A_461], %broadcast_in_dim3A_0 {add = true} : memref<4096xi32, #tpu.memory_space<vmem>>[vector<16xi32>], vector<16xi32>,
        %parallel_loop3A_462 = arith.constant 1 : i32
        %parallel_loop3A_463 = vector.broadcast %parallel_loop3A_462 : i32 to vector<16xi32>
        %parallel_loop3A_464 = arith.addi %parallel_loop3A_446, %parallel_loop3A_463 : vector<16xi32>
        scf.yield %parallel_loop3A_464 : vector<16xi32>
      } {sc.loop_unroll_factor = 8 : i64, sc.parallel_access}
      %broadcast_in_dim3A_422 = arith.constant 1023 : i32
      %broadcast_in_dim3A_423 = vector.broadcast %broadcast_in_dim3A_422 : i32 to vector<16xi32>
      %lt3A = arith.constant 0 : i32
      %lt3A_424 = vector.broadcast %lt3A : i32 to vector<16xi32>
      %lt3A_425 = arith.cmpi slt, %iota3A, %lt3A_424 : vector<16xi32>
      %scan3A_426 = arith.constant 0 : i32
      %scan3A_427 = arith.constant 16 : i32
      %scan3A_428 = arith.addi %scan3A_426, %scan3A_427 : i32
      %scan3A_429 = arith.constant 1 : i32
      %scan3A_430:5 = scf.for %scan3A_445 = %scan3A_426 to %scan3A_428 step %scan3A_429 iter_args(%scan3A_446 = %broadcast_in_dim3A_2, %scan3A_447 = %broadcast_in_dim3A_2, %scan3A_448 = %broadcast_in_dim3A_2, %scan3A_449 = %broadcast_in_dim3A_2, %scan3A_450 = %lt3A_425) -> (vector<16xi32>, vector<16xi32>, vector<16xi32>, vector<16xi32>, vector<16xi1>)  : i32 {
        %mul3A_451 = arith.constant 16 : i32
        %mul3A_452 = arith.muli %scan3A_445, %mul3A_451 : i32
        %add3A_453 = arith.constant 0 : i32
        %add3A_454 = arith.addi %mul3A_452, %add3A_453 : i32
        %mul3A_455 = arith.constant 16 : i32
        %mul3A_456 = arith.muli %add3A_454, %mul3A_455 : i32
        %get3A = arith.index_cast %mul3A_456 : i32 to index
        %get3A_457 = tpu.vector_load %arg6[%get3A] {strides = array<i32>} : memref<4096xi32, #tpu.memory_space<vmem>>, vector<16xi32>,
        %mul3A_458 = arith.constant 16 : i32
        %mul3A_459 = arith.muli %add3A_454, %mul3A_458 : i32
        %swap3A_460 = arith.index_cast %mul3A_459 : i32 to index
        %swap3A_461 = tpu.vector_load %arg6[%swap3A_460] {strides = array<i32>} : memref<4096xi32, #tpu.memory_space<vmem>>, vector<16xi32>,
        tpu.vector_store %arg6[%swap3A_460], %broadcast_in_dim3A_2 {strides = array<i32>} : memref<4096xi32, #tpu.memory_space<vmem>>, vector<16xi32>,
        %add3A_462 = arith.addi %scan3A_446, %get3A_457 : vector<16xi32>
        %not3A_463 = arith.constant dense<true> : vector<16xi1>
        %not3A_464 = arith.xori %scan3A_450, %not3A_463 : vector<16xi1>
        %gt3A = arith.cmpi sgt, %add3A_462, %broadcast_in_dim3A_423 : vector<16xi32>
        %and3A = arith.andi %not3A_464, %gt3A : vector<16xi1>
        %broadcast_in_dim3A_465 = vector.broadcast %add3A_454 : i32 to vector<16xi32>
        %select_n3A = arith.select %and3A, %broadcast_in_dim3A_465, %scan3A_447 : vector<16xi1>, vector<16xi32>
        %select_n3A_466 = arith.select %and3A, %scan3A_446, %scan3A_448 : vector<16xi1>, vector<16xi32>
        %select_n3A_467 = arith.select %and3A, %get3A_457, %scan3A_449 : vector<16xi1>, vector<16xi32>
        %or3A_468 = arith.ori %scan3A_450, %and3A : vector<16xi1>
        %mul3A_469 = arith.constant 16 : i32
        %mul3A_470 = arith.muli %scan3A_445, %mul3A_469 : i32
        %add3A_471 = arith.constant 1 : i32
        %add3A_472 = arith.addi %mul3A_470, %add3A_471 : i32
        %mul3A_473 = arith.constant 16 : i32
        %mul3A_474 = arith.muli %add3A_472, %mul3A_473 : i32
        %get3A_475 = arith.index_cast %mul3A_474 : i32 to index
        %get3A_476 = tpu.vector_load %arg6[%get3A_475] {strides = array<i32>} : memref<4096xi32, #tpu.memory_space<vmem>>, vector<16xi32>,
        %mul3A_477 = arith.constant 16 : i32
        %mul3A_478 = arith.muli %add3A_472, %mul3A_477 : i32
        %swap3A_479 = arith.index_cast %mul3A_478 : i32 to index
        %swap3A_480 = tpu.vector_load %arg6[%swap3A_479] {strides = array<i32>} : memref<4096xi32, #tpu.memory_space<vmem>>, vector<16xi32>,
        tpu.vector_store %arg6[%swap3A_479], %broadcast_in_dim3A_2 {strides = array<i32>} : memref<4096xi32, #tpu.memory_space<vmem>>, vector<16xi32>,
        %add3A_481 = arith.addi %add3A_462, %get3A_476 : vector<16xi32>
        %not3A_482 = arith.constant dense<true> : vector<16xi1>
        %not3A_483 = arith.xori %or3A_468, %not3A_482 : vector<16xi1>
        %gt3A_484 = arith.cmpi sgt, %add3A_481, %broadcast_in_dim3A_423 : vector<16xi32>
        %and3A_485 = arith.andi %not3A_483, %gt3A_484 : vector<16xi1>
        %broadcast_in_dim3A_486 = vector.broadcast %add3A_472 : i32 to vector<16xi32>
        %select_n3A_487 = arith.select %and3A_485, %broadcast_in_dim3A_486, %select_n3A : vector<16xi1>, vector<16xi32>
        %select_n3A_488 = arith.select %and3A_485, %add3A_462, %select_n3A_466 : vector<16xi1>, vector<16xi32>
        %select_n3A_489 = arith.select %and3A_485, %get3A_476, %select_n3A_467 : vector<16xi1>, vector<16xi32>
        %or3A_490 = arith.ori %or3A_468, %and3A_485 : vector<16xi1>
        %mul3A_491 = arith.constant 16 : i32
        %mul3A_492 = arith.muli %scan3A_445, %mul3A_491 : i32
        %add3A_493 = arith.constant 2 : i32
        %add3A_494 = arith.addi %mul3A_492, %add3A_493 : i32
        %mul3A_495 = arith.constant 16 : i32
        %mul3A_496 = arith.muli %add3A_494, %mul3A_495 : i32
        %get3A_497 = arith.index_cast %mul3A_496 : i32 to index
        %get3A_498 = tpu.vector_load %arg6[%get3A_497] {strides = array<i32>} : memref<4096xi32, #tpu.memory_space<vmem>>, vector<16xi32>,
        %mul3A_499 = arith.constant 16 : i32
        %mul3A_500 = arith.muli %add3A_494, %mul3A_499 : i32
        %swap3A_501 = arith.index_cast %mul3A_500 : i32 to index
        %swap3A_502 = tpu.vector_load %arg6[%swap3A_501] {strides = array<i32>} : memref<4096xi32, #tpu.memory_space<vmem>>, vector<16xi32>,
        tpu.vector_store %arg6[%swap3A_501], %broadcast_in_dim3A_2 {strides = array<i32>} : memref<4096xi32, #tpu.memory_space<vmem>>, vector<16xi32>,
        %add3A_503 = arith.addi %add3A_481, %get3A_498 : vector<16xi32>
        %not3A_504 = arith.constant dense<true> : vector<16xi1>
        %not3A_505 = arith.xori %or3A_490, %not3A_504 : vector<16xi1>
        %gt3A_506 = arith.cmpi sgt, %add3A_503, %broadcast_in_dim3A_423 : vector<16xi32>
        %and3A_507 = arith.andi %not3A_505, %gt3A_506 : vector<16xi1>
        %broadcast_in_dim3A_508 = vector.broadcast %add3A_494 : i32 to vector<16xi32>
        %select_n3A_509 = arith.select %and3A_507, %broadcast_in_dim3A_508, %select_n3A_487 : vector<16xi1>, vector<16xi32>
        %select_n3A_510 = arith.select %and3A_507, %add3A_481, %select_n3A_488 : vector<16xi1>, vector<16xi32>
        %select_n3A_511 = arith.select %and3A_507, %get3A_498, %select_n3A_489 : vector<16xi1>, vector<16xi32>
        %or3A_512 = arith.ori %or3A_490, %and3A_507 : vector<16xi1>
        %mul3A_513 = arith.constant 16 : i32
        %mul3A_514 = arith.muli %scan3A_445, %mul3A_513 : i32
        %add3A_515 = arith.constant 3 : i32
        %add3A_516 = arith.addi %mul3A_514, %add3A_515 : i32
        %mul3A_517 = arith.constant 16 : i32
        %mul3A_518 = arith.muli %add3A_516, %mul3A_517 : i32
        %get3A_519 = arith.index_cast %mul3A_518 : i32 to index
        %get3A_520 = tpu.vector_load %arg6[%get3A_519] {strides = array<i32>} : memref<4096xi32, #tpu.memory_space<vmem>>, vector<16xi32>,
        %mul3A_521 = arith.constant 16 : i32
        %mul3A_522 = arith.muli %add3A_516, %mul3A_521 : i32
        %swap3A_523 = arith.index_cast %mul3A_522 : i32 to index
        %swap3A_524 = tpu.vector_load %arg6[%swap3A_523] {strides = array<i32>} : memref<4096xi32, #tpu.memory_space<vmem>>, vector<16xi32>,
        tpu.vector_store %arg6[%swap3A_523], %broadcast_in_dim3A_2 {strides = array<i32>} : memref<4096xi32, #tpu.memory_space<vmem>>, vector<16xi32>,
        %add3A_525 = arith.addi %add3A_503, %get3A_520 : vector<16xi32>
        %not3A_526 = arith.constant dense<true> : vector<16xi1>
        %not3A_527 = arith.xori %or3A_512, %not3A_526 : vector<16xi1>
        %gt3A_528 = arith.cmpi sgt, %add3A_525, %broadcast_in_dim3A_423 : vector<16xi32>
        %and3A_529 = arith.andi %not3A_527, %gt3A_528 : vector<16xi1>
        %broadcast_in_dim3A_530 = vector.broadcast %add3A_516 : i32 to vector<16xi32>
        %select_n3A_531 = arith.select %and3A_529, %broadcast_in_dim3A_530, %select_n3A_509 : vector<16xi1>, vector<16xi32>
        %select_n3A_532 = arith.select %and3A_529, %add3A_503, %select_n3A_510 : vector<16xi1>, vector<16xi32>
        %select_n3A_533 = arith.select %and3A_529, %get3A_520, %select_n3A_511 : vector<16xi1>, vector<16xi32>
        %or3A_534 = arith.ori %or3A_512, %and3A_529 : vector<16xi1>
        %mul3A_535 = arith.constant 16 : i32
        %mul3A_536 = arith.muli %scan3A_445, %mul3A_535 : i32
        %add3A_537 = arith.constant 4 : i32
        %add3A_538 = arith.addi %mul3A_536, %add3A_537 : i32
        %mul3A_539 = arith.constant 16 : i32
        %mul3A_540 = arith.muli %add3A_538, %mul3A_539 : i32
        %get3A_541 = arith.index_cast %mul3A_540 : i32 to index
        %get3A_542 = tpu.vector_load %arg6[%get3A_541] {strides = array<i32>} : memref<4096xi32, #tpu.memory_space<vmem>>, vector<16xi32>,
        %mul3A_543 = arith.constant 16 : i32
        %mul3A_544 = arith.muli %add3A_538, %mul3A_543 : i32
        %swap3A_545 = arith.index_cast %mul3A_544 : i32 to index
        %swap3A_546 = tpu.vector_load %arg6[%swap3A_545] {strides = array<i32>} : memref<4096xi32, #tpu.memory_space<vmem>>, vector<16xi32>,
        tpu.vector_store %arg6[%swap3A_545], %broadcast_in_dim3A_2 {strides = array<i32>} : memref<4096xi32, #tpu.memory_space<vmem>>, vector<16xi32>,
        %add3A_547 = arith.addi %add3A_525, %get3A_542 : vector<16xi32>
        %not3A_548 = arith.constant dense<true> : vector<16xi1>
        %not3A_549 = arith.xori %or3A_534, %not3A_548 : vector<16xi1>
        %gt3A_550 = arith.cmpi sgt, %add3A_547, %broadcast_in_dim3A_423 : vector<16xi32>
        %and3A_551 = arith.andi %not3A_549, %gt3A_550 : vector<16xi1>
        %broadcast_in_dim3A_552 = vector.broadcast %add3A_538 : i32 to vector<16xi32>
        %select_n3A_553 = arith.select %and3A_551, %broadcast_in_dim3A_552, %select_n3A_531 : vector<16xi1>, vector<16xi32>
        %select_n3A_554 = arith.select %and3A_551, %add3A_525, %select_n3A_532 : vector<16xi1>, vector<16xi32>
        %select_n3A_555 = arith.select %and3A_551, %get3A_542, %select_n3A_533 : vector<16xi1>, vector<16xi32>
        %or3A_556 = arith.ori %or3A_534, %and3A_551 : vector<16xi1>
        %mul3A_557 = arith.constant 16 : i32
        %mul3A_558 = arith.muli %scan3A_445, %mul3A_557 : i32
        %add3A_559 = arith.constant 5 : i32
        %add3A_560 = arith.addi %mul3A_558, %add3A_559 : i32
        %mul3A_561 = arith.constant 16 : i32
        %mul3A_562 = arith.muli %add3A_560, %mul3A_561 : i32
        %get3A_563 = arith.index_cast %mul3A_562 : i32 to index
        %get3A_564 = tpu.vector_load %arg6[%get3A_563] {strides = array<i32>} : memref<4096xi32, #tpu.memory_space<vmem>>, vector<16xi32>,
        %mul3A_565 = arith.constant 16 : i32
        %mul3A_566 = arith.muli %add3A_560, %mul3A_565 : i32
        %swap3A_567 = arith.index_cast %mul3A_566 : i32 to index
        %swap3A_568 = tpu.vector_load %arg6[%swap3A_567] {strides = array<i32>} : memref<4096xi32, #tpu.memory_space<vmem>>, vector<16xi32>,
        tpu.vector_store %arg6[%swap3A_567], %broadcast_in_dim3A_2 {strides = array<i32>} : memref<4096xi32, #tpu.memory_space<vmem>>, vector<16xi32>,
        %add3A_569 = arith.addi %add3A_547, %get3A_564 : vector<16xi32>
        %not3A_570 = arith.constant dense<true> : vector<16xi1>
        %not3A_571 = arith.xori %or3A_556, %not3A_570 : vector<16xi1>
        %gt3A_572 = arith.cmpi sgt, %add3A_569, %broadcast_in_dim3A_423 : vector<16xi32>
        %and3A_573 = arith.andi %not3A_571, %gt3A_572 : vector<16xi1>
        %broadcast_in_dim3A_574 = vector.broadcast %add3A_560 : i32 to vector<16xi32>
        %select_n3A_575 = arith.select %and3A_573, %broadcast_in_dim3A_574, %select_n3A_553 : vector<16xi1>, vector<16xi32>
        %select_n3A_576 = arith.select %and3A_573, %add3A_547, %select_n3A_554 : vector<16xi1>, vector<16xi32>
        %select_n3A_577 = arith.select %and3A_573, %get3A_564, %select_n3A_555 : vector<16xi1>, vector<16xi32>
        %or3A_578 = arith.ori %or3A_556, %and3A_573 : vector<16xi1>
        %mul3A_579 = arith.constant 16 : i32
        %mul3A_580 = arith.muli %scan3A_445, %mul3A_579 : i32
        %add3A_581 = arith.constant 6 : i32
        %add3A_582 = arith.addi %mul3A_580, %add3A_581 : i32
        %mul3A_583 = arith.constant 16 : i32
        %mul3A_584 = arith.muli %add3A_582, %mul3A_583 : i32
        %get3A_585 = arith.index_cast %mul3A_584 : i32 to index
        %get3A_586 = tpu.vector_load %arg6[%get3A_585] {strides = array<i32>} : memref<4096xi32, #tpu.memory_space<vmem>>, vector<16xi32>,
        %mul3A_587 = arith.constant 16 : i32
        %mul3A_588 = arith.muli %add3A_582, %mul3A_587 : i32
        %swap3A_589 = arith.index_cast %mul3A_588 : i32 to index
        %swap3A_590 = tpu.vector_load %arg6[%swap3A_589] {strides = array<i32>} : memref<4096xi32, #tpu.memory_space<vmem>>, vector<16xi32>,
        tpu.vector_store %arg6[%swap3A_589], %broadcast_in_dim3A_2 {strides = array<i32>} : memref<4096xi32, #tpu.memory_space<vmem>>, vector<16xi32>,
        %add3A_591 = arith.addi %add3A_569, %get3A_586 : vector<16xi32>
        %not3A_592 = arith.constant dense<true> : vector<16xi1>
        %not3A_593 = arith.xori %or3A_578, %not3A_592 : vector<16xi1>
        %gt3A_594 = arith.cmpi sgt, %add3A_591, %broadcast_in_dim3A_423 : vector<16xi32>
        %and3A_595 = arith.andi %not3A_593, %gt3A_594 : vector<16xi1>
        %broadcast_in_dim3A_596 = vector.broadcast %add3A_582 : i32 to vector<16xi32>
        %select_n3A_597 = arith.select %and3A_595, %broadcast_in_dim3A_596, %select_n3A_575 : vector<16xi1>, vector<16xi32>
        %select_n3A_598 = arith.select %and3A_595, %add3A_569, %select_n3A_576 : vector<16xi1>, vector<16xi32>
        %select_n3A_599 = arith.select %and3A_595, %get3A_586, %select_n3A_577 : vector<16xi1>, vector<16xi32>
        %or3A_600 = arith.ori %or3A_578, %and3A_595 : vector<16xi1>
        %mul3A_601 = arith.constant 16 : i32
        %mul3A_602 = arith.muli %scan3A_445, %mul3A_601 : i32
        %add3A_603 = arith.constant 7 : i32
        %add3A_604 = arith.addi %mul3A_602, %add3A_603 : i32
        %mul3A_605 = arith.constant 16 : i32
        %mul3A_606 = arith.muli %add3A_604, %mul3A_605 : i32
        %get3A_607 = arith.index_cast %mul3A_606 : i32 to index
        %get3A_608 = tpu.vector_load %arg6[%get3A_607] {strides = array<i32>} : memref<4096xi32, #tpu.memory_space<vmem>>, vector<16xi32>,
        %mul3A_609 = arith.constant 16 : i32
        %mul3A_610 = arith.muli %add3A_604, %mul3A_609 : i32
        %swap3A_611 = arith.index_cast %mul3A_610 : i32 to index
        %swap3A_612 = tpu.vector_load %arg6[%swap3A_611] {strides = array<i32>} : memref<4096xi32, #tpu.memory_space<vmem>>, vector<16xi32>,
        tpu.vector_store %arg6[%swap3A_611], %broadcast_in_dim3A_2 {strides = array<i32>} : memref<4096xi32, #tpu.memory_space<vmem>>, vector<16xi32>,
        %add3A_613 = arith.addi %add3A_591, %get3A_608 : vector<16xi32>
        %not3A_614 = arith.constant dense<true> : vector<16xi1>
        %not3A_615 = arith.xori %or3A_600, %not3A_614 : vector<16xi1>
        %gt3A_616 = arith.cmpi sgt, %add3A_613, %broadcast_in_dim3A_423 : vector<16xi32>
        %and3A_617 = arith.andi %not3A_615, %gt3A_616 : vector<16xi1>
        %broadcast_in_dim3A_618 = vector.broadcast %add3A_604 : i32 to vector<16xi32>
        %select_n3A_619 = arith.select %and3A_617, %broadcast_in_dim3A_618, %select_n3A_597 : vector<16xi1>, vector<16xi32>
        %select_n3A_620 = arith.select %and3A_617, %add3A_591, %select_n3A_598 : vector<16xi1>, vector<16xi32>
        %select_n3A_621 = arith.select %and3A_617, %get3A_608, %select_n3A_599 : vector<16xi1>, vector<16xi32>
        %or3A_622 = arith.ori %or3A_600, %and3A_617 : vector<16xi1>
        %mul3A_623 = arith.constant 16 : i32
        %mul3A_624 = arith.muli %scan3A_445, %mul3A_623 : i32
        %add3A_625 = arith.constant 8 : i32
        %add3A_626 = arith.addi %mul3A_624, %add3A_625 : i32
        %mul3A_627 = arith.constant 16 : i32
        %mul3A_628 = arith.muli %add3A_626, %mul3A_627 : i32
        %get3A_629 = arith.index_cast %mul3A_628 : i32 to index
        %get3A_630 = tpu.vector_load %arg6[%get3A_629] {strides = array<i32>} : memref<4096xi32, #tpu.memory_space<vmem>>, vector<16xi32>,
        %mul3A_631 = arith.constant 16 : i32
        %mul3A_632 = arith.muli %add3A_626, %mul3A_631 : i32
        %swap3A_633 = arith.index_cast %mul3A_632 : i32 to index
        %swap3A_634 = tpu.vector_load %arg6[%swap3A_633] {strides = array<i32>} : memref<4096xi32, #tpu.memory_space<vmem>>, vector<16xi32>,
        tpu.vector_store %arg6[%swap3A_633], %broadcast_in_dim3A_2 {strides = array<i32>} : memref<4096xi32, #tpu.memory_space<vmem>>, vector<16xi32>,
        %add3A_635 = arith.addi %add3A_613, %get3A_630 : vector<16xi32>
        %not3A_636 = arith.constant dense<true> : vector<16xi1>
        %not3A_637 = arith.xori %or3A_622, %not3A_636 : vector<16xi1>
        %gt3A_638 = arith.cmpi sgt, %add3A_635, %broadcast_in_dim3A_423 : vector<16xi32>
        %and3A_639 = arith.andi %not3A_637, %gt3A_638 : vector<16xi1>
        %broadcast_in_dim3A_640 = vector.broadcast %add3A_626 : i32 to vector<16xi32>
        %select_n3A_641 = arith.select %and3A_639, %broadcast_in_dim3A_640, %select_n3A_619 : vector<16xi1>, vector<16xi32>
        %select_n3A_642 = arith.select %and3A_639, %add3A_613, %select_n3A_620 : vector<16xi1>, vector<16xi32>
        %select_n3A_643 = arith.select %and3A_639, %get3A_630, %select_n3A_621 : vector<16xi1>, vector<16xi32>
        %or3A_644 = arith.ori %or3A_622, %and3A_639 : vector<16xi1>
        %mul3A_645 = arith.constant 16 : i32
        %mul3A_646 = arith.muli %scan3A_445, %mul3A_645 : i32
        %add3A_647 = arith.constant 9 : i32
        %add3A_648 = arith.addi %mul3A_646, %add3A_647 : i32
        %mul3A_649 = arith.constant 16 : i32
        %mul3A_650 = arith.muli %add3A_648, %mul3A_649 : i32
        %get3A_651 = arith.index_cast %mul3A_650 : i32 to index
        %get3A_652 = tpu.vector_load %arg6[%get3A_651] {strides = array<i32>} : memref<4096xi32, #tpu.memory_space<vmem>>, vector<16xi32>,
        %mul3A_653 = arith.constant 16 : i32
        %mul3A_654 = arith.muli %add3A_648, %mul3A_653 : i32
        %swap3A_655 = arith.index_cast %mul3A_654 : i32 to index
        %swap3A_656 = tpu.vector_load %arg6[%swap3A_655] {strides = array<i32>} : memref<4096xi32, #tpu.memory_space<vmem>>, vector<16xi32>,
        tpu.vector_store %arg6[%swap3A_655], %broadcast_in_dim3A_2 {strides = array<i32>} : memref<4096xi32, #tpu.memory_space<vmem>>, vector<16xi32>,
        %add3A_657 = arith.addi %add3A_635, %get3A_652 : vector<16xi32>
        %not3A_658 = arith.constant dense<true> : vector<16xi1>
        %not3A_659 = arith.xori %or3A_644, %not3A_658 : vector<16xi1>
        %gt3A_660 = arith.cmpi sgt, %add3A_657, %broadcast_in_dim3A_423 : vector<16xi32>
        %and3A_661 = arith.andi %not3A_659, %gt3A_660 : vector<16xi1>
        %broadcast_in_dim3A_662 = vector.broadcast %add3A_648 : i32 to vector<16xi32>
        %select_n3A_663 = arith.select %and3A_661, %broadcast_in_dim3A_662, %select_n3A_641 : vector<16xi1>, vector<16xi32>
        %select_n3A_664 = arith.select %and3A_661, %add3A_635, %select_n3A_642 : vector<16xi1>, vector<16xi32>
        %select_n3A_665 = arith.select %and3A_661, %get3A_652, %select_n3A_643 : vector<16xi1>, vector<16xi32>
        %or3A_666 = arith.ori %or3A_644, %and3A_661 : vector<16xi1>
        %mul3A_667 = arith.constant 16 : i32
        %mul3A_668 = arith.muli %scan3A_445, %mul3A_667 : i32
        %add3A_669 = arith.constant 10 : i32
        %add3A_670 = arith.addi %mul3A_668, %add3A_669 : i32
        %mul3A_671 = arith.constant 16 : i32
        %mul3A_672 = arith.muli %add3A_670, %mul3A_671 : i32
        %get3A_673 = arith.index_cast %mul3A_672 : i32 to index
        %get3A_674 = tpu.vector_load %arg6[%get3A_673] {strides = array<i32>} : memref<4096xi32, #tpu.memory_space<vmem>>, vector<16xi32>,
        %mul3A_675 = arith.constant 16 : i32
        %mul3A_676 = arith.muli %add3A_670, %mul3A_675 : i32
        %swap3A_677 = arith.index_cast %mul3A_676 : i32 to index
        %swap3A_678 = tpu.vector_load %arg6[%swap3A_677] {strides = array<i32>} : memref<4096xi32, #tpu.memory_space<vmem>>, vector<16xi32>,
        tpu.vector_store %arg6[%swap3A_677], %broadcast_in_dim3A_2 {strides = array<i32>} : memref<4096xi32, #tpu.memory_space<vmem>>, vector<16xi32>,
        %add3A_679 = arith.addi %add3A_657, %get3A_674 : vector<16xi32>
        %not3A_680 = arith.constant dense<true> : vector<16xi1>
        %not3A_681 = arith.xori %or3A_666, %not3A_680 : vector<16xi1>
        %gt3A_682 = arith.cmpi sgt, %add3A_679, %broadcast_in_dim3A_423 : vector<16xi32>
        %and3A_683 = arith.andi %not3A_681, %gt3A_682 : vector<16xi1>
        %broadcast_in_dim3A_684 = vector.broadcast %add3A_670 : i32 to vector<16xi32>
        %select_n3A_685 = arith.select %and3A_683, %broadcast_in_dim3A_684, %select_n3A_663 : vector<16xi1>, vector<16xi32>
        %select_n3A_686 = arith.select %and3A_683, %add3A_657, %select_n3A_664 : vector<16xi1>, vector<16xi32>
        %select_n3A_687 = arith.select %and3A_683, %get3A_674, %select_n3A_665 : vector<16xi1>, vector<16xi32>
        %or3A_688 = arith.ori %or3A_666, %and3A_683 : vector<16xi1>
        %mul3A_689 = arith.constant 16 : i32
        %mul3A_690 = arith.muli %scan3A_445, %mul3A_689 : i32
        %add3A_691 = arith.constant 11 : i32
        %add3A_692 = arith.addi %mul3A_690, %add3A_691 : i32
        %mul3A_693 = arith.constant 16 : i32
        %mul3A_694 = arith.muli %add3A_692, %mul3A_693 : i32
        %get3A_695 = arith.index_cast %mul3A_694 : i32 to index
        %get3A_696 = tpu.vector_load %arg6[%get3A_695] {strides = array<i32>} : memref<4096xi32, #tpu.memory_space<vmem>>, vector<16xi32>,
        %mul3A_697 = arith.constant 16 : i32
        %mul3A_698 = arith.muli %add3A_692, %mul3A_697 : i32
        %swap3A_699 = arith.index_cast %mul3A_698 : i32 to index
        %swap3A_700 = tpu.vector_load %arg6[%swap3A_699] {strides = array<i32>} : memref<4096xi32, #tpu.memory_space<vmem>>, vector<16xi32>,
        tpu.vector_store %arg6[%swap3A_699], %broadcast_in_dim3A_2 {strides = array<i32>} : memref<4096xi32, #tpu.memory_space<vmem>>, vector<16xi32>,
        %add3A_701 = arith.addi %add3A_679, %get3A_696 : vector<16xi32>
        %not3A_702 = arith.constant dense<true> : vector<16xi1>
        %not3A_703 = arith.xori %or3A_688, %not3A_702 : vector<16xi1>
        %gt3A_704 = arith.cmpi sgt, %add3A_701, %broadcast_in_dim3A_423 : vector<16xi32>
        %and3A_705 = arith.andi %not3A_703, %gt3A_704 : vector<16xi1>
        %broadcast_in_dim3A_706 = vector.broadcast %add3A_692 : i32 to vector<16xi32>
        %select_n3A_707 = arith.select %and3A_705, %broadcast_in_dim3A_706, %select_n3A_685 : vector<16xi1>, vector<16xi32>
        %select_n3A_708 = arith.select %and3A_705, %add3A_679, %select_n3A_686 : vector<16xi1>, vector<16xi32>
        %select_n3A_709 = arith.select %and3A_705, %get3A_696, %select_n3A_687 : vector<16xi1>, vector<16xi32>
        %or3A_710 = arith.ori %or3A_688, %and3A_705 : vector<16xi1>
        %mul3A_711 = arith.constant 16 : i32
        %mul3A_712 = arith.muli %scan3A_445, %mul3A_711 : i32
        %add3A_713 = arith.constant 12 : i32
        %add3A_714 = arith.addi %mul3A_712, %add3A_713 : i32
        %mul3A_715 = arith.constant 16 : i32
        %mul3A_716 = arith.muli %add3A_714, %mul3A_715 : i32
        %get3A_717 = arith.index_cast %mul3A_716 : i32 to index
        %get3A_718 = tpu.vector_load %arg6[%get3A_717] {strides = array<i32>} : memref<4096xi32, #tpu.memory_space<vmem>>, vector<16xi32>,
        %mul3A_719 = arith.constant 16 : i32
        %mul3A_720 = arith.muli %add3A_714, %mul3A_719 : i32
        %swap3A_721 = arith.index_cast %mul3A_720 : i32 to index
        %swap3A_722 = tpu.vector_load %arg6[%swap3A_721] {strides = array<i32>} : memref<4096xi32, #tpu.memory_space<vmem>>, vector<16xi32>,
        tpu.vector_store %arg6[%swap3A_721], %broadcast_in_dim3A_2 {strides = array<i32>} : memref<4096xi32, #tpu.memory_space<vmem>>, vector<16xi32>,
        %add3A_723 = arith.addi %add3A_701, %get3A_718 : vector<16xi32>
        %not3A_724 = arith.constant dense<true> : vector<16xi1>
        %not3A_725 = arith.xori %or3A_710, %not3A_724 : vector<16xi1>
        %gt3A_726 = arith.cmpi sgt, %add3A_723, %broadcast_in_dim3A_423 : vector<16xi32>
        %and3A_727 = arith.andi %not3A_725, %gt3A_726 : vector<16xi1>
        %broadcast_in_dim3A_728 = vector.broadcast %add3A_714 : i32 to vector<16xi32>
        %select_n3A_729 = arith.select %and3A_727, %broadcast_in_dim3A_728, %select_n3A_707 : vector<16xi1>, vector<16xi32>
        %select_n3A_730 = arith.select %and3A_727, %add3A_701, %select_n3A_708 : vector<16xi1>, vector<16xi32>
        %select_n3A_731 = arith.select %and3A_727, %get3A_718, %select_n3A_709 : vector<16xi1>, vector<16xi32>
        %or3A_732 = arith.ori %or3A_710, %and3A_727 : vector<16xi1>
        %mul3A_733 = arith.constant 16 : i32
        %mul3A_734 = arith.muli %scan3A_445, %mul3A_733 : i32
        %add3A_735 = arith.constant 13 : i32
        %add3A_736 = arith.addi %mul3A_734, %add3A_735 : i32
        %mul3A_737 = arith.constant 16 : i32
        %mul3A_738 = arith.muli %add3A_736, %mul3A_737 : i32
        %get3A_739 = arith.index_cast %mul3A_738 : i32 to index
        %get3A_740 = tpu.vector_load %arg6[%get3A_739] {strides = array<i32>} : memref<4096xi32, #tpu.memory_space<vmem>>, vector<16xi32>,
        %mul3A_741 = arith.constant 16 : i32
        %mul3A_742 = arith.muli %add3A_736, %mul3A_741 : i32
        %swap3A_743 = arith.index_cast %mul3A_742 : i32 to index
        %swap3A_744 = tpu.vector_load %arg6[%swap3A_743] {strides = array<i32>} : memref<4096xi32, #tpu.memory_space<vmem>>, vector<16xi32>,
        tpu.vector_store %arg6[%swap3A_743], %broadcast_in_dim3A_2 {strides = array<i32>} : memref<4096xi32, #tpu.memory_space<vmem>>, vector<16xi32>,
        %add3A_745 = arith.addi %add3A_723, %get3A_740 : vector<16xi32>
        %not3A_746 = arith.constant dense<true> : vector<16xi1>
        %not3A_747 = arith.xori %or3A_732, %not3A_746 : vector<16xi1>
        %gt3A_748 = arith.cmpi sgt, %add3A_745, %broadcast_in_dim3A_423 : vector<16xi32>
        %and3A_749 = arith.andi %not3A_747, %gt3A_748 : vector<16xi1>
        %broadcast_in_dim3A_750 = vector.broadcast %add3A_736 : i32 to vector<16xi32>
        %select_n3A_751 = arith.select %and3A_749, %broadcast_in_dim3A_750, %select_n3A_729 : vector<16xi1>, vector<16xi32>
        %select_n3A_752 = arith.select %and3A_749, %add3A_723, %select_n3A_730 : vector<16xi1>, vector<16xi32>
        %select_n3A_753 = arith.select %and3A_749, %get3A_740, %select_n3A_731 : vector<16xi1>, vector<16xi32>
        %or3A_754 = arith.ori %or3A_732, %and3A_749 : vector<16xi1>
        %mul3A_755 = arith.constant 16 : i32
        %mul3A_756 = arith.muli %scan3A_445, %mul3A_755 : i32
        %add3A_757 = arith.constant 14 : i32
        %add3A_758 = arith.addi %mul3A_756, %add3A_757 : i32
        %mul3A_759 = arith.constant 16 : i32
        %mul3A_760 = arith.muli %add3A_758, %mul3A_759 : i32
        %get3A_761 = arith.index_cast %mul3A_760 : i32 to index
        %get3A_762 = tpu.vector_load %arg6[%get3A_761] {strides = array<i32>} : memref<4096xi32, #tpu.memory_space<vmem>>, vector<16xi32>,
        %mul3A_763 = arith.constant 16 : i32
        %mul3A_764 = arith.muli %add3A_758, %mul3A_763 : i32
        %swap3A_765 = arith.index_cast %mul3A_764 : i32 to index
        %swap3A_766 = tpu.vector_load %arg6[%swap3A_765] {strides = array<i32>} : memref<4096xi32, #tpu.memory_space<vmem>>, vector<16xi32>,
        tpu.vector_store %arg6[%swap3A_765], %broadcast_in_dim3A_2 {strides = array<i32>} : memref<4096xi32, #tpu.memory_space<vmem>>, vector<16xi32>,
        %add3A_767 = arith.addi %add3A_745, %get3A_762 : vector<16xi32>
        %not3A_768 = arith.constant dense<true> : vector<16xi1>
        %not3A_769 = arith.xori %or3A_754, %not3A_768 : vector<16xi1>
        %gt3A_770 = arith.cmpi sgt, %add3A_767, %broadcast_in_dim3A_423 : vector<16xi32>
        %and3A_771 = arith.andi %not3A_769, %gt3A_770 : vector<16xi1>
        %broadcast_in_dim3A_772 = vector.broadcast %add3A_758 : i32 to vector<16xi32>
        %select_n3A_773 = arith.select %and3A_771, %broadcast_in_dim3A_772, %select_n3A_751 : vector<16xi1>, vector<16xi32>
        %select_n3A_774 = arith.select %and3A_771, %add3A_745, %select_n3A_752 : vector<16xi1>, vector<16xi32>
        %select_n3A_775 = arith.select %and3A_771, %get3A_762, %select_n3A_753 : vector<16xi1>, vector<16xi32>
        %or3A_776 = arith.ori %or3A_754, %and3A_771 : vector<16xi1>
        %mul3A_777 = arith.constant 16 : i32
        %mul3A_778 = arith.muli %scan3A_445, %mul3A_777 : i32
        %add3A_779 = arith.constant 15 : i32
        %add3A_780 = arith.addi %mul3A_778, %add3A_779 : i32
        %mul3A_781 = arith.constant 16 : i32
        %mul3A_782 = arith.muli %add3A_780, %mul3A_781 : i32
        %get3A_783 = arith.index_cast %mul3A_782 : i32 to index
        %get3A_784 = tpu.vector_load %arg6[%get3A_783] {strides = array<i32>} : memref<4096xi32, #tpu.memory_space<vmem>>, vector<16xi32>,
        %mul3A_785 = arith.constant 16 : i32
        %mul3A_786 = arith.muli %add3A_780, %mul3A_785 : i32
        %swap3A_787 = arith.index_cast %mul3A_786 : i32 to index
        %swap3A_788 = tpu.vector_load %arg6[%swap3A_787] {strides = array<i32>} : memref<4096xi32, #tpu.memory_space<vmem>>, vector<16xi32>,
        tpu.vector_store %arg6[%swap3A_787], %broadcast_in_dim3A_2 {strides = array<i32>} : memref<4096xi32, #tpu.memory_space<vmem>>, vector<16xi32>,
        %add3A_789 = arith.addi %add3A_767, %get3A_784 : vector<16xi32>
        %not3A_790 = arith.constant dense<true> : vector<16xi1>
        %not3A_791 = arith.xori %or3A_776, %not3A_790 : vector<16xi1>
        %gt3A_792 = arith.cmpi sgt, %add3A_789, %broadcast_in_dim3A_423 : vector<16xi32>
        %and3A_793 = arith.andi %not3A_791, %gt3A_792 : vector<16xi1>
        %broadcast_in_dim3A_794 = vector.broadcast %add3A_780 : i32 to vector<16xi32>
        %select_n3A_795 = arith.select %and3A_793, %broadcast_in_dim3A_794, %select_n3A_773 : vector<16xi1>, vector<16xi32>
        %select_n3A_796 = arith.select %and3A_793, %add3A_767, %select_n3A_774 : vector<16xi1>, vector<16xi32>
        %select_n3A_797 = arith.select %and3A_793, %get3A_784, %select_n3A_775 : vector<16xi1>, vector<16xi32>
        %or3A_798 = arith.ori %or3A_776, %and3A_793 : vector<16xi1>
        scf.yield %add3A_789, %select_n3A_795, %select_n3A_796, %select_n3A_797, %or3A_798 : vector<16xi32>, vector<16xi32>, vector<16xi32>, vector<16xi32>, vector<16xi1>
      }
      %scan3A_431 = arith.constant 16 : i32
      %sub3A = arith.subi %broadcast_in_dim3A_423, %scan3A_430#2 : vector<16xi32>
      %parallel_loop3A_432 = arith.constant 0 : i32
      %parallel_loop3A_433 = arith.constant 2048 : i32
      %parallel_loop3A_434 = arith.constant 1 : i32
      %parallel_loop3A_435:2 = scf.for %parallel_loop3A_445 = %parallel_loop3A_432 to %parallel_loop3A_433 step %parallel_loop3A_434 iter_args(%parallel_loop3A_446 = %mul3A_4, %parallel_loop3A_447 = %mul3A_4) -> (vector<16xi32>, vector<16xi32>)  : i32 {
        %parallel_loop3A_448 = tpu.vector_load_idx %arg4[%parallel_loop3A_447] : memref<32768xf32, #tpu.memory_space<vmem>>[vector<16xi32>], vector<16xf32>,
        %parallel_loop3A_449 = tpu.bitcast %parallel_loop3A_448 : vector<16xf32> -> vector<16xi32>
        %parallel_loop3A_450 = arith.constant 31 : i32
        %parallel_loop3A_451 = vector.broadcast %parallel_loop3A_450 : i32 to vector<16xi32>
        %parallel_loop3A_452 = arith.shrsi %parallel_loop3A_449, %parallel_loop3A_451 : vector<16xi32>
        %parallel_loop3A_453 = vector.broadcast %scan3A : i32 to vector<16xi32>
        %parallel_loop3A_454 = arith.ori %parallel_loop3A_452, %parallel_loop3A_453 : vector<16xi32>
        %parallel_loop3A_455 = arith.xori %parallel_loop3A_449, %parallel_loop3A_454 : vector<16xi32>
        %parallel_loop3A_456 = arith.constant 24 : i32
        %parallel_loop3A_457 = vector.broadcast %parallel_loop3A_456 : i32 to vector<16xi32>
        %parallel_loop3A_458 = arith.shrui %parallel_loop3A_455, %parallel_loop3A_457 : vector<16xi32>
        %parallel_loop3A_459 = arith.cmpi eq, %parallel_loop3A_458, %scan3A_430#1 : vector<16xi32>
        tpu.vector_store_idx %arg5[%parallel_loop3A_446], %parallel_loop3A_455 masked %parallel_loop3A_459 : memref<32768xi32, #tpu.memory_space<vmem>>[vector<16xi32>], vector<16xi32>, vector<16xi1>
        %parallel_loop3A_460 = arith.extui %parallel_loop3A_459 : vector<16xi1> to vector<16xi32>
        %parallel_loop3A_461 = arith.addi %parallel_loop3A_446, %parallel_loop3A_460 : vector<16xi32>
        %parallel_loop3A_462 = arith.constant 1 : i32
        %parallel_loop3A_463 = vector.broadcast %parallel_loop3A_462 : i32 to vector<16xi32>
        %parallel_loop3A_464 = arith.addi %parallel_loop3A_447, %parallel_loop3A_463 : vector<16xi32>
        scf.yield %parallel_loop3A_461, %parallel_loop3A_464 : vector<16xi32>, vector<16xi32>
      } {sc.loop_unroll_factor = 8 : i64, sc.parallel_access}
      %while3A = arith.constant 1 : i32
      %while3A_436:3 = scf.while (%while3A_445 = %while3A, %while3A_446 = %sub3A, %while3A_447 = %scan3A_430#3) : (i32, vector<16xi32>, vector<16xi32>) -> (i32, vector<16xi32>, vector<16xi32>) {
        %lt3A_448 = arith.constant 7 : i32
        %lt3A_449 = arith.cmpi slt, %while3A_445, %lt3A_448 : i32
        %reduce_max3A = arith.constant true
        %reduce_max3A_450 = vector.broadcast %reduce_max3A : i1 to vector<16xi1>
        %reduce_max3A_451 = arith.constant -2147483648 : i32
        %reduce_max3A_452 = vector.broadcast %reduce_max3A_451 : i32 to vector<16xi32>
        %reduce_max3A_453 = arith.xori %while3A_447, %reduce_max3A_452 : vector<16xi32>
        %reduce_max3A_454 = tpu.scan <max>, %reduce_max3A_453 masked %reduce_max3A_450 : vector<16xi32>, vector<16xi1> -> vector<16xi32>
        %reduce_max3A_455 = arith.xori %reduce_max3A_454, %reduce_max3A_452 : vector<16xi32>
        %reduce_max3A_456 = vector.extract %reduce_max3A_455[15] : i32 from vector<16xi32>
        %gt3A = arith.constant 1 : i32
        %gt3A_457 = arith.cmpi sgt, %reduce_max3A_456, %gt3A : i32
        %and3A = arith.andi %lt3A_449, %gt3A_457 : i1
        scf.condition(%and3A) %while3A_445, %while3A_446, %while3A_447 : i32, vector<16xi32>, vector<16xi32>
      } do {
      ^bb0(%while3A_445: i32, %while3A_446: vector<16xi32>, %while3A_447: vector<16xi32>):
        %mul3A_448 = arith.constant 4 : i32
        %mul3A_449 = arith.muli %mul3A_448, %while3A_445 : i32
        %sub3A_450 = arith.constant 24 : i32
        %sub3A_451 = arith.subi %sub3A_450, %mul3A_449 : i32
        %reduce_max3A = arith.constant true
        %reduce_max3A_452 = vector.broadcast %reduce_max3A : i1 to vector<16xi1>
        %reduce_max3A_453 = arith.constant -2147483648 : i32
        %reduce_max3A_454 = vector.broadcast %reduce_max3A_453 : i32 to vector<16xi32>
        %reduce_max3A_455 = arith.xori %while3A_447, %reduce_max3A_454 : vector<16xi32>
        %reduce_max3A_456 = tpu.scan <max>, %reduce_max3A_455 masked %reduce_max3A_452 : vector<16xi32>, vector<16xi1> -> vector<16xi32>
        %reduce_max3A_457 = arith.xori %reduce_max3A_456, %reduce_max3A_454 : vector<16xi32>
        %reduce_max3A_458 = vector.extract %reduce_max3A_457[15] : i32 from vector<16xi32>
        %swap3A_459 = arith.constant 0 : index
        %swap3A_460 = tpu.vector_load %arg7[%swap3A_459] {strides = array<i32>} : memref<256xi32, #tpu.memory_space<vmem>>, vector<16xi32>,
        tpu.vector_store %arg7[%swap3A_459], %broadcast_in_dim3A_2 {strides = array<i32>} : memref<256xi32, #tpu.memory_space<vmem>>, vector<16xi32>,
        %swap3A_461 = arith.constant 16 : index
        %swap3A_462 = tpu.vector_load %arg7[%swap3A_461] {strides = array<i32>} : memref<256xi32, #tpu.memory_space<vmem>>, vector<16xi32>,
        tpu.vector_store %arg7[%swap3A_461], %broadcast_in_dim3A_2 {strides = array<i32>} : memref<256xi32, #tpu.memory_space<vmem>>, vector<16xi32>,
        %swap3A_463 = arith.constant 32 : index
        %swap3A_464 = tpu.vector_load %arg7[%swap3A_463] {strides = array<i32>} : memref<256xi32, #tpu.memory_space<vmem>>, vector<16xi32>,
        tpu.vector_store %arg7[%swap3A_463], %broadcast_in_dim3A_2 {strides = array<i32>} : memref<256xi32, #tpu.memory_space<vmem>>, vector<16xi32>,
        %swap3A_465 = arith.constant 48 : index
        %swap3A_466 = tpu.vector_load %arg7[%swap3A_465] {strides = array<i32>} : memref<256xi32, #tpu.memory_space<vmem>>, vector<16xi32>,
        tpu.vector_store %arg7[%swap3A_465], %broadcast_in_dim3A_2 {strides = array<i32>} : memref<256xi32, #tpu.memory_space<vmem>>, vector<16xi32>,
        %swap3A_467 = arith.constant 64 : index
        %swap3A_468 = tpu.vector_load %arg7[%swap3A_467] {strides = array<i32>} : memref<256xi32, #tpu.memory_space<vmem>>, vector<16xi32>,
        tpu.vector_store %arg7[%swap3A_467], %broadcast_in_dim3A_2 {strides = array<i32>} : memref<256xi32, #tpu.memory_space<vmem>>, vector<16xi32>,
        %swap3A_469 = arith.constant 80 : index
        %swap3A_470 = tpu.vector_load %arg7[%swap3A_469] {strides = array<i32>} : memref<256xi32, #tpu.memory_space<vmem>>, vector<16xi32>,
        tpu.vector_store %arg7[%swap3A_469], %broadcast_in_dim3A_2 {strides = array<i32>} : memref<256xi32, #tpu.memory_space<vmem>>, vector<16xi32>,
        %swap3A_471 = arith.constant 96 : index
        %swap3A_472 = tpu.vector_load %arg7[%swap3A_471] {strides = array<i32>} : memref<256xi32, #tpu.memory_space<vmem>>, vector<16xi32>,
        tpu.vector_store %arg7[%swap3A_471], %broadcast_in_dim3A_2 {strides = array<i32>} : memref<256xi32, #tpu.memory_space<vmem>>, vector<16xi32>,
        %swap3A_473 = arith.constant 112 : index
        %swap3A_474 = tpu.vector_load %arg7[%swap3A_473] {strides = array<i32>} : memref<256xi32, #tpu.memory_space<vmem>>, vector<16xi32>,
        tpu.vector_store %arg7[%swap3A_473], %broadcast_in_dim3A_2 {strides = array<i32>} : memref<256xi32, #tpu.memory_space<vmem>>, vector<16xi32>,
        %swap3A_475 = arith.constant 128 : index
        %swap3A_476 = tpu.vector_load %arg7[%swap3A_475] {strides = array<i32>} : memref<256xi32, #tpu.memory_space<vmem>>, vector<16xi32>,
        tpu.vector_store %arg7[%swap3A_475], %broadcast_in_dim3A_2 {strides = array<i32>} : memref<256xi32, #tpu.memory_space<vmem>>, vector<16xi32>,
        %swap3A_477 = arith.constant 144 : index
        %swap3A_478 = tpu.vector_load %arg7[%swap3A_477] {strides = array<i32>} : memref<256xi32, #tpu.memory_space<vmem>>, vector<16xi32>,
        tpu.vector_store %arg7[%swap3A_477], %broadcast_in_dim3A_2 {strides = array<i32>} : memref<256xi32, #tpu.memory_space<vmem>>, vector<16xi32>,
        %swap3A_479 = arith.constant 160 : index
        %swap3A_480 = tpu.vector_load %arg7[%swap3A_479] {strides = array<i32>} : memref<256xi32, #tpu.memory_space<vmem>>, vector<16xi32>,
        tpu.vector_store %arg7[%swap3A_479], %broadcast_in_dim3A_2 {strides = array<i32>} : memref<256xi32, #tpu.memory_space<vmem>>, vector<16xi32>,
        %swap3A_481 = arith.constant 176 : index
        %swap3A_482 = tpu.vector_load %arg7[%swap3A_481] {strides = array<i32>} : memref<256xi32, #tpu.memory_space<vmem>>, vector<16xi32>,
        tpu.vector_store %arg7[%swap3A_481], %broadcast_in_dim3A_2 {strides = array<i32>} : memref<256xi32, #tpu.memory_space<vmem>>, vector<16xi32>,
        %swap3A_483 = arith.constant 192 : index
        %swap3A_484 = tpu.vector_load %arg7[%swap3A_483] {strides = array<i32>} : memref<256xi32, #tpu.memory_space<vmem>>, vector<16xi32>,
        tpu.vector_store %arg7[%swap3A_483], %broadcast_in_dim3A_2 {strides = array<i32>} : memref<256xi32, #tpu.memory_space<vmem>>, vector<16xi32>,
        %swap3A_485 = arith.constant 208 : index
        %swap3A_486 = tpu.vector_load %arg7[%swap3A_485] {strides = array<i32>} : memref<256xi32, #tpu.memory_space<vmem>>, vector<16xi32>,
        tpu.vector_store %arg7[%swap3A_485], %broadcast_in_dim3A_2 {strides = array<i32>} : memref<256xi32, #tpu.memory_space<vmem>>, vector<16xi32>,
        %swap3A_487 = arith.constant 224 : index
        %swap3A_488 = tpu.vector_load %arg7[%swap3A_487] {strides = array<i32>} : memref<256xi32, #tpu.memory_space<vmem>>, vector<16xi32>,
        tpu.vector_store %arg7[%swap3A_487], %broadcast_in_dim3A_2 {strides = array<i32>} : memref<256xi32, #tpu.memory_space<vmem>>, vector<16xi32>,
        %swap3A_489 = arith.constant 240 : index
        %swap3A_490 = tpu.vector_load %arg7[%swap3A_489] {strides = array<i32>} : memref<256xi32, #tpu.memory_space<vmem>>, vector<16xi32>,
        tpu.vector_store %arg7[%swap3A_489], %broadcast_in_dim3A_2 {strides = array<i32>} : memref<256xi32, #tpu.memory_space<vmem>>, vector<16xi32>,
        %parallel_loop3A_491 = arith.constant 0 : i32
        %parallel_loop3A_492 = arith.constant 1 : i32
        %parallel_loop3A_493 = scf.for %parallel_loop3A_706 = %parallel_loop3A_491 to %reduce_max3A_458 step %parallel_loop3A_492 iter_args(%parallel_loop3A_707 = %broadcast_in_dim3A_2) -> (vector<16xi32>)  : i32 {
          %parallel_loop3A_708 = arith.addi %mul3A_4, %parallel_loop3A_707 : vector<16xi32>
          %parallel_loop3A_709 = tpu.vector_load_idx %arg5[%parallel_loop3A_708] : memref<32768xi32, #tpu.memory_space<vmem>>[vector<16xi32>], vector<16xi32>,
          %parallel_loop3A_710 = vector.broadcast %sub3A_451 : i32 to vector<16xi32>
          %parallel_loop3A_711 = arith.shrui %parallel_loop3A_709, %parallel_loop3A_710 : vector<16xi32>
          %parallel_loop3A_712 = arith.constant 15 : i32
          %parallel_loop3A_713 = vector.broadcast %parallel_loop3A_712 : i32 to vector<16xi32>
          %parallel_loop3A_714 = arith.andi %parallel_loop3A_711, %parallel_loop3A_713 : vector<16xi32>
          %parallel_loop3A_715 = arith.constant 16 : i32
          %parallel_loop3A_716 = vector.broadcast %parallel_loop3A_715 : i32 to vector<16xi32>
          %parallel_loop3A_717 = arith.muli %parallel_loop3A_714, %parallel_loop3A_716 : vector<16xi32>
          %parallel_loop3A_718 = arith.addi %parallel_loop3A_717, %iota3A : vector<16xi32>
          %parallel_loop3A_719 = arith.cmpi sgt, %while3A_447, %parallel_loop3A_707 : vector<16xi32>
          tpu.vector_store_idx %arg7[%parallel_loop3A_718], %broadcast_in_dim3A_0 masked %parallel_loop3A_719 {add = true} : memref<256xi32, #tpu.memory_space<vmem>>[vector<16xi32>], vector<16xi32>, vector<16xi1>
          %parallel_loop3A_720 = arith.constant 1 : i32
          %parallel_loop3A_721 = vector.broadcast %parallel_loop3A_720 : i32 to vector<16xi32>
          %parallel_loop3A_722 = arith.addi %parallel_loop3A_707, %parallel_loop3A_721 : vector<16xi32>
          scf.yield %parallel_loop3A_722 : vector<16xi32>
        } {sc.loop_unroll_factor = 4 : i64, sc.parallel_access}
        %lt3A_494 = arith.constant 0 : i32
        %lt3A_495 = vector.broadcast %lt3A_494 : i32 to vector<16xi32>
        %lt3A_496 = arith.cmpi slt, %iota3A, %lt3A_495 : vector<16xi32>
        %get3A = arith.constant 0 : index
        %get3A_497 = tpu.vector_load %arg7[%get3A] {strides = array<i32>} : memref<256xi32, #tpu.memory_space<vmem>>, vector<16xi32>,
        %add3A_498 = arith.addi %broadcast_in_dim3A_2, %get3A_497 : vector<16xi32>
        %not3A_499 = arith.constant dense<true> : vector<16xi1>
        %not3A_500 = arith.xori %lt3A_496, %not3A_499 : vector<16xi1>
        %gt3A = arith.cmpi sgt, %add3A_498, %while3A_446 : vector<16xi32>
        %and3A = arith.andi %not3A_500, %gt3A : vector<16xi1>
        %jit3A = arith.constant 0 : i32
        %broadcast_in_dim3A_501 = vector.broadcast %jit3A : i32 to vector<16xi32>
        %select_n3A = arith.select %and3A, %broadcast_in_dim3A_501, %broadcast_in_dim3A_2 : vector<16xi1>, vector<16xi32>
        %select_n3A_502 = arith.select %and3A, %broadcast_in_dim3A_2, %broadcast_in_dim3A_2 : vector<16xi1>, vector<16xi32>
        %select_n3A_503 = arith.select %and3A, %get3A_497, %broadcast_in_dim3A_2 : vector<16xi1>, vector<16xi32>
        %or3A_504 = arith.ori %lt3A_496, %and3A : vector<16xi1>
        %get3A_505 = arith.constant 16 : index
        %get3A_506 = tpu.vector_load %arg7[%get3A_505] {strides = array<i32>} : memref<256xi32, #tpu.memory_space<vmem>>, vector<16xi32>,
        %add3A_507 = arith.addi %add3A_498, %get3A_506 : vector<16xi32>
        %not3A_508 = arith.constant dense<true> : vector<16xi1>
        %not3A_509 = arith.xori %or3A_504, %not3A_508 : vector<16xi1>
        %gt3A_510 = arith.cmpi sgt, %add3A_507, %while3A_446 : vector<16xi32>
        %and3A_511 = arith.andi %not3A_509, %gt3A_510 : vector<16xi1>
        %jit3A_512 = arith.constant 1 : i32
        %broadcast_in_dim3A_513 = vector.broadcast %jit3A_512 : i32 to vector<16xi32>
        %select_n3A_514 = arith.select %and3A_511, %broadcast_in_dim3A_513, %select_n3A : vector<16xi1>, vector<16xi32>
        %select_n3A_515 = arith.select %and3A_511, %add3A_498, %select_n3A_502 : vector<16xi1>, vector<16xi32>
        %select_n3A_516 = arith.select %and3A_511, %get3A_506, %select_n3A_503 : vector<16xi1>, vector<16xi32>
        %or3A_517 = arith.ori %or3A_504, %and3A_511 : vector<16xi1>
        %get3A_518 = arith.constant 32 : index
        %get3A_519 = tpu.vector_load %arg7[%get3A_518] {strides = array<i32>} : memref<256xi32, #tpu.memory_space<vmem>>, vector<16xi32>,
        %add3A_520 = arith.addi %add3A_507, %get3A_519 : vector<16xi32>
        %not3A_521 = arith.constant dense<true> : vector<16xi1>
        %not3A_522 = arith.xori %or3A_517, %not3A_521 : vector<16xi1>
        %gt3A_523 = arith.cmpi sgt, %add3A_520, %while3A_446 : vector<16xi32>
        %and3A_524 = arith.andi %not3A_522, %gt3A_523 : vector<16xi1>
        %jit3A_525 = arith.constant 2 : i32
        %broadcast_in_dim3A_526 = vector.broadcast %jit3A_525 : i32 to vector<16xi32>
        %select_n3A_527 = arith.select %and3A_524, %broadcast_in_dim3A_526, %select_n3A_514 : vector<16xi1>, vector<16xi32>
        %select_n3A_528 = arith.select %and3A_524, %add3A_507, %select_n3A_515 : vector<16xi1>, vector<16xi32>
        %select_n3A_529 = arith.select %and3A_524, %get3A_519, %select_n3A_516 : vector<16xi1>, vector<16xi32>
        %or3A_530 = arith.ori %or3A_517, %and3A_524 : vector<16xi1>
        %get3A_531 = arith.constant 48 : index
        %get3A_532 = tpu.vector_load %arg7[%get3A_531] {strides = array<i32>} : memref<256xi32, #tpu.memory_space<vmem>>, vector<16xi32>,
        %add3A_533 = arith.addi %add3A_520, %get3A_532 : vector<16xi32>
        %not3A_534 = arith.constant dense<true> : vector<16xi1>
        %not3A_535 = arith.xori %or3A_530, %not3A_534 : vector<16xi1>
        %gt3A_536 = arith.cmpi sgt, %add3A_533, %while3A_446 : vector<16xi32>
        %and3A_537 = arith.andi %not3A_535, %gt3A_536 : vector<16xi1>
        %jit3A_538 = arith.constant 3 : i32
        %broadcast_in_dim3A_539 = vector.broadcast %jit3A_538 : i32 to vector<16xi32>
        %select_n3A_540 = arith.select %and3A_537, %broadcast_in_dim3A_539, %select_n3A_527 : vector<16xi1>, vector<16xi32>
        %select_n3A_541 = arith.select %and3A_537, %add3A_520, %select_n3A_528 : vector<16xi1>, vector<16xi32>
        %select_n3A_542 = arith.select %and3A_537, %get3A_532, %select_n3A_529 : vector<16xi1>, vector<16xi32>
        %or3A_543 = arith.ori %or3A_530, %and3A_537 : vector<16xi1>
        %get3A_544 = arith.constant 64 : index
        %get3A_545 = tpu.vector_load %arg7[%get3A_544] {strides = array<i32>} : memref<256xi32, #tpu.memory_space<vmem>>, vector<16xi32>,
        %add3A_546 = arith.addi %add3A_533, %get3A_545 : vector<16xi32>
        %not3A_547 = arith.constant dense<true> : vector<16xi1>
        %not3A_548 = arith.xori %or3A_543, %not3A_547 : vector<16xi1>
        %gt3A_549 = arith.cmpi sgt, %add3A_546, %while3A_446 : vector<16xi32>
        %and3A_550 = arith.andi %not3A_548, %gt3A_549 : vector<16xi1>
        %jit3A_551 = arith.constant 4 : i32
        %broadcast_in_dim3A_552 = vector.broadcast %jit3A_551 : i32 to vector<16xi32>
        %select_n3A_553 = arith.select %and3A_550, %broadcast_in_dim3A_552, %select_n3A_540 : vector<16xi1>, vector<16xi32>
        %select_n3A_554 = arith.select %and3A_550, %add3A_533, %select_n3A_541 : vector<16xi1>, vector<16xi32>
        %select_n3A_555 = arith.select %and3A_550, %get3A_545, %select_n3A_542 : vector<16xi1>, vector<16xi32>
        %or3A_556 = arith.ori %or3A_543, %and3A_550 : vector<16xi1>
        %get3A_557 = arith.constant 80 : index
        %get3A_558 = tpu.vector_load %arg7[%get3A_557] {strides = array<i32>} : memref<256xi32, #tpu.memory_space<vmem>>, vector<16xi32>,
        %add3A_559 = arith.addi %add3A_546, %get3A_558 : vector<16xi32>
        %not3A_560 = arith.constant dense<true> : vector<16xi1>
        %not3A_561 = arith.xori %or3A_556, %not3A_560 : vector<16xi1>
        %gt3A_562 = arith.cmpi sgt, %add3A_559, %while3A_446 : vector<16xi32>
        %and3A_563 = arith.andi %not3A_561, %gt3A_562 : vector<16xi1>
        %jit3A_564 = arith.constant 5 : i32
        %broadcast_in_dim3A_565 = vector.broadcast %jit3A_564 : i32 to vector<16xi32>
        %select_n3A_566 = arith.select %and3A_563, %broadcast_in_dim3A_565, %select_n3A_553 : vector<16xi1>, vector<16xi32>
        %select_n3A_567 = arith.select %and3A_563, %add3A_546, %select_n3A_554 : vector<16xi1>, vector<16xi32>
        %select_n3A_568 = arith.select %and3A_563, %get3A_558, %select_n3A_555 : vector<16xi1>, vector<16xi32>
        %or3A_569 = arith.ori %or3A_556, %and3A_563 : vector<16xi1>
        %get3A_570 = arith.constant 96 : index
        %get3A_571 = tpu.vector_load %arg7[%get3A_570] {strides = array<i32>} : memref<256xi32, #tpu.memory_space<vmem>>, vector<16xi32>,
        %add3A_572 = arith.addi %add3A_559, %get3A_571 : vector<16xi32>
        %not3A_573 = arith.constant dense<true> : vector<16xi1>
        %not3A_574 = arith.xori %or3A_569, %not3A_573 : vector<16xi1>
        %gt3A_575 = arith.cmpi sgt, %add3A_572, %while3A_446 : vector<16xi32>
        %and3A_576 = arith.andi %not3A_574, %gt3A_575 : vector<16xi1>
        %jit3A_577 = arith.constant 6 : i32
        %broadcast_in_dim3A_578 = vector.broadcast %jit3A_577 : i32 to vector<16xi32>
        %select_n3A_579 = arith.select %and3A_576, %broadcast_in_dim3A_578, %select_n3A_566 : vector<16xi1>, vector<16xi32>
        %select_n3A_580 = arith.select %and3A_576, %add3A_559, %select_n3A_567 : vector<16xi1>, vector<16xi32>
        %select_n3A_581 = arith.select %and3A_576, %get3A_571, %select_n3A_568 : vector<16xi1>, vector<16xi32>
        %or3A_582 = arith.ori %or3A_569, %and3A_576 : vector<16xi1>
        %get3A_583 = arith.constant 112 : index
        %get3A_584 = tpu.vector_load %arg7[%get3A_583] {strides = array<i32>} : memref<256xi32, #tpu.memory_space<vmem>>, vector<16xi32>,
        %add3A_585 = arith.addi %add3A_572, %get3A_584 : vector<16xi32>
        %not3A_586 = arith.constant dense<true> : vector<16xi1>
        %not3A_587 = arith.xori %or3A_582, %not3A_586 : vector<16xi1>
        %gt3A_588 = arith.cmpi sgt, %add3A_585, %while3A_446 : vector<16xi32>
        %and3A_589 = arith.andi %not3A_587, %gt3A_588 : vector<16xi1>
        %jit3A_590 = arith.constant 7 : i32
        %broadcast_in_dim3A_591 = vector.broadcast %jit3A_590 : i32 to vector<16xi32>
        %select_n3A_592 = arith.select %and3A_589, %broadcast_in_dim3A_591, %select_n3A_579 : vector<16xi1>, vector<16xi32>
        %select_n3A_593 = arith.select %and3A_589, %add3A_572, %select_n3A_580 : vector<16xi1>, vector<16xi32>
        %select_n3A_594 = arith.select %and3A_589, %get3A_584, %select_n3A_581 : vector<16xi1>, vector<16xi32>
        %or3A_595 = arith.ori %or3A_582, %and3A_589 : vector<16xi1>
        %get3A_596 = arith.constant 128 : index
        %get3A_597 = tpu.vector_load %arg7[%get3A_596] {strides = array<i32>} : memref<256xi32, #tpu.memory_space<vmem>>, vector<16xi32>,
        %add3A_598 = arith.addi %add3A_585, %get3A_597 : vector<16xi32>
        %not3A_599 = arith.constant dense<true> : vector<16xi1>
        %not3A_600 = arith.xori %or3A_595, %not3A_599 : vector<16xi1>
        %gt3A_601 = arith.cmpi sgt, %add3A_598, %while3A_446 : vector<16xi32>
        %and3A_602 = arith.andi %not3A_600, %gt3A_601 : vector<16xi1>
        %jit3A_603 = arith.constant 8 : i32
        %broadcast_in_dim3A_604 = vector.broadcast %jit3A_603 : i32 to vector<16xi32>
        %select_n3A_605 = arith.select %and3A_602, %broadcast_in_dim3A_604, %select_n3A_592 : vector<16xi1>, vector<16xi32>
        %select_n3A_606 = arith.select %and3A_602, %add3A_585, %select_n3A_593 : vector<16xi1>, vector<16xi32>
        %select_n3A_607 = arith.select %and3A_602, %get3A_597, %select_n3A_594 : vector<16xi1>, vector<16xi32>
        %or3A_608 = arith.ori %or3A_595, %and3A_602 : vector<16xi1>
        %get3A_609 = arith.constant 144 : index
        %get3A_610 = tpu.vector_load %arg7[%get3A_609] {strides = array<i32>} : memref<256xi32, #tpu.memory_space<vmem>>, vector<16xi32>,
        %add3A_611 = arith.addi %add3A_598, %get3A_610 : vector<16xi32>
        %not3A_612 = arith.constant dense<true> : vector<16xi1>
        %not3A_613 = arith.xori %or3A_608, %not3A_612 : vector<16xi1>
        %gt3A_614 = arith.cmpi sgt, %add3A_611, %while3A_446 : vector<16xi32>
        %and3A_615 = arith.andi %not3A_613, %gt3A_614 : vector<16xi1>
        %jit3A_616 = arith.constant 9 : i32
        %broadcast_in_dim3A_617 = vector.broadcast %jit3A_616 : i32 to vector<16xi32>
        %select_n3A_618 = arith.select %and3A_615, %broadcast_in_dim3A_617, %select_n3A_605 : vector<16xi1>, vector<16xi32>
        %select_n3A_619 = arith.select %and3A_615, %add3A_598, %select_n3A_606 : vector<16xi1>, vector<16xi32>
        %select_n3A_620 = arith.select %and3A_615, %get3A_610, %select_n3A_607 : vector<16xi1>, vector<16xi32>
        %or3A_621 = arith.ori %or3A_608, %and3A_615 : vector<16xi1>
        %get3A_622 = arith.constant 160 : index
        %get3A_623 = tpu.vector_load %arg7[%get3A_622] {strides = array<i32>} : memref<256xi32, #tpu.memory_space<vmem>>, vector<16xi32>,
        %add3A_624 = arith.addi %add3A_611, %get3A_623 : vector<16xi32>
        %not3A_625 = arith.constant dense<true> : vector<16xi1>
        %not3A_626 = arith.xori %or3A_621, %not3A_625 : vector<16xi1>
        %gt3A_627 = arith.cmpi sgt, %add3A_624, %while3A_446 : vector<16xi32>
        %and3A_628 = arith.andi %not3A_626, %gt3A_627 : vector<16xi1>
        %jit3A_629 = arith.constant 10 : i32
        %broadcast_in_dim3A_630 = vector.broadcast %jit3A_629 : i32 to vector<16xi32>
        %select_n3A_631 = arith.select %and3A_628, %broadcast_in_dim3A_630, %select_n3A_618 : vector<16xi1>, vector<16xi32>
        %select_n3A_632 = arith.select %and3A_628, %add3A_611, %select_n3A_619 : vector<16xi1>, vector<16xi32>
        %select_n3A_633 = arith.select %and3A_628, %get3A_623, %select_n3A_620 : vector<16xi1>, vector<16xi32>
        %or3A_634 = arith.ori %or3A_621, %and3A_628 : vector<16xi1>
        %get3A_635 = arith.constant 176 : index
        %get3A_636 = tpu.vector_load %arg7[%get3A_635] {strides = array<i32>} : memref<256xi32, #tpu.memory_space<vmem>>, vector<16xi32>,
        %add3A_637 = arith.addi %add3A_624, %get3A_636 : vector<16xi32>
        %not3A_638 = arith.constant dense<true> : vector<16xi1>
        %not3A_639 = arith.xori %or3A_634, %not3A_638 : vector<16xi1>
        %gt3A_640 = arith.cmpi sgt, %add3A_637, %while3A_446 : vector<16xi32>
        %and3A_641 = arith.andi %not3A_639, %gt3A_640 : vector<16xi1>
        %jit3A_642 = arith.constant 11 : i32
        %broadcast_in_dim3A_643 = vector.broadcast %jit3A_642 : i32 to vector<16xi32>
        %select_n3A_644 = arith.select %and3A_641, %broadcast_in_dim3A_643, %select_n3A_631 : vector<16xi1>, vector<16xi32>
        %select_n3A_645 = arith.select %and3A_641, %add3A_624, %select_n3A_632 : vector<16xi1>, vector<16xi32>
        %select_n3A_646 = arith.select %and3A_641, %get3A_636, %select_n3A_633 : vector<16xi1>, vector<16xi32>
        %or3A_647 = arith.ori %or3A_634, %and3A_641 : vector<16xi1>
        %get3A_648 = arith.constant 192 : index
        %get3A_649 = tpu.vector_load %arg7[%get3A_648] {strides = array<i32>} : memref<256xi32, #tpu.memory_space<vmem>>, vector<16xi32>,
        %add3A_650 = arith.addi %add3A_637, %get3A_649 : vector<16xi32>
        %not3A_651 = arith.constant dense<true> : vector<16xi1>
        %not3A_652 = arith.xori %or3A_647, %not3A_651 : vector<16xi1>
        %gt3A_653 = arith.cmpi sgt, %add3A_650, %while3A_446 : vector<16xi32>
        %and3A_654 = arith.andi %not3A_652, %gt3A_653 : vector<16xi1>
        %jit3A_655 = arith.constant 12 : i32
        %broadcast_in_dim3A_656 = vector.broadcast %jit3A_655 : i32 to vector<16xi32>
        %select_n3A_657 = arith.select %and3A_654, %broadcast_in_dim3A_656, %select_n3A_644 : vector<16xi1>, vector<16xi32>
        %select_n3A_658 = arith.select %and3A_654, %add3A_637, %select_n3A_645 : vector<16xi1>, vector<16xi32>
        %select_n3A_659 = arith.select %and3A_654, %get3A_649, %select_n3A_646 : vector<16xi1>, vector<16xi32>
        %or3A_660 = arith.ori %or3A_647, %and3A_654 : vector<16xi1>
        %get3A_661 = arith.constant 208 : index
        %get3A_662 = tpu.vector_load %arg7[%get3A_661] {strides = array<i32>} : memref<256xi32, #tpu.memory_space<vmem>>, vector<16xi32>,
        %add3A_663 = arith.addi %add3A_650, %get3A_662 : vector<16xi32>
        %not3A_664 = arith.constant dense<true> : vector<16xi1>
        %not3A_665 = arith.xori %or3A_660, %not3A_664 : vector<16xi1>
        %gt3A_666 = arith.cmpi sgt, %add3A_663, %while3A_446 : vector<16xi32>
        %and3A_667 = arith.andi %not3A_665, %gt3A_666 : vector<16xi1>
        %jit3A_668 = arith.constant 13 : i32
        %broadcast_in_dim3A_669 = vector.broadcast %jit3A_668 : i32 to vector<16xi32>
        %select_n3A_670 = arith.select %and3A_667, %broadcast_in_dim3A_669, %select_n3A_657 : vector<16xi1>, vector<16xi32>
        %select_n3A_671 = arith.select %and3A_667, %add3A_650, %select_n3A_658 : vector<16xi1>, vector<16xi32>
        %select_n3A_672 = arith.select %and3A_667, %get3A_662, %select_n3A_659 : vector<16xi1>, vector<16xi32>
        %or3A_673 = arith.ori %or3A_660, %and3A_667 : vector<16xi1>
        %get3A_674 = arith.constant 224 : index
        %get3A_675 = tpu.vector_load %arg7[%get3A_674] {strides = array<i32>} : memref<256xi32, #tpu.memory_space<vmem>>, vector<16xi32>,
        %add3A_676 = arith.addi %add3A_663, %get3A_675 : vector<16xi32>
        %not3A_677 = arith.constant dense<true> : vector<16xi1>
        %not3A_678 = arith.xori %or3A_673, %not3A_677 : vector<16xi1>
        %gt3A_679 = arith.cmpi sgt, %add3A_676, %while3A_446 : vector<16xi32>
        %and3A_680 = arith.andi %not3A_678, %gt3A_679 : vector<16xi1>
        %jit3A_681 = arith.constant 14 : i32
        %broadcast_in_dim3A_682 = vector.broadcast %jit3A_681 : i32 to vector<16xi32>
        %select_n3A_683 = arith.select %and3A_680, %broadcast_in_dim3A_682, %select_n3A_670 : vector<16xi1>, vector<16xi32>
        %select_n3A_684 = arith.select %and3A_680, %add3A_663, %select_n3A_671 : vector<16xi1>, vector<16xi32>
        %select_n3A_685 = arith.select %and3A_680, %get3A_675, %select_n3A_672 : vector<16xi1>, vector<16xi32>
        %or3A_686 = arith.ori %or3A_673, %and3A_680 : vector<16xi1>
        %get3A_687 = arith.constant 240 : index
        %get3A_688 = tpu.vector_load %arg7[%get3A_687] {strides = array<i32>} : memref<256xi32, #tpu.memory_space<vmem>>, vector<16xi32>,
        %add3A_689 = arith.addi %add3A_676, %get3A_688 : vector<16xi32>
        %not3A_690 = arith.constant dense<true> : vector<16xi1>
        %not3A_691 = arith.xori %or3A_686, %not3A_690 : vector<16xi1>
        %gt3A_692 = arith.cmpi sgt, %add3A_689, %while3A_446 : vector<16xi32>
        %and3A_693 = arith.andi %not3A_691, %gt3A_692 : vector<16xi1>
        %jit3A_694 = arith.constant 15 : i32
        %broadcast_in_dim3A_695 = vector.broadcast %jit3A_694 : i32 to vector<16xi32>
        %select_n3A_696 = arith.select %and3A_693, %broadcast_in_dim3A_695, %select_n3A_683 : vector<16xi1>, vector<16xi32>
        %select_n3A_697 = arith.select %and3A_693, %add3A_676, %select_n3A_684 : vector<16xi1>, vector<16xi32>
        %select_n3A_698 = arith.select %and3A_693, %get3A_688, %select_n3A_685 : vector<16xi1>, vector<16xi32>
        %or3A_699 = arith.ori %or3A_686, %and3A_693 : vector<16xi1>
        %parallel_loop3A_700 = arith.constant 0 : i32
        %parallel_loop3A_701 = arith.constant 1 : i32
        %parallel_loop3A_702:2 = scf.for %parallel_loop3A_706 = %parallel_loop3A_700 to %reduce_max3A_458 step %parallel_loop3A_701 iter_args(%parallel_loop3A_707 = %mul3A_4, %parallel_loop3A_708 = %broadcast_in_dim3A_2) -> (vector<16xi32>, vector<16xi32>)  : i32 {
          %parallel_loop3A_709 = arith.addi %mul3A_4, %parallel_loop3A_708 : vector<16xi32>
          %parallel_loop3A_710 = tpu.vector_load_idx %arg5[%parallel_loop3A_709] : memref<32768xi32, #tpu.memory_space<vmem>>[vector<16xi32>], vector<16xi32>,
          %parallel_loop3A_711 = vector.broadcast %sub3A_451 : i32 to vector<16xi32>
          %parallel_loop3A_712 = arith.shrui %parallel_loop3A_710, %parallel_loop3A_711 : vector<16xi32>
          %parallel_loop3A_713 = arith.constant 15 : i32
          %parallel_loop3A_714 = vector.broadcast %parallel_loop3A_713 : i32 to vector<16xi32>
          %parallel_loop3A_715 = arith.andi %parallel_loop3A_712, %parallel_loop3A_714 : vector<16xi32>
          %parallel_loop3A_716 = arith.cmpi eq, %parallel_loop3A_715, %select_n3A_696 : vector<16xi32>
          %parallel_loop3A_717 = arith.cmpi sgt, %while3A_447, %parallel_loop3A_708 : vector<16xi32>
          %parallel_loop3A_718 = arith.andi %parallel_loop3A_716, %parallel_loop3A_717 : vector<16xi1>
          tpu.vector_store_idx %arg5[%parallel_loop3A_707], %parallel_loop3A_710 masked %parallel_loop3A_718 : memref<32768xi32, #tpu.memory_space<vmem>>[vector<16xi32>], vector<16xi32>, vector<16xi1>
          %parallel_loop3A_719 = arith.extui %parallel_loop3A_718 : vector<16xi1> to vector<16xi32>
          %parallel_loop3A_720 = arith.addi %parallel_loop3A_707, %parallel_loop3A_719 : vector<16xi32>
          %parallel_loop3A_721 = arith.constant 1 : i32
          %parallel_loop3A_722 = vector.broadcast %parallel_loop3A_721 : i32 to vector<16xi32>
          %parallel_loop3A_723 = arith.addi %parallel_loop3A_708, %parallel_loop3A_722 : vector<16xi32>
          scf.yield %parallel_loop3A_720, %parallel_loop3A_723 : vector<16xi32>, vector<16xi32>
        } {sc.loop_unroll_factor = 4 : i64, sc.parallel_access}
        %add3A_703 = arith.constant 1 : i32
        %add3A_704 = arith.addi %while3A_445, %add3A_703 : i32
        %sub3A_705 = arith.subi %while3A_446, %select_n3A_697 : vector<16xi32>
        scf.yield %add3A_704, %sub3A_705, %select_n3A_698 : i32, vector<16xi32>, vector<16xi32>
      }
      %gather3A = tpu.vector_load_idx %arg5[%mul3A_4] : memref<32768xi32, #tpu.memory_space<vmem>>[vector<16xi32>], vector<16xi32>,
      %shift_right_arithmetic3A = arith.constant 31 : i32
      %shift_right_arithmetic3A_437 = vector.broadcast %shift_right_arithmetic3A : i32 to vector<16xi32>
      %shift_right_arithmetic3A_438 = arith.shrsi %gather3A, %shift_right_arithmetic3A_437 : vector<16xi32>
      %not3A = arith.constant dense<-1> : vector<16xi32>
      %not3A_439 = arith.xori %shift_right_arithmetic3A_438, %not3A : vector<16xi32>
      %or3A = vector.broadcast %scan3A : i32 to vector<16xi32>
      %or3A_440 = arith.ori %not3A_439, %or3A : vector<16xi32>
      %xor3A = arith.xori %gather3A, %or3A_440 : vector<16xi32>
      %bitcast_convert_type3A = tpu.bitcast %xor3A : vector<16xi32> -> vector<16xf32>
      %mul3A_441 = arith.constant 16 : i32
      %mul3A_442 = arith.muli %scan3A_18, %mul3A_441 : i32
      %swap3A = arith.index_cast %mul3A_442 : i32 to index
      %swap3A_443 = tpu.vector_load %arg8[%swap3A] {strides = array<i32>} : memref<80xf32, #tpu.memory_space<vmem>>, vector<16xf32>,
      tpu.vector_store %arg8[%swap3A], %bitcast_convert_type3A {strides = array<i32>} : memref<80xf32, #tpu.memory_space<vmem>>, vector<16xf32>,
      %scan3A_444 = arith.constant 0 : i32
      scf.yield %scan3A_444 : i32
    }
    %scan3A_17 = arith.constant 5 : i32
    "tpu.region"() ({
      %run_scoped3A = tpu.sem_alloc : memref<!tpu.dma_semaphore, #tpu.memory_space<semaphore_mem>>
      %dma_start3A = tpu.memref_slice %arg3[%mul3A_8] : memref<2560xf32, #tpu.memory_space<hbm>> -> memref<80xf32, #tpu.memory_space<hbm>>
      %dma_start3A_18 = tpu.memref_slice %arg3[%mul3A_8] : memref<2560xf32, #tpu.memory_space<hbm>> -> memref<80xf32, #tpu.memory_space<hbm>>
      tpu.enqueue_dma source(%arg8 : memref<80xf32, #tpu.memory_space<vmem>>) target(%dma_start3A_18 : memref<80xf32, #tpu.memory_space<hbm>>) target_semaphore(%run_scoped3A : memref<!tpu.dma_semaphore, #tpu.memory_space<semaphore_mem>>)
      %dma_wait3A = tpu.memref_slice %arg3[%mul3A_8] : memref<2560xf32, #tpu.memory_space<hbm>> -> memref<80xf32, #tpu.memory_space<hbm>>
      %dma_wait3A_19 = tpu.memref_slice %arg3[%mul3A_8] : memref<2560xf32, #tpu.memory_space<hbm>> -> memref<80xf32, #tpu.memory_space<hbm>>
      tpu.wait_dma2 semaphore(%run_scoped3A : memref<!tpu.dma_semaphore, #tpu.memory_space<semaphore_mem>>) src(%arg8 : memref<80xf32, #tpu.memory_space<vmem>>) dst(%dma_wait3A_19 : memref<80xf32, #tpu.memory_space<hbm>>)
      tpu.yield
    }) : () -> ()
    return
  }
}

module attributes {stable_mosaic.version = 14 : i64} {
  func.func @_tc_median_block_kernel(%arg0: i32, %arg1: memref<256x2048xf32, #tpu.memory_space<vmem>>, %arg2: memref<256x1xf32, #tpu.memory_space<vmem>>) attributes {dimension_semantics = [#tpu.dimension_semantics<arbitrary>], iteration_bounds = array<i64: 22>, scalar_prefetch = 0 : i64, scratch_operands = 0 : i64, tpu.core_type = #tpu.core_type<tc>, window_params = [{transform_indices = @transform_0, window_bounds = array<i64: 256, 2048>}, {transform_indices = @transform_1, window_bounds = array<i64: 256, 1>}]} {
    %get3A = arith.constant 0 : index
    %get3A_0 = arith.constant 0 : index
    %get3A_1 = vector.load %arg1[%get3A, %get3A_0] : memref<256x2048xf32, #tpu.memory_space<vmem>>, vector<256x2048xf32>
    %bitcast_convert_type3A = tpu.bitcast %get3A_1 : vector<256x2048xf32> -> vector<256x2048xi32>
    %ge3A = arith.constant 0 : i32
    %ge3A_2 = vector.broadcast %ge3A : i32 to vector<256x2048xi32>
    %ge3A_3 = arith.cmpi sge, %bitcast_convert_type3A, %ge3A_2 : vector<256x2048xi32>
    %sub3A = arith.constant -2147483648 : i32
    %sub3A_4 = vector.broadcast %sub3A : i32 to vector<256x2048xi32>
    %sub3A_5 = arith.subi %sub3A_4, %bitcast_convert_type3A : vector<256x2048xi32>
    %select_n3A = arith.select %ge3A_3, %bitcast_convert_type3A, %sub3A_5 : vector<256x2048xi1>, vector<256x2048xi32>
    %broadcast_in_dim3A = arith.constant 0 : i32
    %broadcast_in_dim3A_6 = vector.broadcast %broadcast_in_dim3A : i32 to vector<256x1xi32>
    %or3A = arith.constant -2147483648 : i32
    %or3A_7 = vector.broadcast %or3A : i32 to vector<256x1xi32>
    %or3A_8 = arith.ori %broadcast_in_dim3A_6, %or3A_7 : vector<256x1xi32>
    %xor3A = arith.constant -2147483648 : i32
    %xor3A_9 = vector.broadcast %xor3A : i32 to vector<256x1xi32>
    %xor3A_10 = arith.xori %or3A_8, %xor3A_9 : vector<256x1xi32>
    %lt3A = vector.broadcast %xor3A_10 : vector<256x1xi32> to vector<256x2048xi32>
    %lt3A_11 = arith.cmpi slt, %select_n3A, %lt3A : vector<256x2048xi32>
    %convert_element_type3A = arith.extui %lt3A_11 : vector<256x2048xi1> to vector<256x2048xi32>
    %reduce_sum3A = arith.constant dense<0> : vector<256xi32>
    %reduce_sum3A_12 = vector.multi_reduction <add>, %convert_element_type3A, %reduce_sum3A [1] : vector<256x2048xi32> to vector<256xi32>
    %broadcast_in_dim3A_13 = vector.shape_cast %reduce_sum3A_12 : vector<256xi32> to vector<256x1xi32>
    %le3A = arith.constant 1023 : i32
    %le3A_14 = vector.broadcast %le3A : i32 to vector<256x1xi32>
    %le3A_15 = arith.cmpi sle, %broadcast_in_dim3A_13, %le3A_14 : vector<256x1xi32>
    %select_n3A_16 = arith.select %le3A_15, %or3A_8, %broadcast_in_dim3A_6 : vector<256x1xi1>, vector<256x1xi32>
    %or3A_17 = arith.constant 1073741824 : i32
    %or3A_18 = vector.broadcast %or3A_17 : i32 to vector<256x1xi32>
    %or3A_19 = arith.ori %select_n3A_16, %or3A_18 : vector<256x1xi32>
    %xor3A_20 = arith.constant -2147483648 : i32
    %xor3A_21 = vector.broadcast %xor3A_20 : i32 to vector<256x1xi32>
    %xor3A_22 = arith.xori %or3A_19, %xor3A_21 : vector<256x1xi32>
    %lt3A_23 = vector.broadcast %xor3A_22 : vector<256x1xi32> to vector<256x2048xi32>
    %lt3A_24 = arith.cmpi slt, %select_n3A, %lt3A_23 : vector<256x2048xi32>
    %convert_element_type3A_25 = arith.extui %lt3A_24 : vector<256x2048xi1> to vector<256x2048xi32>
    %reduce_sum3A_26 = arith.constant dense<0> : vector<256xi32>
    %reduce_sum3A_27 = vector.multi_reduction <add>, %convert_element_type3A_25, %reduce_sum3A_26 [1] : vector<256x2048xi32> to vector<256xi32>
    %broadcast_in_dim3A_28 = vector.shape_cast %reduce_sum3A_27 : vector<256xi32> to vector<256x1xi32>
    %le3A_29 = arith.constant 1023 : i32
    %le3A_30 = vector.broadcast %le3A_29 : i32 to vector<256x1xi32>
    %le3A_31 = arith.cmpi sle, %broadcast_in_dim3A_28, %le3A_30 : vector<256x1xi32>
    %select_n3A_32 = arith.select %le3A_31, %or3A_19, %select_n3A_16 : vector<256x1xi1>, vector<256x1xi32>
    %or3A_33 = arith.constant 536870912 : i32
    %or3A_34 = vector.broadcast %or3A_33 : i32 to vector<256x1xi32>
    %or3A_35 = arith.ori %select_n3A_32, %or3A_34 : vector<256x1xi32>
    %xor3A_36 = arith.constant -2147483648 : i32
    %xor3A_37 = vector.broadcast %xor3A_36 : i32 to vector<256x1xi32>
    %xor3A_38 = arith.xori %or3A_35, %xor3A_37 : vector<256x1xi32>
    %lt3A_39 = vector.broadcast %xor3A_38 : vector<256x1xi32> to vector<256x2048xi32>
    %lt3A_40 = arith.cmpi slt, %select_n3A, %lt3A_39 : vector<256x2048xi32>
    %convert_element_type3A_41 = arith.extui %lt3A_40 : vector<256x2048xi1> to vector<256x2048xi32>
    %reduce_sum3A_42 = arith.constant dense<0> : vector<256xi32>
    %reduce_sum3A_43 = vector.multi_reduction <add>, %convert_element_type3A_41, %reduce_sum3A_42 [1] : vector<256x2048xi32> to vector<256xi32>
    %broadcast_in_dim3A_44 = vector.shape_cast %reduce_sum3A_43 : vector<256xi32> to vector<256x1xi32>
    %le3A_45 = arith.constant 1023 : i32
    %le3A_46 = vector.broadcast %le3A_45 : i32 to vector<256x1xi32>
    %le3A_47 = arith.cmpi sle, %broadcast_in_dim3A_44, %le3A_46 : vector<256x1xi32>
    %select_n3A_48 = arith.select %le3A_47, %or3A_35, %select_n3A_32 : vector<256x1xi1>, vector<256x1xi32>
    %or3A_49 = arith.constant 268435456 : i32
    %or3A_50 = vector.broadcast %or3A_49 : i32 to vector<256x1xi32>
    %or3A_51 = arith.ori %select_n3A_48, %or3A_50 : vector<256x1xi32>
    %xor3A_52 = arith.constant -2147483648 : i32
    %xor3A_53 = vector.broadcast %xor3A_52 : i32 to vector<256x1xi32>
    %xor3A_54 = arith.xori %or3A_51, %xor3A_53 : vector<256x1xi32>
    %lt3A_55 = vector.broadcast %xor3A_54 : vector<256x1xi32> to vector<256x2048xi32>
    %lt3A_56 = arith.cmpi slt, %select_n3A, %lt3A_55 : vector<256x2048xi32>
    %convert_element_type3A_57 = arith.extui %lt3A_56 : vector<256x2048xi1> to vector<256x2048xi32>
    %reduce_sum3A_58 = arith.constant dense<0> : vector<256xi32>
    %reduce_sum3A_59 = vector.multi_reduction <add>, %convert_element_type3A_57, %reduce_sum3A_58 [1] : vector<256x2048xi32> to vector<256xi32>
    %broadcast_in_dim3A_60 = vector.shape_cast %reduce_sum3A_59 : vector<256xi32> to vector<256x1xi32>
    %le3A_61 = arith.constant 1023 : i32
    %le3A_62 = vector.broadcast %le3A_61 : i32 to vector<256x1xi32>
    %le3A_63 = arith.cmpi sle, %broadcast_in_dim3A_60, %le3A_62 : vector<256x1xi32>
    %select_n3A_64 = arith.select %le3A_63, %or3A_51, %select_n3A_48 : vector<256x1xi1>, vector<256x1xi32>
    %or3A_65 = arith.constant 134217728 : i32
    %or3A_66 = vector.broadcast %or3A_65 : i32 to vector<256x1xi32>
    %or3A_67 = arith.ori %select_n3A_64, %or3A_66 : vector<256x1xi32>
    %xor3A_68 = arith.constant -2147483648 : i32
    %xor3A_69 = vector.broadcast %xor3A_68 : i32 to vector<256x1xi32>
    %xor3A_70 = arith.xori %or3A_67, %xor3A_69 : vector<256x1xi32>
    %lt3A_71 = vector.broadcast %xor3A_70 : vector<256x1xi32> to vector<256x2048xi32>
    %lt3A_72 = arith.cmpi slt, %select_n3A, %lt3A_71 : vector<256x2048xi32>
    %convert_element_type3A_73 = arith.extui %lt3A_72 : vector<256x2048xi1> to vector<256x2048xi32>
    %reduce_sum3A_74 = arith.constant dense<0> : vector<256xi32>
    %reduce_sum3A_75 = vector.multi_reduction <add>, %convert_element_type3A_73, %reduce_sum3A_74 [1] : vector<256x2048xi32> to vector<256xi32>
    %broadcast_in_dim3A_76 = vector.shape_cast %reduce_sum3A_75 : vector<256xi32> to vector<256x1xi32>
    %le3A_77 = arith.constant 1023 : i32
    %le3A_78 = vector.broadcast %le3A_77 : i32 to vector<256x1xi32>
    %le3A_79 = arith.cmpi sle, %broadcast_in_dim3A_76, %le3A_78 : vector<256x1xi32>
    %select_n3A_80 = arith.select %le3A_79, %or3A_67, %select_n3A_64 : vector<256x1xi1>, vector<256x1xi32>
    %or3A_81 = arith.constant 67108864 : i32
    %or3A_82 = vector.broadcast %or3A_81 : i32 to vector<256x1xi32>
    %or3A_83 = arith.ori %select_n3A_80, %or3A_82 : vector<256x1xi32>
    %xor3A_84 = arith.constant -2147483648 : i32
    %xor3A_85 = vector.broadcast %xor3A_84 : i32 to vector<256x1xi32>
    %xor3A_86 = arith.xori %or3A_83, %xor3A_85 : vector<256x1xi32>
    %lt3A_87 = vector.broadcast %xor3A_86 : vector<256x1xi32> to vector<256x2048xi32>
    %lt3A_88 = arith.cmpi slt, %select_n3A, %lt3A_87 : vector<256x2048xi32>
    %convert_element_type3A_89 = arith.extui %lt3A_88 : vector<256x2048xi1> to vector<256x2048xi32>
    %reduce_sum3A_90 = arith.constant dense<0> : vector<256xi32>
    %reduce_sum3A_91 = vector.multi_reduction <add>, %convert_element_type3A_89, %reduce_sum3A_90 [1] : vector<256x2048xi32> to vector<256xi32>
    %broadcast_in_dim3A_92 = vector.shape_cast %reduce_sum3A_91 : vector<256xi32> to vector<256x1xi32>
    %le3A_93 = arith.constant 1023 : i32
    %le3A_94 = vector.broadcast %le3A_93 : i32 to vector<256x1xi32>
    %le3A_95 = arith.cmpi sle, %broadcast_in_dim3A_92, %le3A_94 : vector<256x1xi32>
    %select_n3A_96 = arith.select %le3A_95, %or3A_83, %select_n3A_80 : vector<256x1xi1>, vector<256x1xi32>
    %or3A_97 = arith.constant 33554432 : i32
    %or3A_98 = vector.broadcast %or3A_97 : i32 to vector<256x1xi32>
    %or3A_99 = arith.ori %select_n3A_96, %or3A_98 : vector<256x1xi32>
    %xor3A_100 = arith.constant -2147483648 : i32
    %xor3A_101 = vector.broadcast %xor3A_100 : i32 to vector<256x1xi32>
    %xor3A_102 = arith.xori %or3A_99, %xor3A_101 : vector<256x1xi32>
    %lt3A_103 = vector.broadcast %xor3A_102 : vector<256x1xi32> to vector<256x2048xi32>
    %lt3A_104 = arith.cmpi slt, %select_n3A, %lt3A_103 : vector<256x2048xi32>
    %convert_element_type3A_105 = arith.extui %lt3A_104 : vector<256x2048xi1> to vector<256x2048xi32>
    %reduce_sum3A_106 = arith.constant dense<0> : vector<256xi32>
    %reduce_sum3A_107 = vector.multi_reduction <add>, %convert_element_type3A_105, %reduce_sum3A_106 [1] : vector<256x2048xi32> to vector<256xi32>
    %broadcast_in_dim3A_108 = vector.shape_cast %reduce_sum3A_107 : vector<256xi32> to vector<256x1xi32>
    %le3A_109 = arith.constant 1023 : i32
    %le3A_110 = vector.broadcast %le3A_109 : i32 to vector<256x1xi32>
    %le3A_111 = arith.cmpi sle, %broadcast_in_dim3A_108, %le3A_110 : vector<256x1xi32>
    %select_n3A_112 = arith.select %le3A_111, %or3A_99, %select_n3A_96 : vector<256x1xi1>, vector<256x1xi32>
    %or3A_113 = arith.constant 16777216 : i32
    %or3A_114 = vector.broadcast %or3A_113 : i32 to vector<256x1xi32>
    %or3A_115 = arith.ori %select_n3A_112, %or3A_114 : vector<256x1xi32>
    %xor3A_116 = arith.constant -2147483648 : i32
    %xor3A_117 = vector.broadcast %xor3A_116 : i32 to vector<256x1xi32>
    %xor3A_118 = arith.xori %or3A_115, %xor3A_117 : vector<256x1xi32>
    %lt3A_119 = vector.broadcast %xor3A_118 : vector<256x1xi32> to vector<256x2048xi32>
    %lt3A_120 = arith.cmpi slt, %select_n3A, %lt3A_119 : vector<256x2048xi32>
    %convert_element_type3A_121 = arith.extui %lt3A_120 : vector<256x2048xi1> to vector<256x2048xi32>
    %reduce_sum3A_122 = arith.constant dense<0> : vector<256xi32>
    %reduce_sum3A_123 = vector.multi_reduction <add>, %convert_element_type3A_121, %reduce_sum3A_122 [1] : vector<256x2048xi32> to vector<256xi32>
    %broadcast_in_dim3A_124 = vector.shape_cast %reduce_sum3A_123 : vector<256xi32> to vector<256x1xi32>
    %le3A_125 = arith.constant 1023 : i32
    %le3A_126 = vector.broadcast %le3A_125 : i32 to vector<256x1xi32>
    %le3A_127 = arith.cmpi sle, %broadcast_in_dim3A_124, %le3A_126 : vector<256x1xi32>
    %select_n3A_128 = arith.select %le3A_127, %or3A_115, %select_n3A_112 : vector<256x1xi1>, vector<256x1xi32>
    %or3A_129 = arith.constant 8388608 : i32
    %or3A_130 = vector.broadcast %or3A_129 : i32 to vector<256x1xi32>
    %or3A_131 = arith.ori %select_n3A_128, %or3A_130 : vector<256x1xi32>
    %xor3A_132 = arith.constant -2147483648 : i32
    %xor3A_133 = vector.broadcast %xor3A_132 : i32 to vector<256x1xi32>
    %xor3A_134 = arith.xori %or3A_131, %xor3A_133 : vector<256x1xi32>
    %lt3A_135 = vector.broadcast %xor3A_134 : vector<256x1xi32> to vector<256x2048xi32>
    %lt3A_136 = arith.cmpi slt, %select_n3A, %lt3A_135 : vector<256x2048xi32>
    %convert_element_type3A_137 = arith.extui %lt3A_136 : vector<256x2048xi1> to vector<256x2048xi32>
    %reduce_sum3A_138 = arith.constant dense<0> : vector<256xi32>
    %reduce_sum3A_139 = vector.multi_reduction <add>, %convert_element_type3A_137, %reduce_sum3A_138 [1] : vector<256x2048xi32> to vector<256xi32>
    %broadcast_in_dim3A_140 = vector.shape_cast %reduce_sum3A_139 : vector<256xi32> to vector<256x1xi32>
    %le3A_141 = arith.constant 1023 : i32
    %le3A_142 = vector.broadcast %le3A_141 : i32 to vector<256x1xi32>
    %le3A_143 = arith.cmpi sle, %broadcast_in_dim3A_140, %le3A_142 : vector<256x1xi32>
    %select_n3A_144 = arith.select %le3A_143, %or3A_131, %select_n3A_128 : vector<256x1xi1>, vector<256x1xi32>
    %or3A_145 = arith.constant 4194304 : i32
    %or3A_146 = vector.broadcast %or3A_145 : i32 to vector<256x1xi32>
    %or3A_147 = arith.ori %select_n3A_144, %or3A_146 : vector<256x1xi32>
    %xor3A_148 = arith.constant -2147483648 : i32
    %xor3A_149 = vector.broadcast %xor3A_148 : i32 to vector<256x1xi32>
    %xor3A_150 = arith.xori %or3A_147, %xor3A_149 : vector<256x1xi32>
    %lt3A_151 = vector.broadcast %xor3A_150 : vector<256x1xi32> to vector<256x2048xi32>
    %lt3A_152 = arith.cmpi slt, %select_n3A, %lt3A_151 : vector<256x2048xi32>
    %convert_element_type3A_153 = arith.extui %lt3A_152 : vector<256x2048xi1> to vector<256x2048xi32>
    %reduce_sum3A_154 = arith.constant dense<0> : vector<256xi32>
    %reduce_sum3A_155 = vector.multi_reduction <add>, %convert_element_type3A_153, %reduce_sum3A_154 [1] : vector<256x2048xi32> to vector<256xi32>
    %broadcast_in_dim3A_156 = vector.shape_cast %reduce_sum3A_155 : vector<256xi32> to vector<256x1xi32>
    %le3A_157 = arith.constant 1023 : i32
    %le3A_158 = vector.broadcast %le3A_157 : i32 to vector<256x1xi32>
    %le3A_159 = arith.cmpi sle, %broadcast_in_dim3A_156, %le3A_158 : vector<256x1xi32>
    %select_n3A_160 = arith.select %le3A_159, %or3A_147, %select_n3A_144 : vector<256x1xi1>, vector<256x1xi32>
    %or3A_161 = arith.constant 2097152 : i32
    %or3A_162 = vector.broadcast %or3A_161 : i32 to vector<256x1xi32>
    %or3A_163 = arith.ori %select_n3A_160, %or3A_162 : vector<256x1xi32>
    %xor3A_164 = arith.constant -2147483648 : i32
    %xor3A_165 = vector.broadcast %xor3A_164 : i32 to vector<256x1xi32>
    %xor3A_166 = arith.xori %or3A_163, %xor3A_165 : vector<256x1xi32>
    %lt3A_167 = vector.broadcast %xor3A_166 : vector<256x1xi32> to vector<256x2048xi32>
    %lt3A_168 = arith.cmpi slt, %select_n3A, %lt3A_167 : vector<256x2048xi32>
    %convert_element_type3A_169 = arith.extui %lt3A_168 : vector<256x2048xi1> to vector<256x2048xi32>
    %reduce_sum3A_170 = arith.constant dense<0> : vector<256xi32>
    %reduce_sum3A_171 = vector.multi_reduction <add>, %convert_element_type3A_169, %reduce_sum3A_170 [1] : vector<256x2048xi32> to vector<256xi32>
    %broadcast_in_dim3A_172 = vector.shape_cast %reduce_sum3A_171 : vector<256xi32> to vector<256x1xi32>
    %le3A_173 = arith.constant 1023 : i32
    %le3A_174 = vector.broadcast %le3A_173 : i32 to vector<256x1xi32>
    %le3A_175 = arith.cmpi sle, %broadcast_in_dim3A_172, %le3A_174 : vector<256x1xi32>
    %select_n3A_176 = arith.select %le3A_175, %or3A_163, %select_n3A_160 : vector<256x1xi1>, vector<256x1xi32>
    %or3A_177 = arith.constant 1048576 : i32
    %or3A_178 = vector.broadcast %or3A_177 : i32 to vector<256x1xi32>
    %or3A_179 = arith.ori %select_n3A_176, %or3A_178 : vector<256x1xi32>
    %xor3A_180 = arith.constant -2147483648 : i32
    %xor3A_181 = vector.broadcast %xor3A_180 : i32 to vector<256x1xi32>
    %xor3A_182 = arith.xori %or3A_179, %xor3A_181 : vector<256x1xi32>
    %lt3A_183 = vector.broadcast %xor3A_182 : vector<256x1xi32> to vector<256x2048xi32>
    %lt3A_184 = arith.cmpi slt, %select_n3A, %lt3A_183 : vector<256x2048xi32>
    %convert_element_type3A_185 = arith.extui %lt3A_184 : vector<256x2048xi1> to vector<256x2048xi32>
    %reduce_sum3A_186 = arith.constant dense<0> : vector<256xi32>
    %reduce_sum3A_187 = vector.multi_reduction <add>, %convert_element_type3A_185, %reduce_sum3A_186 [1] : vector<256x2048xi32> to vector<256xi32>
    %broadcast_in_dim3A_188 = vector.shape_cast %reduce_sum3A_187 : vector<256xi32> to vector<256x1xi32>
    %le3A_189 = arith.constant 1023 : i32
    %le3A_190 = vector.broadcast %le3A_189 : i32 to vector<256x1xi32>
    %le3A_191 = arith.cmpi sle, %broadcast_in_dim3A_188, %le3A_190 : vector<256x1xi32>
    %select_n3A_192 = arith.select %le3A_191, %or3A_179, %select_n3A_176 : vector<256x1xi1>, vector<256x1xi32>
    %or3A_193 = arith.constant 524288 : i32
    %or3A_194 = vector.broadcast %or3A_193 : i32 to vector<256x1xi32>
    %or3A_195 = arith.ori %select_n3A_192, %or3A_194 : vector<256x1xi32>
    %xor3A_196 = arith.constant -2147483648 : i32
    %xor3A_197 = vector.broadcast %xor3A_196 : i32 to vector<256x1xi32>
    %xor3A_198 = arith.xori %or3A_195, %xor3A_197 : vector<256x1xi32>
    %lt3A_199 = vector.broadcast %xor3A_198 : vector<256x1xi32> to vector<256x2048xi32>
    %lt3A_200 = arith.cmpi slt, %select_n3A, %lt3A_199 : vector<256x2048xi32>
    %convert_element_type3A_201 = arith.extui %lt3A_200 : vector<256x2048xi1> to vector<256x2048xi32>
    %reduce_sum3A_202 = arith.constant dense<0> : vector<256xi32>
    %reduce_sum3A_203 = vector.multi_reduction <add>, %convert_element_type3A_201, %reduce_sum3A_202 [1] : vector<256x2048xi32> to vector<256xi32>
    %broadcast_in_dim3A_204 = vector.shape_cast %reduce_sum3A_203 : vector<256xi32> to vector<256x1xi32>
    %le3A_205 = arith.constant 1023 : i32
    %le3A_206 = vector.broadcast %le3A_205 : i32 to vector<256x1xi32>
    %le3A_207 = arith.cmpi sle, %broadcast_in_dim3A_204, %le3A_206 : vector<256x1xi32>
    %select_n3A_208 = arith.select %le3A_207, %or3A_195, %select_n3A_192 : vector<256x1xi1>, vector<256x1xi32>
    %or3A_209 = arith.constant 262144 : i32
    %or3A_210 = vector.broadcast %or3A_209 : i32 to vector<256x1xi32>
    %or3A_211 = arith.ori %select_n3A_208, %or3A_210 : vector<256x1xi32>
    %xor3A_212 = arith.constant -2147483648 : i32
    %xor3A_213 = vector.broadcast %xor3A_212 : i32 to vector<256x1xi32>
    %xor3A_214 = arith.xori %or3A_211, %xor3A_213 : vector<256x1xi32>
    %lt3A_215 = vector.broadcast %xor3A_214 : vector<256x1xi32> to vector<256x2048xi32>
    %lt3A_216 = arith.cmpi slt, %select_n3A, %lt3A_215 : vector<256x2048xi32>
    %convert_element_type3A_217 = arith.extui %lt3A_216 : vector<256x2048xi1> to vector<256x2048xi32>
    %reduce_sum3A_218 = arith.constant dense<0> : vector<256xi32>
    %reduce_sum3A_219 = vector.multi_reduction <add>, %convert_element_type3A_217, %reduce_sum3A_218 [1] : vector<256x2048xi32> to vector<256xi32>
    %broadcast_in_dim3A_220 = vector.shape_cast %reduce_sum3A_219 : vector<256xi32> to vector<256x1xi32>
    %le3A_221 = arith.constant 1023 : i32
    %le3A_222 = vector.broadcast %le3A_221 : i32 to vector<256x1xi32>
    %le3A_223 = arith.cmpi sle, %broadcast_in_dim3A_220, %le3A_222 : vector<256x1xi32>
    %select_n3A_224 = arith.select %le3A_223, %or3A_211, %select_n3A_208 : vector<256x1xi1>, vector<256x1xi32>
    %or3A_225 = arith.constant 131072 : i32
    %or3A_226 = vector.broadcast %or3A_225 : i32 to vector<256x1xi32>
    %or3A_227 = arith.ori %select_n3A_224, %or3A_226 : vector<256x1xi32>
    %xor3A_228 = arith.constant -2147483648 : i32
    %xor3A_229 = vector.broadcast %xor3A_228 : i32 to vector<256x1xi32>
    %xor3A_230 = arith.xori %or3A_227, %xor3A_229 : vector<256x1xi32>
    %lt3A_231 = vector.broadcast %xor3A_230 : vector<256x1xi32> to vector<256x2048xi32>
    %lt3A_232 = arith.cmpi slt, %select_n3A, %lt3A_231 : vector<256x2048xi32>
    %convert_element_type3A_233 = arith.extui %lt3A_232 : vector<256x2048xi1> to vector<256x2048xi32>
    %reduce_sum3A_234 = arith.constant dense<0> : vector<256xi32>
    %reduce_sum3A_235 = vector.multi_reduction <add>, %convert_element_type3A_233, %reduce_sum3A_234 [1] : vector<256x2048xi32> to vector<256xi32>
    %broadcast_in_dim3A_236 = vector.shape_cast %reduce_sum3A_235 : vector<256xi32> to vector<256x1xi32>
    %le3A_237 = arith.constant 1023 : i32
    %le3A_238 = vector.broadcast %le3A_237 : i32 to vector<256x1xi32>
    %le3A_239 = arith.cmpi sle, %broadcast_in_dim3A_236, %le3A_238 : vector<256x1xi32>
    %select_n3A_240 = arith.select %le3A_239, %or3A_227, %select_n3A_224 : vector<256x1xi1>, vector<256x1xi32>
    %or3A_241 = arith.constant 65536 : i32
    %or3A_242 = vector.broadcast %or3A_241 : i32 to vector<256x1xi32>
    %or3A_243 = arith.ori %select_n3A_240, %or3A_242 : vector<256x1xi32>
    %xor3A_244 = arith.constant -2147483648 : i32
    %xor3A_245 = vector.broadcast %xor3A_244 : i32 to vector<256x1xi32>
    %xor3A_246 = arith.xori %or3A_243, %xor3A_245 : vector<256x1xi32>
    %lt3A_247 = vector.broadcast %xor3A_246 : vector<256x1xi32> to vector<256x2048xi32>
    %lt3A_248 = arith.cmpi slt, %select_n3A, %lt3A_247 : vector<256x2048xi32>
    %convert_element_type3A_249 = arith.extui %lt3A_248 : vector<256x2048xi1> to vector<256x2048xi32>
    %reduce_sum3A_250 = arith.constant dense<0> : vector<256xi32>
    %reduce_sum3A_251 = vector.multi_reduction <add>, %convert_element_type3A_249, %reduce_sum3A_250 [1] : vector<256x2048xi32> to vector<256xi32>
    %broadcast_in_dim3A_252 = vector.shape_cast %reduce_sum3A_251 : vector<256xi32> to vector<256x1xi32>
    %le3A_253 = arith.constant 1023 : i32
    %le3A_254 = vector.broadcast %le3A_253 : i32 to vector<256x1xi32>
    %le3A_255 = arith.cmpi sle, %broadcast_in_dim3A_252, %le3A_254 : vector<256x1xi32>
    %select_n3A_256 = arith.select %le3A_255, %or3A_243, %select_n3A_240 : vector<256x1xi1>, vector<256x1xi32>
    %or3A_257 = arith.constant 32768 : i32
    %or3A_258 = vector.broadcast %or3A_257 : i32 to vector<256x1xi32>
    %or3A_259 = arith.ori %select_n3A_256, %or3A_258 : vector<256x1xi32>
    %xor3A_260 = arith.constant -2147483648 : i32
    %xor3A_261 = vector.broadcast %xor3A_260 : i32 to vector<256x1xi32>
    %xor3A_262 = arith.xori %or3A_259, %xor3A_261 : vector<256x1xi32>
    %lt3A_263 = vector.broadcast %xor3A_262 : vector<256x1xi32> to vector<256x2048xi32>
    %lt3A_264 = arith.cmpi slt, %select_n3A, %lt3A_263 : vector<256x2048xi32>
    %convert_element_type3A_265 = arith.extui %lt3A_264 : vector<256x2048xi1> to vector<256x2048xi32>
    %reduce_sum3A_266 = arith.constant dense<0> : vector<256xi32>
    %reduce_sum3A_267 = vector.multi_reduction <add>, %convert_element_type3A_265, %reduce_sum3A_266 [1] : vector<256x2048xi32> to vector<256xi32>
    %broadcast_in_dim3A_268 = vector.shape_cast %reduce_sum3A_267 : vector<256xi32> to vector<256x1xi32>
    %le3A_269 = arith.constant 1023 : i32
    %le3A_270 = vector.broadcast %le3A_269 : i32 to vector<256x1xi32>
    %le3A_271 = arith.cmpi sle, %broadcast_in_dim3A_268, %le3A_270 : vector<256x1xi32>
    %select_n3A_272 = arith.select %le3A_271, %or3A_259, %select_n3A_256 : vector<256x1xi1>, vector<256x1xi32>
    %or3A_273 = arith.constant 16384 : i32
    %or3A_274 = vector.broadcast %or3A_273 : i32 to vector<256x1xi32>
    %or3A_275 = arith.ori %select_n3A_272, %or3A_274 : vector<256x1xi32>
    %xor3A_276 = arith.constant -2147483648 : i32
    %xor3A_277 = vector.broadcast %xor3A_276 : i32 to vector<256x1xi32>
    %xor3A_278 = arith.xori %or3A_275, %xor3A_277 : vector<256x1xi32>
    %lt3A_279 = vector.broadcast %xor3A_278 : vector<256x1xi32> to vector<256x2048xi32>
    %lt3A_280 = arith.cmpi slt, %select_n3A, %lt3A_279 : vector<256x2048xi32>
    %convert_element_type3A_281 = arith.extui %lt3A_280 : vector<256x2048xi1> to vector<256x2048xi32>
    %reduce_sum3A_282 = arith.constant dense<0> : vector<256xi32>
    %reduce_sum3A_283 = vector.multi_reduction <add>, %convert_element_type3A_281, %reduce_sum3A_282 [1] : vector<256x2048xi32> to vector<256xi32>
    %broadcast_in_dim3A_284 = vector.shape_cast %reduce_sum3A_283 : vector<256xi32> to vector<256x1xi32>
    %le3A_285 = arith.constant 1023 : i32
    %le3A_286 = vector.broadcast %le3A_285 : i32 to vector<256x1xi32>
    %le3A_287 = arith.cmpi sle, %broadcast_in_dim3A_284, %le3A_286 : vector<256x1xi32>
    %select_n3A_288 = arith.select %le3A_287, %or3A_275, %select_n3A_272 : vector<256x1xi1>, vector<256x1xi32>
    %or3A_289 = arith.constant 8192 : i32
    %or3A_290 = vector.broadcast %or3A_289 : i32 to vector<256x1xi32>
    %or3A_291 = arith.ori %select_n3A_288, %or3A_290 : vector<256x1xi32>
    %xor3A_292 = arith.constant -2147483648 : i32
    %xor3A_293 = vector.broadcast %xor3A_292 : i32 to vector<256x1xi32>
    %xor3A_294 = arith.xori %or3A_291, %xor3A_293 : vector<256x1xi32>
    %lt3A_295 = vector.broadcast %xor3A_294 : vector<256x1xi32> to vector<256x2048xi32>
    %lt3A_296 = arith.cmpi slt, %select_n3A, %lt3A_295 : vector<256x2048xi32>
    %convert_element_type3A_297 = arith.extui %lt3A_296 : vector<256x2048xi1> to vector<256x2048xi32>
    %reduce_sum3A_298 = arith.constant dense<0> : vector<256xi32>
    %reduce_sum3A_299 = vector.multi_reduction <add>, %convert_element_type3A_297, %reduce_sum3A_298 [1] : vector<256x2048xi32> to vector<256xi32>
    %broadcast_in_dim3A_300 = vector.shape_cast %reduce_sum3A_299 : vector<256xi32> to vector<256x1xi32>
    %le3A_301 = arith.constant 1023 : i32
    %le3A_302 = vector.broadcast %le3A_301 : i32 to vector<256x1xi32>
    %le3A_303 = arith.cmpi sle, %broadcast_in_dim3A_300, %le3A_302 : vector<256x1xi32>
    %select_n3A_304 = arith.select %le3A_303, %or3A_291, %select_n3A_288 : vector<256x1xi1>, vector<256x1xi32>
    %or3A_305 = arith.constant 4096 : i32
    %or3A_306 = vector.broadcast %or3A_305 : i32 to vector<256x1xi32>
    %or3A_307 = arith.ori %select_n3A_304, %or3A_306 : vector<256x1xi32>
    %xor3A_308 = arith.constant -2147483648 : i32
    %xor3A_309 = vector.broadcast %xor3A_308 : i32 to vector<256x1xi32>
    %xor3A_310 = arith.xori %or3A_307, %xor3A_309 : vector<256x1xi32>
    %lt3A_311 = vector.broadcast %xor3A_310 : vector<256x1xi32> to vector<256x2048xi32>
    %lt3A_312 = arith.cmpi slt, %select_n3A, %lt3A_311 : vector<256x2048xi32>
    %convert_element_type3A_313 = arith.extui %lt3A_312 : vector<256x2048xi1> to vector<256x2048xi32>
    %reduce_sum3A_314 = arith.constant dense<0> : vector<256xi32>
    %reduce_sum3A_315 = vector.multi_reduction <add>, %convert_element_type3A_313, %reduce_sum3A_314 [1] : vector<256x2048xi32> to vector<256xi32>
    %broadcast_in_dim3A_316 = vector.shape_cast %reduce_sum3A_315 : vector<256xi32> to vector<256x1xi32>
    %le3A_317 = arith.constant 1023 : i32
    %le3A_318 = vector.broadcast %le3A_317 : i32 to vector<256x1xi32>
    %le3A_319 = arith.cmpi sle, %broadcast_in_dim3A_316, %le3A_318 : vector<256x1xi32>
    %select_n3A_320 = arith.select %le3A_319, %or3A_307, %select_n3A_304 : vector<256x1xi1>, vector<256x1xi32>
    %or3A_321 = arith.constant 2048 : i32
    %or3A_322 = vector.broadcast %or3A_321 : i32 to vector<256x1xi32>
    %or3A_323 = arith.ori %select_n3A_320, %or3A_322 : vector<256x1xi32>
    %xor3A_324 = arith.constant -2147483648 : i32
    %xor3A_325 = vector.broadcast %xor3A_324 : i32 to vector<256x1xi32>
    %xor3A_326 = arith.xori %or3A_323, %xor3A_325 : vector<256x1xi32>
    %lt3A_327 = vector.broadcast %xor3A_326 : vector<256x1xi32> to vector<256x2048xi32>
    %lt3A_328 = arith.cmpi slt, %select_n3A, %lt3A_327 : vector<256x2048xi32>
    %convert_element_type3A_329 = arith.extui %lt3A_328 : vector<256x2048xi1> to vector<256x2048xi32>
    %reduce_sum3A_330 = arith.constant dense<0> : vector<256xi32>
    %reduce_sum3A_331 = vector.multi_reduction <add>, %convert_element_type3A_329, %reduce_sum3A_330 [1] : vector<256x2048xi32> to vector<256xi32>
    %broadcast_in_dim3A_332 = vector.shape_cast %reduce_sum3A_331 : vector<256xi32> to vector<256x1xi32>
    %le3A_333 = arith.constant 1023 : i32
    %le3A_334 = vector.broadcast %le3A_333 : i32 to vector<256x1xi32>
    %le3A_335 = arith.cmpi sle, %broadcast_in_dim3A_332, %le3A_334 : vector<256x1xi32>
    %select_n3A_336 = arith.select %le3A_335, %or3A_323, %select_n3A_320 : vector<256x1xi1>, vector<256x1xi32>
    %or3A_337 = arith.constant 1024 : i32
    %or3A_338 = vector.broadcast %or3A_337 : i32 to vector<256x1xi32>
    %or3A_339 = arith.ori %select_n3A_336, %or3A_338 : vector<256x1xi32>
    %xor3A_340 = arith.constant -2147483648 : i32
    %xor3A_341 = vector.broadcast %xor3A_340 : i32 to vector<256x1xi32>
    %xor3A_342 = arith.xori %or3A_339, %xor3A_341 : vector<256x1xi32>
    %lt3A_343 = vector.broadcast %xor3A_342 : vector<256x1xi32> to vector<256x2048xi32>
    %lt3A_344 = arith.cmpi slt, %select_n3A, %lt3A_343 : vector<256x2048xi32>
    %convert_element_type3A_345 = arith.extui %lt3A_344 : vector<256x2048xi1> to vector<256x2048xi32>
    %reduce_sum3A_346 = arith.constant dense<0> : vector<256xi32>
    %reduce_sum3A_347 = vector.multi_reduction <add>, %convert_element_type3A_345, %reduce_sum3A_346 [1] : vector<256x2048xi32> to vector<256xi32>
    %broadcast_in_dim3A_348 = vector.shape_cast %reduce_sum3A_347 : vector<256xi32> to vector<256x1xi32>
    %le3A_349 = arith.constant 1023 : i32
    %le3A_350 = vector.broadcast %le3A_349 : i32 to vector<256x1xi32>
    %le3A_351 = arith.cmpi sle, %broadcast_in_dim3A_348, %le3A_350 : vector<256x1xi32>
    %select_n3A_352 = arith.select %le3A_351, %or3A_339, %select_n3A_336 : vector<256x1xi1>, vector<256x1xi32>
    %or3A_353 = arith.constant 512 : i32
    %or3A_354 = vector.broadcast %or3A_353 : i32 to vector<256x1xi32>
    %or3A_355 = arith.ori %select_n3A_352, %or3A_354 : vector<256x1xi32>
    %xor3A_356 = arith.constant -2147483648 : i32
    %xor3A_357 = vector.broadcast %xor3A_356 : i32 to vector<256x1xi32>
    %xor3A_358 = arith.xori %or3A_355, %xor3A_357 : vector<256x1xi32>
    %lt3A_359 = vector.broadcast %xor3A_358 : vector<256x1xi32> to vector<256x2048xi32>
    %lt3A_360 = arith.cmpi slt, %select_n3A, %lt3A_359 : vector<256x2048xi32>
    %convert_element_type3A_361 = arith.extui %lt3A_360 : vector<256x2048xi1> to vector<256x2048xi32>
    %reduce_sum3A_362 = arith.constant dense<0> : vector<256xi32>
    %reduce_sum3A_363 = vector.multi_reduction <add>, %convert_element_type3A_361, %reduce_sum3A_362 [1] : vector<256x2048xi32> to vector<256xi32>
    %broadcast_in_dim3A_364 = vector.shape_cast %reduce_sum3A_363 : vector<256xi32> to vector<256x1xi32>
    %le3A_365 = arith.constant 1023 : i32
    %le3A_366 = vector.broadcast %le3A_365 : i32 to vector<256x1xi32>
    %le3A_367 = arith.cmpi sle, %broadcast_in_dim3A_364, %le3A_366 : vector<256x1xi32>
    %select_n3A_368 = arith.select %le3A_367, %or3A_355, %select_n3A_352 : vector<256x1xi1>, vector<256x1xi32>
    %or3A_369 = arith.constant 256 : i32
    %or3A_370 = vector.broadcast %or3A_369 : i32 to vector<256x1xi32>
    %or3A_371 = arith.ori %select_n3A_368, %or3A_370 : vector<256x1xi32>
    %xor3A_372 = arith.constant -2147483648 : i32
    %xor3A_373 = vector.broadcast %xor3A_372 : i32 to vector<256x1xi32>
    %xor3A_374 = arith.xori %or3A_371, %xor3A_373 : vector<256x1xi32>
    %lt3A_375 = vector.broadcast %xor3A_374 : vector<256x1xi32> to vector<256x2048xi32>
    %lt3A_376 = arith.cmpi slt, %select_n3A, %lt3A_375 : vector<256x2048xi32>
    %convert_element_type3A_377 = arith.extui %lt3A_376 : vector<256x2048xi1> to vector<256x2048xi32>
    %reduce_sum3A_378 = arith.constant dense<0> : vector<256xi32>
    %reduce_sum3A_379 = vector.multi_reduction <add>, %convert_element_type3A_377, %reduce_sum3A_378 [1] : vector<256x2048xi32> to vector<256xi32>
    %broadcast_in_dim3A_380 = vector.shape_cast %reduce_sum3A_379 : vector<256xi32> to vector<256x1xi32>
    %le3A_381 = arith.constant 1023 : i32
    %le3A_382 = vector.broadcast %le3A_381 : i32 to vector<256x1xi32>
    %le3A_383 = arith.cmpi sle, %broadcast_in_dim3A_380, %le3A_382 : vector<256x1xi32>
    %select_n3A_384 = arith.select %le3A_383, %or3A_371, %select_n3A_368 : vector<256x1xi1>, vector<256x1xi32>
    %or3A_385 = arith.constant 128 : i32
    %or3A_386 = vector.broadcast %or3A_385 : i32 to vector<256x1xi32>
    %or3A_387 = arith.ori %select_n3A_384, %or3A_386 : vector<256x1xi32>
    %xor3A_388 = arith.constant -2147483648 : i32
    %xor3A_389 = vector.broadcast %xor3A_388 : i32 to vector<256x1xi32>
    %xor3A_390 = arith.xori %or3A_387, %xor3A_389 : vector<256x1xi32>
    %lt3A_391 = vector.broadcast %xor3A_390 : vector<256x1xi32> to vector<256x2048xi32>
    %lt3A_392 = arith.cmpi slt, %select_n3A, %lt3A_391 : vector<256x2048xi32>
    %convert_element_type3A_393 = arith.extui %lt3A_392 : vector<256x2048xi1> to vector<256x2048xi32>
    %reduce_sum3A_394 = arith.constant dense<0> : vector<256xi32>
    %reduce_sum3A_395 = vector.multi_reduction <add>, %convert_element_type3A_393, %reduce_sum3A_394 [1] : vector<256x2048xi32> to vector<256xi32>
    %broadcast_in_dim3A_396 = vector.shape_cast %reduce_sum3A_395 : vector<256xi32> to vector<256x1xi32>
    %le3A_397 = arith.constant 1023 : i32
    %le3A_398 = vector.broadcast %le3A_397 : i32 to vector<256x1xi32>
    %le3A_399 = arith.cmpi sle, %broadcast_in_dim3A_396, %le3A_398 : vector<256x1xi32>
    %select_n3A_400 = arith.select %le3A_399, %or3A_387, %select_n3A_384 : vector<256x1xi1>, vector<256x1xi32>
    %or3A_401 = arith.constant 64 : i32
    %or3A_402 = vector.broadcast %or3A_401 : i32 to vector<256x1xi32>
    %or3A_403 = arith.ori %select_n3A_400, %or3A_402 : vector<256x1xi32>
    %xor3A_404 = arith.constant -2147483648 : i32
    %xor3A_405 = vector.broadcast %xor3A_404 : i32 to vector<256x1xi32>
    %xor3A_406 = arith.xori %or3A_403, %xor3A_405 : vector<256x1xi32>
    %lt3A_407 = vector.broadcast %xor3A_406 : vector<256x1xi32> to vector<256x2048xi32>
    %lt3A_408 = arith.cmpi slt, %select_n3A, %lt3A_407 : vector<256x2048xi32>
    %convert_element_type3A_409 = arith.extui %lt3A_408 : vector<256x2048xi1> to vector<256x2048xi32>
    %reduce_sum3A_410 = arith.constant dense<0> : vector<256xi32>
    %reduce_sum3A_411 = vector.multi_reduction <add>, %convert_element_type3A_409, %reduce_sum3A_410 [1] : vector<256x2048xi32> to vector<256xi32>
    %broadcast_in_dim3A_412 = vector.shape_cast %reduce_sum3A_411 : vector<256xi32> to vector<256x1xi32>
    %le3A_413 = arith.constant 1023 : i32
    %le3A_414 = vector.broadcast %le3A_413 : i32 to vector<256x1xi32>
    %le3A_415 = arith.cmpi sle, %broadcast_in_dim3A_412, %le3A_414 : vector<256x1xi32>
    %select_n3A_416 = arith.select %le3A_415, %or3A_403, %select_n3A_400 : vector<256x1xi1>, vector<256x1xi32>
    %or3A_417 = arith.constant 32 : i32
    %or3A_418 = vector.broadcast %or3A_417 : i32 to vector<256x1xi32>
    %or3A_419 = arith.ori %select_n3A_416, %or3A_418 : vector<256x1xi32>
    %xor3A_420 = arith.constant -2147483648 : i32
    %xor3A_421 = vector.broadcast %xor3A_420 : i32 to vector<256x1xi32>
    %xor3A_422 = arith.xori %or3A_419, %xor3A_421 : vector<256x1xi32>
    %lt3A_423 = vector.broadcast %xor3A_422 : vector<256x1xi32> to vector<256x2048xi32>
    %lt3A_424 = arith.cmpi slt, %select_n3A, %lt3A_423 : vector<256x2048xi32>
    %convert_element_type3A_425 = arith.extui %lt3A_424 : vector<256x2048xi1> to vector<256x2048xi32>
    %reduce_sum3A_426 = arith.constant dense<0> : vector<256xi32>
    %reduce_sum3A_427 = vector.multi_reduction <add>, %convert_element_type3A_425, %reduce_sum3A_426 [1] : vector<256x2048xi32> to vector<256xi32>
    %broadcast_in_dim3A_428 = vector.shape_cast %reduce_sum3A_427 : vector<256xi32> to vector<256x1xi32>
    %le3A_429 = arith.constant 1023 : i32
    %le3A_430 = vector.broadcast %le3A_429 : i32 to vector<256x1xi32>
    %le3A_431 = arith.cmpi sle, %broadcast_in_dim3A_428, %le3A_430 : vector<256x1xi32>
    %select_n3A_432 = arith.select %le3A_431, %or3A_419, %select_n3A_416 : vector<256x1xi1>, vector<256x1xi32>
    %or3A_433 = arith.constant 16 : i32
    %or3A_434 = vector.broadcast %or3A_433 : i32 to vector<256x1xi32>
    %or3A_435 = arith.ori %select_n3A_432, %or3A_434 : vector<256x1xi32>
    %xor3A_436 = arith.constant -2147483648 : i32
    %xor3A_437 = vector.broadcast %xor3A_436 : i32 to vector<256x1xi32>
    %xor3A_438 = arith.xori %or3A_435, %xor3A_437 : vector<256x1xi32>
    %lt3A_439 = vector.broadcast %xor3A_438 : vector<256x1xi32> to vector<256x2048xi32>
    %lt3A_440 = arith.cmpi slt, %select_n3A, %lt3A_439 : vector<256x2048xi32>
    %convert_element_type3A_441 = arith.extui %lt3A_440 : vector<256x2048xi1> to vector<256x2048xi32>
    %reduce_sum3A_442 = arith.constant dense<0> : vector<256xi32>
    %reduce_sum3A_443 = vector.multi_reduction <add>, %convert_element_type3A_441, %reduce_sum3A_442 [1] : vector<256x2048xi32> to vector<256xi32>
    %broadcast_in_dim3A_444 = vector.shape_cast %reduce_sum3A_443 : vector<256xi32> to vector<256x1xi32>
    %le3A_445 = arith.constant 1023 : i32
    %le3A_446 = vector.broadcast %le3A_445 : i32 to vector<256x1xi32>
    %le3A_447 = arith.cmpi sle, %broadcast_in_dim3A_444, %le3A_446 : vector<256x1xi32>
    %select_n3A_448 = arith.select %le3A_447, %or3A_435, %select_n3A_432 : vector<256x1xi1>, vector<256x1xi32>
    %or3A_449 = arith.constant 8 : i32
    %or3A_450 = vector.broadcast %or3A_449 : i32 to vector<256x1xi32>
    %or3A_451 = arith.ori %select_n3A_448, %or3A_450 : vector<256x1xi32>
    %xor3A_452 = arith.constant -2147483648 : i32
    %xor3A_453 = vector.broadcast %xor3A_452 : i32 to vector<256x1xi32>
    %xor3A_454 = arith.xori %or3A_451, %xor3A_453 : vector<256x1xi32>
    %lt3A_455 = vector.broadcast %xor3A_454 : vector<256x1xi32> to vector<256x2048xi32>
    %lt3A_456 = arith.cmpi slt, %select_n3A, %lt3A_455 : vector<256x2048xi32>
    %convert_element_type3A_457 = arith.extui %lt3A_456 : vector<256x2048xi1> to vector<256x2048xi32>
    %reduce_sum3A_458 = arith.constant dense<0> : vector<256xi32>
    %reduce_sum3A_459 = vector.multi_reduction <add>, %convert_element_type3A_457, %reduce_sum3A_458 [1] : vector<256x2048xi32> to vector<256xi32>
    %broadcast_in_dim3A_460 = vector.shape_cast %reduce_sum3A_459 : vector<256xi32> to vector<256x1xi32>
    %le3A_461 = arith.constant 1023 : i32
    %le3A_462 = vector.broadcast %le3A_461 : i32 to vector<256x1xi32>
    %le3A_463 = arith.cmpi sle, %broadcast_in_dim3A_460, %le3A_462 : vector<256x1xi32>
    %select_n3A_464 = arith.select %le3A_463, %or3A_451, %select_n3A_448 : vector<256x1xi1>, vector<256x1xi32>
    %or3A_465 = arith.constant 4 : i32
    %or3A_466 = vector.broadcast %or3A_465 : i32 to vector<256x1xi32>
    %or3A_467 = arith.ori %select_n3A_464, %or3A_466 : vector<256x1xi32>
    %xor3A_468 = arith.constant -2147483648 : i32
    %xor3A_469 = vector.broadcast %xor3A_468 : i32 to vector<256x1xi32>
    %xor3A_470 = arith.xori %or3A_467, %xor3A_469 : vector<256x1xi32>
    %lt3A_471 = vector.broadcast %xor3A_470 : vector<256x1xi32> to vector<256x2048xi32>
    %lt3A_472 = arith.cmpi slt, %select_n3A, %lt3A_471 : vector<256x2048xi32>
    %convert_element_type3A_473 = arith.extui %lt3A_472 : vector<256x2048xi1> to vector<256x2048xi32>
    %reduce_sum3A_474 = arith.constant dense<0> : vector<256xi32>
    %reduce_sum3A_475 = vector.multi_reduction <add>, %convert_element_type3A_473, %reduce_sum3A_474 [1] : vector<256x2048xi32> to vector<256xi32>
    %broadcast_in_dim3A_476 = vector.shape_cast %reduce_sum3A_475 : vector<256xi32> to vector<256x1xi32>
    %le3A_477 = arith.constant 1023 : i32
    %le3A_478 = vector.broadcast %le3A_477 : i32 to vector<256x1xi32>
    %le3A_479 = arith.cmpi sle, %broadcast_in_dim3A_476, %le3A_478 : vector<256x1xi32>
    %select_n3A_480 = arith.select %le3A_479, %or3A_467, %select_n3A_464 : vector<256x1xi1>, vector<256x1xi32>
    %or3A_481 = arith.constant 2 : i32
    %or3A_482 = vector.broadcast %or3A_481 : i32 to vector<256x1xi32>
    %or3A_483 = arith.ori %select_n3A_480, %or3A_482 : vector<256x1xi32>
    %xor3A_484 = arith.constant -2147483648 : i32
    %xor3A_485 = vector.broadcast %xor3A_484 : i32 to vector<256x1xi32>
    %xor3A_486 = arith.xori %or3A_483, %xor3A_485 : vector<256x1xi32>
    %lt3A_487 = vector.broadcast %xor3A_486 : vector<256x1xi32> to vector<256x2048xi32>
    %lt3A_488 = arith.cmpi slt, %select_n3A, %lt3A_487 : vector<256x2048xi32>
    %convert_element_type3A_489 = arith.extui %lt3A_488 : vector<256x2048xi1> to vector<256x2048xi32>
    %reduce_sum3A_490 = arith.constant dense<0> : vector<256xi32>
    %reduce_sum3A_491 = vector.multi_reduction <add>, %convert_element_type3A_489, %reduce_sum3A_490 [1] : vector<256x2048xi32> to vector<256xi32>
    %broadcast_in_dim3A_492 = vector.shape_cast %reduce_sum3A_491 : vector<256xi32> to vector<256x1xi32>
    %le3A_493 = arith.constant 1023 : i32
    %le3A_494 = vector.broadcast %le3A_493 : i32 to vector<256x1xi32>
    %le3A_495 = arith.cmpi sle, %broadcast_in_dim3A_492, %le3A_494 : vector<256x1xi32>
    %select_n3A_496 = arith.select %le3A_495, %or3A_483, %select_n3A_480 : vector<256x1xi1>, vector<256x1xi32>
    %or3A_497 = arith.constant 1 : i32
    %or3A_498 = vector.broadcast %or3A_497 : i32 to vector<256x1xi32>
    %or3A_499 = arith.ori %select_n3A_496, %or3A_498 : vector<256x1xi32>
    %xor3A_500 = arith.constant -2147483648 : i32
    %xor3A_501 = vector.broadcast %xor3A_500 : i32 to vector<256x1xi32>
    %xor3A_502 = arith.xori %or3A_499, %xor3A_501 : vector<256x1xi32>
    %lt3A_503 = vector.broadcast %xor3A_502 : vector<256x1xi32> to vector<256x2048xi32>
    %lt3A_504 = arith.cmpi slt, %select_n3A, %lt3A_503 : vector<256x2048xi32>
    %convert_element_type3A_505 = arith.extui %lt3A_504 : vector<256x2048xi1> to vector<256x2048xi32>
    %reduce_sum3A_506 = arith.constant dense<0> : vector<256xi32>
    %reduce_sum3A_507 = vector.multi_reduction <add>, %convert_element_type3A_505, %reduce_sum3A_506 [1] : vector<256x2048xi32> to vector<256xi32>
    %broadcast_in_dim3A_508 = vector.shape_cast %reduce_sum3A_507 : vector<256xi32> to vector<256x1xi32>
    %le3A_509 = arith.constant 1023 : i32
    %le3A_510 = vector.broadcast %le3A_509 : i32 to vector<256x1xi32>
    %le3A_511 = arith.cmpi sle, %broadcast_in_dim3A_508, %le3A_510 : vector<256x1xi32>
    %select_n3A_512 = arith.select %le3A_511, %or3A_499, %select_n3A_496 : vector<256x1xi1>, vector<256x1xi32>
    %xor3A_513 = arith.constant -2147483648 : i32
    %xor3A_514 = vector.broadcast %xor3A_513 : i32 to vector<256x1xi32>
    %xor3A_515 = arith.xori %select_n3A_512, %xor3A_514 : vector<256x1xi32>
    %ge3A_516 = arith.constant 0 : i32
    %ge3A_517 = vector.broadcast %ge3A_516 : i32 to vector<256x1xi32>
    %ge3A_518 = arith.cmpi sge, %xor3A_515, %ge3A_517 : vector<256x1xi32>
    %sub3A_519 = arith.constant -2147483648 : i32
    %sub3A_520 = vector.broadcast %sub3A_519 : i32 to vector<256x1xi32>
    %sub3A_521 = arith.subi %sub3A_520, %xor3A_515 : vector<256x1xi32>
    %select_n3A_522 = arith.select %ge3A_518, %xor3A_515, %sub3A_521 : vector<256x1xi1>, vector<256x1xi32>
    %bitcast_convert_type3A_523 = tpu.bitcast %select_n3A_522 : vector<256x1xi32> -> vector<256x1xf32>
    %swap3A = arith.constant 0 : index
    %swap3A_524 = arith.constant 0 : index
    %swap3A_525 = vector.load %arg2[%swap3A, %swap3A_524] : memref<256x1xf32, #tpu.memory_space<vmem>>, vector<256x1xf32>
    tpu.vector_store %arg2[%swap3A, %swap3A_524], %bitcast_convert_type3A_523 {strides = array<i32>} : memref<256x1xf32, #tpu.memory_space<vmem>>, vector<256x1xf32>,
    return
  }
  func.func @transform_0(%arg0: i32) -> (i32, i32) {
    %add3A = arith.constant 10 : i32
    %add3A_0 = arith.addi %arg0, %add3A : i32
    %c0_i32 = arith.constant 0 : i32
    %c0_i32_1 = arith.constant 0 : i32
    return %add3A_0, %c0_i32 : i32, i32
  }
  func.func @transform_1(%arg0: i32) -> (i32, i32) {
    %c0_i32 = arith.constant 0 : i32
    %c0_i32_0 = arith.constant 0 : i32
    return %arg0, %c0_i32 : i32, i32
  }
}

</mosaic_0001>

<sc_bundles>
// kernel: kernel.4.cloned.1.call-start
scs
__scs_entry_jumppad:
0x0: {  	(pc) =	sbr.rel $0x88, $3  }
0x1: {  	(tag) =	ssettag $0x0;
	lr =	simm.s32 $0x1  }
0x2: {  	[smem:$0x3FA0] =	sst lr;
	_ =	strace $0xD0000000  }
0x3: {  	_ = 	snop  }
0x4: {  	_ = 	snop  }
0x5: {  	_ = 	snop  }
0x6: {  	_ = 	snop  }
0x7: {  	_ = 	snop  }
__scs_overlays_trampoline_lowered:
0x8: {  	[smem:$0x3FAF] =	sst s0  }
0x9: {  	[smem:$0x3FB0] =	sst s1  }
0xa: {  	[smem:$0x3FB1] =	sst s2  }
0xb: {  	[smem:$0x3FB2] =	sst s3  }
0xc: {  	[smem:$0x3FB3] =	sst s4  }
0xd: {  	[smem:$0x3FB4] =	sst s5  }
0xe: {  	[smem:$0x3FB5] =	sst s6  }
0xf: {  	[smem:$0x3FB6] =	sst s7  }
0x10: {  	[smem:$0x3FB7] =	sst s8  }
0x11: {  	[smem:$0x3FB8] =	sst s9;
	s0 =	simm.s32 @!p0 $0x0  }
0x12: {  	s1 =	sld [smem:$0x3F9E];
	s0 =	simm.s32 @p0 $0x1  }
0x13: {  	[smem:$0x3FB9] =	sst s0;
	s0 =	simm.s32 @!p1 $0x0  }
0x14: {  	s2 =	sld [smem:$0x3F9D];
	s0 =	simm.s32 @p1 $0x1  }
0x15: {  	[smem:$0x3FBA] =	sst s0;
	s0 =	simm.s32 @!p2 $0x0  }
0x16: {  	s3 =	sld [smem:$0x3FDB];
	s0 =	simm.s32 @p2 $0x1  }
0x17: {  	s4 =	simm.s32 $0x1BF5;
	[smem:$0x3FBC] =	sst s0  }
0x18: {  	s0 =	sld [smem:$0x3F9F];
	_ =	swait.ge [sflag:s4], $0x0  }
0x19: {  	s7 =	sld [smem:$0x3FA0]  }
0x1a: {  	s8 =	sadd.s32 $0xFFFFE003, lr  }
0x1b: {  	s9 =	sadd.s32 $0xFFFFFEF7, lr;
	s5 =	simm.s32 $0xFFFFFFFF;
	p2 =	slt.u32 s8, $0xFFFFF086  }
0x1c: {  	p1 =	slt.u32 s9, $0xF7A;
	s5 =	simm.s32 @!p2 $0x0  }
0x1d: {  	s5 =	simm.s32 @p1 $0x1;
	p0 =	seq.s32 s7, s2  }
0x1e: {  	s7 =	smul.u32 @!p0 $0xF7A, s2;
	p2 =	seq.s32 @!p0 s5, $0x0  }
0x1f: {  	s9 =	smul.u32 $0xF7A, s1;
	s8 =	simm.s32 @!p0 $0x1BF5;
	p2 =	por !p2, p0  }
0x20: {  	[sflag:s8] =	ssyncset.s32 @!p0 $0xFFFFF086;
	s6 =	sadd.s32 @!p0 s3, s7;
	s7 =	simm.s32 @!p0 $0x108  }
0x21: {  	s3 =	sadd.s32 s3, s9;
	s6 =	sadd.s32 @!p0 $0x88, s6;
	s7 =	simm.s32 @p2 $0x1082  }
0x22: {  	[simem:s7], [sflag:s8] =	dma.local @!p0 [hbm:s6], $0xF7A  }
0x23: {  	s9 =	sor.u32 $0xD0000000, s2;
	s6 =	simm.s32 $0x108;
	_ =	swait.ge @!p0 [sflag:s8], $0x0  }
0x24: {  	s3 =	sadd.s32 $0x88, s3;
	s6 =	simm.s32 @!p1 $0x1082;
	[sflag:s4] =	ssyncset.s32 $0xFFFFF086  }
0x25: {  	[simem:s6], [sflag:s4] =	dma.local [hbm:s3], $0xF7A  }
0x26: {  	[smem:$0x3FA0] =	sst s1;
	(tag) =	ssettag s2;
	_ =	strace s9  }
0x27: {  	s1 =	sld [smem:$0x3FB0]  }
0x28: {  	s2 =	sld [smem:$0x3FB1]  }
0x29: {  	s4 =	sld [smem:$0x3FB3]  }
0x2a: {  	p0 =	seq.s32 s5, $0x0;
	s5 =	sld [smem:$0x3FB4]  }
0x2b: {  	s6 =	sld [smem:$0x3FB5]  }
0x2c: {  	s7 =	sld [smem:$0x3FB6]  }
0x2d: {  	s3 =	simm.s32 $0x108;
	s8 =	sld [smem:$0x3FB7]  }
0x2e: {  	s3 =	simm.s32 @!p0 $0x1082;
	s9 =	sld [smem:$0x3FB8]  }
0x2f: {  	lr =	sadd.s32 s0, s3;
	s0 =	sld [smem:$0x3FAF]  }
0x30: {  	s3 =	sld [smem:$0x3FB2]  }
0x31: {  	[smem:$0x3FBB] =	sst s10  }
0x32: {  	s10 =	sld [smem:$0x3FB9];
	_ =	sdelay $0x3  }
0x33: {  	p0 =	seq.s32 s10, $0x1;
	s10 =	sld [smem:$0x3FBB];
	_ =	sdelay $0x3  }
0x34: {  	[smem:$0x3FBB] =	sst s10  }
0x35: {  	s10 =	sld [smem:$0x3FBA];
	_ =	sdelay $0x3  }
0x36: {  	p1 =	seq.s32 s10, $0x1;
	s10 =	sld [smem:$0x3FBB];
	_ =	sdelay $0x3  }
0x37: {  	[smem:$0x3FBB] =	sst s10  }
0x38: {  	s10 =	sld [smem:$0x3FBC]  }
0x39: {  	_ = 	snop;
	(pc) =	sbr.ind lr, $3  }
0x3a: {  	_ = 	snop  }
0x3b: {  	_ = 	snop  }
0x3c: {  	p2 =	seq.s32 s10, $0x1;
	s10 =	sld [smem:$0x3FBB]  }
0x3d: {  	_ =	shalt  }
0x3e: {  	_ =	shalt  }
0x3f: {  	_ =	shalt  }
0x40: {  	_ =	shalt  }
0x41: {  	_ =	shalt  }
0x42: {  	_ =	shalt  }
0x43: {  	_ =	shalt  }
0x44: {  	_ =	shalt  }
0x45: {  	_ =	shalt  }
0x46: {  	_ =	shalt  }
0x47: {  	_ =	shalt  }
0x48: {  	_ =	shalt  }
0x49: {  	_ =	shalt  }
0x4a: {  	_ =	shalt  }
0x4b: {  	_ =	shalt  }
0x4c: {  	_ =	shalt  }
0x4d: {  	_ =	shalt  }
0x4e: {  	_ =	shalt  }
0x4f: {  	_ =	shalt  }
0x50: {  	_ =	shalt  }
0x51: {  	_ =	shalt  }
0x52: {  	_ =	shalt  }
0x53: {  	_ =	shalt  }
0x54: {  	_ =	shalt  }
0x55: {  	_ =	shalt  }
0x56: {  	_ =	shalt  }
0x57: {  	_ =	shalt  }
0x58: {  	_ =	shalt  }
0x59: {  	_ =	shalt  }
0x5a: {  	_ =	shalt  }
0x5b: {  	_ =	shalt  }
0x5c: {  	_ =	shalt  }
0x5d: {  	_ =	shalt  }
0x5e: {  	_ =	shalt  }
0x5f: {  	_ =	shalt  }
0x60: {  	_ =	shalt  }
0x61: {  	_ =	shalt  }
0x62: {  	_ =	shalt  }
0x63: {  	_ =	shalt  }
0x64: {  	_ =	shalt  }
0x65: {  	_ =	shalt  }
0x66: {  	_ =	shalt  }
0x67: {  	_ =	shalt  }
0x68: {  	_ =	shalt  }
0x69: {  	_ =	shalt  }
0x6a: {  	_ =	shalt  }
0x6b: {  	_ =	shalt  }
0x6c: {  	_ =	shalt  }
0x6d: {  	_ =	shalt  }
0x6e: {  	_ =	shalt  }
0x6f: {  	_ =	shalt  }
0x70: {  	_ =	shalt  }
0x71: {  	_ =	shalt  }
0x72: {  	_ =	shalt  }
0x73: {  	_ =	shalt  }
0x74: {  	_ =	shalt  }
0x75: {  	_ =	shalt  }
0x76: {  	_ =	shalt  }
0x77: {  	_ =	shalt  }
0x78: {  	_ =	shalt  }
0x79: {  	_ =	shalt  }
0x7a: {  	_ =	shalt  }
0x7b: {  	_ =	shalt  }
0x7c: {  	_ =	shalt  }
0x7d: {  	_ =	shalt  }
0x7e: {  	_ =	shalt  }
0x7f: {  	_ =	shalt  }
0x80: {  	_ =	shalt  }
0x81: {  	_ =	shalt  }
0x82: {  	_ =	shalt  }
0x83: {  	_ =	shalt  }
0x84: {  	_ =	shalt  }
0x85: {  	_ =	shalt  }
0x86: {  	_ =	shalt  }
0x87: {  	_ =	shalt  }
.Lfunc_end0:
.L_simem_size_0:
called_computation_lowered:
.L_overlay_start_0:
0x88: {  	s2 =	sld [smem:$0x3FD9]  }
0x89: {  	s3 =	sld [smem:$0x3FFE];
	_ =	sdelay $0x1  }
0x8a: {  	s1 =	srdreg.scid  }
0x8b: {  	s0 =	sand.u32 $0x1, s1  }
0x8c: {  	s18 =	sshll.u32 s0, $0xA;
	s2 =	sadd.s32 s3, s2  }
0x8d: {  	s2 =	sadd.s32 s2, s18  }
0x8e: {  	[smem:$0x3FC7] =	sst s2  }
0x8f: {  	_ = 	snop  }
0x90: {  	s2 =	sld [smem:$0x3FC9]  }
0x91: {  	s19 =	sld [smem:$0x3FD0];
	(tm) =	ssettm $0x1  }
0x92: {  	s4 =	sld [smem:$0x3FFB];
	_ =	sdelay $0x3  }
0x93: {  	_ =	strace s4  }
0x94: {  	s4 =	sld [smem:$0x3FFC];
	_ =	sdelay $0x3  }
0x95: {  	_ =	strace s4  }
0x96: {  	s4 =	sld [smem:$0x3FFD];
	_ =	sdelay $0x3  }
0x97: {  	_ =	strace s4  }
0x98: {  	_ =	strace $0x8FFFFFFF  }
0x99: {  	s20 =	sld [smem:$0x3FDB];
	_ =	sdelay $0x1  }
0x9a: {  	s5 =	simm.s32 $_scs_section_size  }
0x9b: {  	s6 =	simm.s32 $_size__tile_overlayer_lowered;
	s7 =	simm.s32 $_tile_overlayer_lowered  }
0x9c: {  	s23 =	simm.s32 $0x1BFF;
	s22 =	sshll.u32 s7, $0x1;
	s4 =	sadd.s32 s5, s20  }
0x9d: {  	s8 =	simm.s32 $0x0;
	s21 =	sshll.u32 s6, $0x1;
	s6 =	sadd.s32 s22, s4  }
0x9e: {  	[timem:s8], [sflag:s23] =	dma.local [hbm:s6], s21  }
0x9f: {  	_ =	swait.ge [sflag:s23], s21  }
0xa0: {  	s5 =	ssub.s32 $0x0, s21;
	[sflag:s23] =	ssyncset.done $0x0  }
0xa1: {  	[sflag:s23] =	ssyncadd.s32 s5;
	_ =	sdelay $0x1  }
0xa2: {  	s24 =	simm.s32 $0x1B8B  }
0xa3: {  	_ =	swait.ge [sflag:s24], $0x1  }
0xa4: {  	[sflag:s24] =	ssyncset.done $0x0  }
0xa5: {  	s25 =	simm.s32 $0x1B8E;
	[sflag:s24] =	ssyncadd.s32 $0xFFFFFFFF  }
0xa6: {  	s26 =	simm.s32 $execute0_lowered;
	[smem:$0x3FD2] =	sst s25  }
0xa7: {  	s5 =	sshll.u32 s26, $0x1;
	_ =	strace $0x80000046;
	[dreg:$0x1] =	wrdreg $0xFFFFFFFF  }
0xa8: {  	s28 =	simm.s32 $_size_execute0_lowered;
	s4 =	sadd.s32 s4, s5;
	[dreg:$0x0] =	wrdreg $0x0  }
0xa9: {  	s5 =	sshll.u32 s28, $0x1;
	[dreg:$0x2] =	wrdreg s4  }
0xaa: {  	[dreg:$0x3] =	wrdreg s5  }
0xab: {  	[dreg:$0x4] =	wrdreg $0xC0  }
0xac: {  	_ =	task [dreg:s8], $0x5FFFF  }
0xad: {  	[dreg:$0x1] =	wrdreg $0xFFFFFFFF  }
0xae: {  	[dreg:$0x0] =	wrdreg $0x60  }
0xaf: {  	[dreg:$0x2] =	wrdreg s2  }
0xb0: {  	[dreg:$0x3] =	wrdreg s19  }
0xb1: {  	[dreg:$0x4] =	wrdreg $0x9  }
0xb2: {  	_ =	task.clear_ibuf [dreg:s8], $0x5FFFF;
	_ =	strace $0x90000046  }
0xb3: {  	s29 =	simm.s32 $0x9;
	_ =	strace $0x80000048  }
0xb4: {  	_ =	swait.ge [sflag:s29], $0x1  }
0xb5: {  	[sflag:s29] =	ssyncadd.s32 $0xFFFFFFFF  }
0xb6: {  	_ =	strace $0x90000048  }
0xb7: {  	_ =	sfence  }
0xb8: {  	s30 =	sld [smem:$0x0];
	_ =	sdelay $0x2  }
0xb9: {  	s31 =	sshll.u32 s1, $0xD;
	s1 =	sshrl.u32 s1, $0x2  }
0xba: {  	s3 =	sand.u32 $0x4000, s31;
	s1 =	sadd.s32 s1, s30  }
0xbb: {  	s0 =	sor.u32 s3, s0;
	s1 =	sshll.u32 s1, $0x11  }
0xbc: {  	s0 =	sor.u32 s1, s0  }
0xbd: {  	s0 =	sadd.s32 $0x8F2B, s0  }
0xbe: {  	[sflag:s0] =	ssyncadd.remote.s32 $0x1  }
0xbf: {  	_ =	sfence.sel $0xFFFF  }
0xc0: {  	[dreg:$0x0] =	wrdreg $0xFFFFFFFF;
	(pc) =	sbr.abs _section_cstart, $3  }
0xc1: {  	[dreg:$0x1] =	wrdreg $0xFFFFFFFF  }
0xc2: {  	_ =	task.clear_ibuf [dreg:s8], $0x2FFFF;
	_ =	strace $0x9FFFFFFF  }
0xc3: {  	(tm) =	ssettm $0x7FFFFFFF  }
tec
execute0_lowered:
.L_overlay_start_1:
0x0: {  	(tag) =	ssettag $0x1  }
0x1: {  	s19 =	rddreg [dreg:$0x0]  }
0x2: {  	s0 =	rddreg [dreg:$0x1];
	s1 =	srdreg.scid  }
0x3: {  	s4 =	stileid.u32;
	s3 =	simm.s32 $0x0;
	s22 =	simm.s32 $0x80  }
0x4: {  	s23 =	simm.s32 $0x400;
	s28 =	simm.s32 $0x1;
	s29 =	simm.s32 $0x10000  }
0x5: {  	s30 =	simm.s32 $0x8000;
	s31 =	simm.s32 $0x11000;
	s1 =	sand.u32 $0x1, s1  }
0x6: {  	s4 =	sshll.u32 s4, $0x1;
	[smem:$0x7FF] =	sst s3;
	s6 =	sadd.s32 $0x20, s19  }
0x7: {  	s7 =	sadd.s32 $0x30, s19;
	s8 =	sadd.s32 $0x40, s19;
	s9 =	sadd.s32 $0x50, s19  }
0x8: {  	s10 =	sadd.s32 $0x60, s19;
	s11 =	sadd.s32 $0x70, s19;
	s12 =	sadd.s32 $0x800, s19  }
0x9: {  	s13 =	sadd.s32 $0x810, s19;
	s2 =	ssub.s32 $0x2, s1;
	s1 =	sor.u32 s1, s4  }
0xa: {  	s14 =	sadd.s32 $0x820, s19;
	s15 =	sadd.s32 $0x830, s19;
	s4 =	smul.u32 $0x50, s1  }
.Ltmp0:
0xb: {  	s16 =	sadd.s32 $0x840, s19;
	s5 =	sshrl.u32 s2, $0x1;
	(pc) =	sbr.rel .LBB2_1-.Ltmp0, $4  }
0xc: {  	s17 =	sadd.s32 $0x850, s19;
	s18 =	sadd.s32 $0x860, s19;
	s2 =	ssub.s32 s2, s5  }
0xd: {  	v0 =	vlaneseq.u32;
	_ =	strace $0x80000047;
	s1 =	sshrl.u32 s4, $0x3;
	s26 =	smax.u32 s2, $0x1  }
0xe: {  	v2 =	vmul.u32 $0x800, v0;
	s5 =	sadd.s32 $0x10, s19;
	s0 =	sadd.s32 s0, s1;
	[dreg:$0x4] =	wrdreg s26  }
0xf: {  	v1 =	vimm.s32 $0x0;
	v3 =	vimm.s32 $0x1;
	v4 =	vimm.s32 $0x80000000;
	s19 =	sadd.s32 $0x870, s19;
	s2 =	simm.s32 $0x0;
	[dreg:$0x3] =	wrdreg s0  }
.LBB2_24:
0x10: {  	s0 =	rddreg [dreg:$0x3];
	s1 =	simm.s32 $0x11100;
	s25 =	simm.s32 $0x2  }
0x11: {  	[hbm4b:s0+s3] =	stream.linear.scatter [tilespmem:s1], [sflag:$0x2], $0x50, $0x38;
	[tilespmem:$0x11180] =	vst v63  }
0x12: {  	_ =	swait.ge [sflag:s25], $0x50  }
0x13: {  	s2 =	rddreg [dreg:$0x5]  }
0x14: {  	s26 =	rddreg [dreg:$0x4];
	s2 =	sadd.s32 $0x1, s2  }
0x15: {  	p0 =	sne.s32 s2, s26  }
.Ltmp1:
0x16: {  	_ = 	snop;
	(pc) =	sbr.rel @!p0 .LBB2_25-.Ltmp1, $3  }
0x17: {  	_ =	sdelay $0x1  }
0x18: {  	[sflag:s25] =	ssyncset.done $0x0  }
0x19: {  	[sflag:s25] =	ssyncadd.s32 $0xFFFFFFB0  }
.LBB2_1:
0x1a: {  	[dreg:$0x5] =	wrdreg s2;
	s0 =	simm.s32 $0x10040  }
0x1b: {  	[tilespmem:s0+$0xFFFFFFC0] =	vst v1  }
0x1c: {  	[tilespmem:s0+$0x30] =	vst v1  }
0x1d: {  	[tilespmem:s0+$0x20] =	vst v1  }
0x1e: {  	[tilespmem:s0+$0x10] =	vst v1  }
0x1f: {  	[tilespmem:s0+$0x0] =	vst v1  }
0x20: {  	[tilespmem:s0+$0xFFFFFFF0] =	vst v1  }
0x21: {  	s1 =	simm.s32 $0x0;
	[tilespmem:s0+$0xFFFFFFE0] =	vst v1  }
.LBB2_2:
0x22: {  	s1 =	sadd.s32 $0x8, s1;
	[tilespmem:s0+$0xFFFFFFD0] =	vst v1;
	s0 =	sadd.s32 $0x80, s0  }
0x23: {  	[tilespmem:s0+$0xFFFFFFC0] =	vst v1;
	p0 =	slt.u32 s1, $0xF8  }
0x24: {  	[tilespmem:s0+$0x30] =	vst v1  }
.Ltmp2:
0x25: {  	[tilespmem:s0+$0x20] =	vst v1;
	(pc) =	sbr.rel @p0 .LBB2_2-.Ltmp2, $4  }
0x26: {  	[tilespmem:s0+$0x10] =	vst v1  }
0x27: {  	[tilespmem:s0+$0x0] =	vst v1  }
0x28: {  	[tilespmem:s0+$0xFFFFFFF0] =	vst v1  }
0x29: {  	[tilespmem:s0+$0xFFFFFFE0] =	vst v1  }
.Ltmp3:
0x2a: {  	(pc) =	sbr.rel .LBB2_4-.Ltmp3, $2  }
0x2b: {  	_ =	sdelay $0x2  }
0x2c: {  	[tilespmem:s0+$0xFFFFFFD0] =	vst v1;
	s0 =	simm.s32 $0x0  }
.LBB2_23:
0x2d: {  	_ =	sdelay $0x3  }
0x2e: {  	v5 =	vld.idx.msk [tilespmem:v2+s30+$0x0], $0xffff;
	_ =	sdelay $0x1  }
0x2f: {  	s0 =	sadd.s32 $0x1, s0  }
0x30: {  	p0 =	sne.s32 s0, $0x5  }
.Ltmp4:
0x31: {  	_ = 	snop;
	(pc) =	sbr.rel @!p0 .LBB2_24-.Ltmp4, $4  }
0x32: {  	vm0 =	vgt.s32 v5, $0xFFFFFFFF  }
0x33: {  	v6 =	vsel vm0, $0xFFFFFFFF, v4  }
0x34: {  	v5 =	vxor.u32 v5, v6  }
0x35: {  	[tilespmem:s1+$0x11100] =	vst v5  }
.LBB2_4:
0x36: {  	s1 =	sshll.u32 s0, $0x4  }
0x37: {  	s2 =	sadd.s32 s4, s1  }
0x38: {  	s20 =	rddreg [dreg:$0x0];
	s2 =	sshll.u32 s2, $0x8  }
0x39: {  	s20 =	sadd.s32 s20, s2  }
0x3a: {  	[tilespmem:s3], [sflag:$0x1] =	stream.strided.gather [hbm4b:s20+s22], $0x800, s23, s22, $0x38;
	[tilespmem:$0x11180] =	vst v63  }
0x3b: {  	s21 =	simm.s32 $0x800;
	s26 =	sadd.s32 s2, s5  }
0x3c: {  	[tilespmem:s21], [sflag:$0x1] =	stream.strided.gather [hbm4b:s26+s22], $0x800, s23, s22, $0x38;
	[tilespmem:$0x11180] =	vst v63  }
0x3d: {  	s24 =	simm.s32 $0x1000;
	s21 =	sadd.s32 s2, s6  }
0x3e: {  	[tilespmem:s24], [sflag:$0x1] =	stream.strided.gather [hbm4b:s21+s22], $0x800, s23, s22, $0x38;
	[tilespmem:$0x11180] =	vst v63  }
0x3f: {  	s25 =	sadd.s32 s2, s7;
	s26 =	simm.s32 $0x1800  }
0x40: {  	[tilespmem:s26], [sflag:$0x1] =	stream.strided.gather [hbm4b:s25+s22], $0x800, s23, s22, $0x38;
	[tilespmem:$0x11180] =	vst v63  }
0x41: {  	s21 =	sadd.s32 s2, s8;
	s24 =	simm.s32 $0x2000  }
0x42: {  	[tilespmem:s24], [sflag:$0x1] =	stream.strided.gather [hbm4b:s21+s22], $0x800, s23, s22, $0x38;
	[tilespmem:$0x11180] =	vst v63  }
0x43: {  	s25 =	sadd.s32 s2, s9;
	s26 =	simm.s32 $0x2800  }
0x44: {  	[tilespmem:s26], [sflag:$0x1] =	stream.strided.gather [hbm4b:s25+s22], $0x800, s23, s22, $0x38;
	[tilespmem:$0x11180] =	vst v63  }
0x45: {  	s21 =	sadd.s32 s2, s10;
	s24 =	simm.s32 $0x3000  }
0x46: {  	[tilespmem:s24], [sflag:$0x1] =	stream.strided.gather [hbm4b:s21+s22], $0x800, s23, s22, $0x38;
	[tilespmem:$0x11180] =	vst v63  }
0x47: {  	s25 =	sadd.s32 s2, s11;
	s26 =	simm.s32 $0x3800  }
0x48: {  	[tilespmem:s26], [sflag:$0x1] =	stream.strided.gather [hbm4b:s25+s22], $0x800, s23, s22, $0x38;
	[tilespmem:$0x11180] =	vst v63  }
0x49: {  	s21 =	sadd.s32 s2, s12;
	s24 =	simm.s32 $0x4000  }
0x4a: {  	[tilespmem:s24], [sflag:$0x1] =	stream.strided.gather [hbm4b:s21+s22], $0x800, s23, s22, $0x38;
	[tilespmem:$0x11180] =	vst v63  }
0x4b: {  	s25 =	sadd.s32 s2, s13;
	s26 =	simm.s32 $0x4800  }
0x4c: {  	[tilespmem:s26], [sflag:$0x1] =	stream.strided.gather [hbm4b:s25+s22], $0x800, s23, s22, $0x38;
	[tilespmem:$0x11180] =	vst v63  }
0x4d: {  	s21 =	sadd.s32 s2, s14;
	s24 =	simm.s32 $0x5000  }
0x4e: {  	[tilespmem:s24], [sflag:$0x1] =	stream.strided.gather [hbm4b:s21+s22], $0x800, s23, s22, $0x38;
	[tilespmem:$0x11180] =	vst v63  }
0x4f: {  	s25 =	sadd.s32 s2, s15;
	s26 =	simm.s32 $0x5800  }
0x50: {  	[tilespmem:s26], [sflag:$0x1] =	stream.strided.gather [hbm4b:s25+s22], $0x800, s23, s22, $0x38;
	[tilespmem:$0x11180] =	vst v63  }
0x51: {  	s21 =	sadd.s32 s2, s16;
	s24 =	simm.s32 $0x6000  }
0x52: {  	[tilespmem:s24], [sflag:$0x1] =	stream.strided.gather [hbm4b:s21+s22], $0x800, s23, s22, $0x38;
	[tilespmem:$0x11180] =	vst v63  }
0x53: {  	s25 =	sadd.s32 s2, s17;
	s26 =	simm.s32 $0x6800  }
0x54: {  	[tilespmem:s26], [sflag:$0x1] =	stream.strided.gather [hbm4b:s25+s22], $0x800, s23, s22, $0x38;
	[tilespmem:$0x11180] =	vst v63  }
0x55: {  	s24 =	sadd.s32 s2, s18;
	s25 =	simm.s32 $0x7000  }
0x56: {  	[tilespmem:s25], [sflag:$0x1] =	stream.strided.gather [hbm4b:s24+s22], $0x800, s23, s22, $0x38;
	[tilespmem:$0x11180] =	vst v63  }
0x57: {  	s2 =	sadd.s32 s2, s19;
	s26 =	simm.s32 $0x7800  }
0x58: {  	[tilespmem:s26], [sflag:$0x1] =	stream.strided.gather [hbm4b:s2+s22], $0x800, s23, s22, $0x38;
	[tilespmem:$0x11180] =	vst v63  }
0x59: {  	_ =	swait.ge [sflag:s28], $0x800  }
0x5a: {  	[sflag:s28] =	ssyncset.done $0x0  }
0x5b: {  	[sflag:s28] =	ssyncadd.s32 $0xFFFFF800  }
0x5c: {  	_ =	swait.ge [sflag:s28], $0x800  }
0x5d: {  	[sflag:s28] =	ssyncset.done $0x0  }
0x5e: {  	[sflag:s28] =	ssyncadd.s32 $0xFFFFF800  }
0x5f: {  	_ =	swait.ge [sflag:s28], $0x800  }
0x60: {  	[sflag:s28] =	ssyncset.done $0x0  }
0x61: {  	[sflag:s28] =	ssyncadd.s32 $0xFFFFF800  }
0x62: {  	_ =	swait.ge [sflag:s28], $0x800  }
0x63: {  	[sflag:s28] =	ssyncset.done $0x0  }
0x64: {  	[sflag:s28] =	ssyncadd.s32 $0xFFFFF800  }
0x65: {  	_ =	swait.ge [sflag:s28], $0x800  }
0x66: {  	[sflag:s28] =	ssyncset.done $0x0  }
0x67: {  	[sflag:s28] =	ssyncadd.s32 $0xFFFFF800  }
0x68: {  	_ =	swait.ge [sflag:s28], $0x800  }
0x69: {  	[sflag:s28] =	ssyncset.done $0x0  }
0x6a: {  	[sflag:s28] =	ssyncadd.s32 $0xFFFFF800  }
0x6b: {  	_ =	swait.ge [sflag:s28], $0x800  }
0x6c: {  	[sflag:s28] =	ssyncset.done $0x0  }
0x6d: {  	[sflag:s28] =	ssyncadd.s32 $0xFFFFF800  }
0x6e: {  	_ =	swait.ge [sflag:s28], $0x800  }
0x6f: {  	[sflag:s28] =	ssyncset.done $0x0  }
0x70: {  	[sflag:s28] =	ssyncadd.s32 $0xFFFFF800  }
0x71: {  	_ =	swait.ge [sflag:s28], $0x800  }
0x72: {  	[sflag:s28] =	ssyncset.done $0x0  }
0x73: {  	[sflag:s28] =	ssyncadd.s32 $0xFFFFF800  }
0x74: {  	_ =	swait.ge [sflag:s28], $0x800  }
0x75: {  	[sflag:s28] =	ssyncset.done $0x0  }
0x76: {  	[sflag:s28] =	ssyncadd.s32 $0xFFFFF800  }
0x77: {  	_ =	swait.ge [sflag:s28], $0x800  }
0x78: {  	[sflag:s28] =	ssyncset.done $0x0  }
0x79: {  	[sflag:s28] =	ssyncadd.s32 $0xFFFFF800  }
0x7a: {  	_ =	swait.ge [sflag:s28], $0x800  }
0x7b: {  	[sflag:s28] =	ssyncset.done $0x0  }
0x7c: {  	[sflag:s28] =	ssyncadd.s32 $0xFFFFF800  }
0x7d: {  	_ =	swait.ge [sflag:s28], $0x800  }
0x7e: {  	[sflag:s28] =	ssyncset.done $0x0  }
0x7f: {  	[sflag:s28] =	ssyncadd.s32 $0xFFFFF800  }
0x80: {  	_ =	swait.ge [sflag:s28], $0x800  }
0x81: {  	[sflag:s28] =	ssyncset.done $0x0  }
0x82: {  	[sflag:s28] =	ssyncadd.s32 $0xFFFFF800  }
0x83: {  	_ =	swait.ge [sflag:s28], $0x800  }
0x84: {  	[sflag:s28] =	ssyncset.done $0x0  }
0x85: {  	v16 =	vor.u32 $0x7, v2;
	[sflag:s28] =	ssyncadd.s32 $0xFFFFF800  }
0x86: {  	v15 =	vor.u32 $0x2, v2;
	_ =	swait.ge [sflag:s28], $0x800  }
0x87: {  	v12 =	vor.u32 $0x1, v2;
	[sflag:s28] =	ssyncset.done $0x0  }
0x88: {  	v17 =	vor.u32 $0x3, v2;
	[sflag:s28] =	ssyncadd.s32 $0xFFFFF800  }
0x89: {  	v18 =	vor.u32 $0x4, v2;
	v5 =	vld.idx.msk [tilespmem:v2+s3+$0x0], $0xffff  }
0x8a: {  	v6 =	vld.idx.msk [tilespmem:v16+s3+$0x0], $0xffff  }
0x8b: {  	v19 =	vor.u32 $0x5, v2;
	v8 =	vld.idx.msk [tilespmem:v15+s3+$0x0], $0xffff  }
0x8c: {  	v20 =	vor.u32 $0x6, v2;
	v7 =	vld.idx.msk [tilespmem:v12+s3+$0x0], $0xffff  }
0x8d: {  	v21 =	vld.idx.msk [tilespmem:v17+s3+$0x0], $0xffff  }
0x8e: {  	v22 =	vld.idx.msk [tilespmem:v18+s3+$0x0], $0xffff  }
0x8f: {  	v9 =	vshra.s32 v5, $0x1F;
	v10 =	vshra.s32 v6, $0x1F  }
0x90: {  	v23 =	vld.idx.msk [tilespmem:v19+s3+$0x0], $0xffff;
	v11 =	vshra.s32 v8, $0x1F;
	v9 =	vor.u32 $0x80000000, v9;
	v10 =	vor.u32 $0x80000000, v10  }
0x91: {  	v24 =	vld.idx.msk [tilespmem:v20+s3+$0x0], $0xffff;
	v5 =	vxor.u32 v5, v9;
	v9 =	vshra.s32 v7, $0x1F;
	v6 =	vxor.u32 v6, v10  }
0x92: {  	v10 =	vor.u32 $0x80000000, v11;
	v11 =	vshra.s32 v21, $0x1F;
	v9 =	vor.u32 $0x80000000, v9  }
0x93: {  	v6 =	vshrl.u32 v6, $0x14;
	v25 =	vor.u32 $0x80000000, v11;
	v11 =	vshra.s32 v22, $0x1F  }
0x94: {  	v30 =	vxor.u32 v8, v10;
	v5 =	vshrl.u32 v5, $0x14;
	v6 =	vand.u32 $0xFF0, v6  }
0x95: {  	v26 =	vor.u32 $0x80000000, v11;
	v11 =	vshra.s32 v23, $0x1F;
	v28 =	vxor.u32 v7, v9  }
0x96: {  	v7 =	vshra.s32 v24, $0x1F;
	v21 =	vxor.u32 v21, v25;
	v27 =	vor.u32 v0, v6  }
0x97: {  	v5 =	vand.u32 $0xFF0, v5;
	v29 =	vor.u32 $0x80000000, v11;
	v6 =	vadd.s32 $0x8, v2  }
0x98: {  	v31 =	vor.u32 $0x80000000, v7;
	v22 =	vxor.u32 v22, v26;
	v13 =	vor.u32 $0x7, v6  }
0x99: {  	v25 =	vshrl.u32 v28, $0x14;
	v26 =	vshrl.u32 v30, $0x14;
	v7 =	vor.u32 $0x1, v6  }
0x9a: {  	v21 =	vshrl.u32 v21, $0x14;
	v8 =	vor.u32 $0x2, v6;
	v9 =	vor.u32 $0x3, v6  }
0x9b: {  	v10 =	vor.u32 $0x4, v6;
	v11 =	vor.u32 $0x5, v6;
	v14 =	vor.u32 $0x6, v6;
	[tilespmem:v27+s29+$0x0] =	vst.idx.add.s32.msk $0xffff, v3  }
0x9c: {  	v23 =	vxor.u32 v23, v29;
	v24 =	vxor.u32 v24, v31;
	v22 =	vshrl.u32 v22, $0x14;
	v28 =	vld.idx.msk [tilespmem:v6+s3+$0x0], $0xffff  }
0x9d: {  	v25 =	vand.u32 $0xFF0, v25;
	v26 =	vand.u32 $0xFF0, v26;
	v23 =	vshrl.u32 v23, $0x14;
	v29 =	vld.idx.msk [tilespmem:v13+s3+$0x0], $0xffff  }
0x9e: {  	v24 =	vshrl.u32 v24, $0x14;
	v22 =	vand.u32 $0xFF0, v22;
	v25 =	vor.u32 v0, v25;
	v31 =	vld.idx.msk [tilespmem:v7+s3+$0x0], $0xffff  }
0x9f: {  	v26 =	vor.u32 v0, v26;
	v23 =	vand.u32 $0xFF0, v23;
	v30 =	vand.u32 $0xFF0, v24;
	v33 =	vld.idx.msk [tilespmem:v8+s3+$0x0], $0xffff  }
0xa0: {  	v34 =	vor.u32 v0, v22;
	v35 =	vor.u32 v0, v23;
	v27 =	vand.u32 $0xFF0, v21;
	v21 =	vld.idx.msk [tilespmem:v9+s3+$0x0], $0xffff  }
0xa1: {  	v23 =	vor.u32 v0, v5;
	v32 =	vor.u32 v0, v27;
	v22 =	vld.idx.msk [tilespmem:v10+s3+$0x0], $0xffff;
	v27 =	vshra.s32 v28, $0x1F  }
0xa2: {  	v36 =	vor.u32 v0, v30;
	v24 =	vld.idx.msk [tilespmem:v11+s3+$0x0], $0xffff;
	v5 =	vor.u32 $0x80000000, v27;
	v30 =	vshra.s32 v29, $0x1F  }
0xa3: {  	v27 =	vld.idx.msk [tilespmem:v14+s3+$0x0], $0xffff;
	v5 =	vxor.u32 v28, v5;
	v28 =	vshra.s32 v31, $0x1F;
	v30 =	vor.u32 $0x80000000, v30  }
0xa4: {  	[tilespmem:v25+s29+$0x0] =	vst.idx.add.s32.msk $0xffff, v3;
	v37 =	vor.u32 $0x80000000, v28;
	v28 =	vshra.s32 v33, $0x1F;
	v29 =	vxor.u32 v29, v30  }
0xa5: {  	[tilespmem:v26+s29+$0x0] =	vst.idx.add.s32.msk $0xffff, v3;
	v25 =	vor.u32 $0x80000000, v28;
	v28 =	vshra.s32 v21, $0x1F;
	v30 =	vshrl.u32 v29, $0x14  }
0xa6: {  	[tilespmem:v34+s29+$0x0] =	vst.idx.add.s32.msk $0xffff, v3;
	v26 =	vshra.s32 v22, $0x1F;
	v29 =	vor.u32 $0x80000000, v28;
	v28 =	vand.u32 $0xFF0, v30  }
0xa7: {  	[tilespmem:v35+s29+$0x0] =	vst.idx.add.s32.msk $0xffff, v3;
	v30 =	vor.u32 $0x80000000, v26;
	v26 =	vshra.s32 v24, $0x1F;
	v28 =	vor.u32 v0, v28  }
0xa8: {  	[tilespmem:v32+s29+$0x0] =	vst.idx.add.s32.msk $0xffff, v3;
	v31 =	vxor.u32 v31, v37;
	v32 =	vor.u32 $0x80000000, v26;
	v26 =	vshra.s32 v27, $0x1F  }
0xa9: {  	s2 =	simm.s32 $0x8;
	[tilespmem:v36+s29+$0x0] =	vst.idx.add.s32.msk $0xffff, v3;
	v33 =	vxor.u32 v33, v25;
	v25 =	vadd.s32 $0x8, v6;
	v34 =	vor.u32 $0x80000000, v26  }
.LBB2_5:
0xaa: {  	v26 =	vor.u32 $0x1, v25;
	v35 =	vor.u32 $0x2, v25;
	v36 =	vor.u32 $0x7, v25;
	s2 =	sadd.s32 $0x8, s2;
	[tilespmem:v23+s29+$0x0] =	vst.idx.add.s32.msk $0xffff, v3  }
0xab: {  	v23 =	vor.u32 $0x3, v25;
	v37 =	vor.u32 $0x4, v25;
	v38 =	vor.u32 $0x5, v25;
	p0 =	slt.u32 s2, $0x7F8  }
0xac: {  	v39 =	vor.u32 $0x6, v25;
	v21 =	vxor.u32 v21, v29;
	v22 =	vxor.u32 v22, v30;
	[tilespmem:v28+s29+$0x0] =	vst.idx.add.s32.msk $0xffff, v3  }
0xad: {  	v24 =	vxor.u32 v24, v32;
	v27 =	vxor.u32 v27, v34;
	v28 =	vshrl.u32 v31, $0x14  }
0xae: {  	v30 =	vshrl.u32 v33, $0x14;
	v21 =	vshrl.u32 v21, $0x14;
	v22 =	vshrl.u32 v22, $0x14;
	v29 =	vld.idx.msk [tilespmem:v25+s3+$0x0], $0xffff  }
0xaf: {  	v5 =	vshrl.u32 v5, $0x14;
	v24 =	vshrl.u32 v24, $0x14;
	v27 =	vshrl.u32 v27, $0x14;
	v31 =	vld.idx.msk [tilespmem:v36+s3+$0x0], $0xffff  }
0xb0: {  	v32 =	vld.idx.msk [tilespmem:v26+s3+$0x0], $0xffff;
	v26 =	vand.u32 $0xFF0, v28;
	v28 =	vand.u32 $0xFF0, v30;
	v30 =	vand.u32 $0xFF0, v21  }
0xb1: {  	v34 =	vand.u32 $0xFF0, v22;
	v24 =	vand.u32 $0xFF0, v24;
	v27 =	vand.u32 $0xFF0, v27;
	v33 =	vld.idx.msk [tilespmem:v35+s3+$0x0], $0xffff  }
0xb2: {  	v5 =	vand.u32 $0xFF0, v5;
	v35 =	vor.u32 v0, v26;
	v28 =	vor.u32 v0, v28;
	v21 =	vld.idx.msk [tilespmem:v23+s3+$0x0], $0xffff  }
0xb3: {  	v34 =	vor.u32 v0, v34;
	v36 =	vor.u32 v0, v24;
	v30 =	vor.u32 v0, v30;
	v22 =	vld.idx.msk [tilespmem:v37+s3+$0x0], $0xffff  }
0xb4: {  	v23 =	vor.u32 v0, v5;
	v26 =	vshra.s32 v29, $0x1F;
	v37 =	vor.u32 v0, v27;
	v24 =	vld.idx.msk [tilespmem:v38+s3+$0x0], $0xffff  }
0xb5: {  	v5 =	vor.u32 $0x80000000, v26;
	v38 =	vshra.s32 v31, $0x1F;
	v26 =	vimm.s32 $0x0;
	v27 =	vld.idx.msk [tilespmem:v39+s3+$0x0], $0xffff  }
0xb6: {  	v5 =	vxor.u32 v29, v5;
	v29 =	vshra.s32 v32, $0x1F;
	v38 =	vor.u32 $0x80000000, v38  }
0xb7: {  	v39 =	vor.u32 $0x80000000, v29;
	v29 =	vshra.s32 v33, $0x1F;
	v31 =	vxor.u32 v31, v38;
	[tilespmem:v35+s29+$0x0] =	vst.idx.add.s32.msk $0xffff, v3  }
.Ltmp5:
0xb8: {  	v35 =	vor.u32 $0x80000000, v29;
	v29 =	vshra.s32 v21, $0x1F;
	v31 =	vshrl.u32 v31, $0x14;
	[tilespmem:v28+s29+$0x0] =	vst.idx.add.s32.msk $0xffff, v3;
	(pc) =	sbr.rel @p0 .LBB2_5-.Ltmp5, $4  }
0xb9: {  	v29 =	vor.u32 $0x80000000, v29;
	v28 =	vshra.s32 v22, $0x1F;
	v31 =	vand.u32 $0xFF0, v31;
	[tilespmem:v30+s29+$0x0] =	vst.idx.add.s32.msk $0xffff, v3  }
0xba: {  	v30 =	vor.u32 $0x80000000, v28;
	v38 =	vshra.s32 v24, $0x1F;
	v28 =	vor.u32 v0, v31;
	[tilespmem:v34+s29+$0x0] =	vst.idx.add.s32.msk $0xffff, v3  }
0xbb: {  	v31 =	vxor.u32 v32, v39;
	v32 =	vor.u32 $0x80000000, v38;
	v34 =	vshra.s32 v27, $0x1F;
	[tilespmem:v36+s29+$0x0] =	vst.idx.add.s32.msk $0xffff, v3  }
0xbc: {  	v25 =	vadd.s32 $0x8, v25;
	v33 =	vxor.u32 v33, v35;
	v34 =	vor.u32 $0x80000000, v34;
	[tilespmem:v37+s29+$0x0] =	vst.idx.add.s32.msk $0xffff, v3  }
0xbd: {  	v21 =	vxor.u32 v21, v29  }
0xbe: {  	v22 =	vxor.u32 v22, v30;
	v25 =	vshrl.u32 v31, $0x14;
	v24 =	vxor.u32 v24, v32  }
0xbf: {  	v27 =	vxor.u32 v27, v34;
	v29 =	vshrl.u32 v33, $0x14;
	v25 =	vand.u32 $0xFF0, v25  }
0xc0: {  	v5 =	vshrl.u32 v5, $0x14;
	v29 =	vand.u32 $0xFF0, v29;
	v25 =	vor.u32 v0, v25  }
0xc1: {  	v21 =	vshrl.u32 v21, $0x14;
	v5 =	vand.u32 $0xFF0, v5;
	v29 =	vor.u32 v0, v29  }
0xc2: {  	v22 =	vshrl.u32 v22, $0x14;
	v21 =	vand.u32 $0xFF0, v21;
	v5 =	vor.u32 v0, v5  }
0xc3: {  	[tilespmem:v23+s29+$0x0] =	vst.idx.add.s32.msk $0xffff, v3;
	v24 =	vshrl.u32 v24, $0x14;
	v22 =	vand.u32 $0xFF0, v22;
	v21 =	vor.u32 v0, v21  }
0xc4: {  	[tilespmem:v28+s29+$0x0] =	vst.idx.add.s32.msk $0xffff, v3;
	v23 =	vshrl.u32 v27, $0x14;
	v24 =	vand.u32 $0xFF0, v24;
	v22 =	vor.u32 v0, v22  }
0xc5: {  	v23 =	vand.u32 $0xFF0, v23;
	v24 =	vor.u32 v0, v24;
	[tilespmem:v25+s29+$0x0] =	vst.idx.add.s32.msk $0xffff, v3  }
0xc6: {  	v23 =	vor.u32 v0, v23;
	[tilespmem:v29+s29+$0x0] =	vst.idx.add.s32.msk $0xffff, v3  }
0xc7: {  	[tilespmem:v5+s29+$0x0] =	vst.idx.add.s32.msk $0xffff, v3  }
0xc8: {  	[tilespmem:v21+s29+$0x0] =	vst.idx.add.s32.msk $0xffff, v3  }
0xc9: {  	[tilespmem:v22+s29+$0x0] =	vst.idx.add.s32.msk $0xffff, v3  }
0xca: {  	[tilespmem:v24+s29+$0x0] =	vst.idx.add.s32.msk $0xffff, v3  }
0xcb: {  	s2 =	simm.s32 $0x10080;
	[tilespmem:v23+s29+$0x0] =	vst.idx.add.s32.msk $0xffff, v3  }
0xcc: {  	v27 =	vld [tilespmem:s2+$0xFFFFFF80];
	_ =	sdelay $0x1  }
0xcd: {  	v35 =	vld [tilespmem:s2+$0xFFFFFF90]  }
0xce: {  	v36 =	vld [tilespmem:s2+$0xFFFFFFA0]  }
0xcf: {  	v37 =	vld [tilespmem:s2+$0xFFFFFFB0]  }
0xd0: {  	v41 =	vadd.s32 v26, v27  }
0xd1: {  	vm2 =	vmxor vm2, vm2;
	v38 =	vld [tilespmem:s2+$0xFFFFFFC0];
	vm0 =	vgt.s32 v41, $0x3FF  }
0xd2: {  	vm1 =	vmneg vm2;
	v39 =	vld [tilespmem:s2+$0xFFFFFFD0];
	v42 =	vadd.s32 v41, v35;
	vm2 =	vmor vm2, vm0  }
0xd3: {  	vm3 =	vgt.s32 v42, $0x3FF;
	v43 =	vadd.s32 v42, v36;
	vm1 =	vmand vm0, vm1  }
0xd4: {  	s20 =	simm.s32 $0x0;
	vm4 =	vmneg vm2;
	vm2 =	vmor vm2, vm3;
	v44 =	vadd.s32 v43, v37  }
0xd5: {  	v40 =	vld [tilespmem:s2+$0xFFFFFFE0];
	v50 =	vsel vm1, s20, v26;
	v51 =	vsel vm1, v27, v26;
	v26 =	vsel vm1, v26, v26  }
0xd6: {  	v30 =	vld [tilespmem:s2+$0xFFFFFFF0];
	vm0 =	vmand vm3, vm4;
	vm3 =	vgt.s32 v43, $0x3FF;
	v45 =	vadd.s32 v44, v38  }
0xd7: {  	s26 =	simm.s32 $0x1;
	vm5 =	vgt.s32 v44, $0x3FF;
	vm4 =	vmor vm2, vm3;
	v46 =	vadd.s32 v45, v39  }
0xd8: {  	vm2 =	vmneg vm2;
	vm11 =	vgt.s32 v45, $0x3FF;
	v50 =	vsel vm0, s26, v50  }
0xd9: {  	v29 =	vld [tilespmem:s2+$0x0];
	v41 =	vsel vm0, v41, v26;
	v35 =	vsel vm0, v35, v51;
	vm8 =	vmor vm4, vm5  }
0xda: {  	v47 =	vadd.s32 v46, v40;
	vm2 =	vmand vm3, vm2;
	vm6 =	vgt.s32 v46, $0x3FF  }
0xdb: {  	v31 =	vld [tilespmem:s2+$0x10];
	vm4 =	vmneg vm4;
	v48 =	vadd.s32 v47, v30;
	vm9 =	vgt.s32 v47, $0x3FF  }
0xdc: {  	s21 =	simm.s32 $0x2;
	vm13 =	vmneg vm8;
	vm12 =	vmor vm8, vm11;
	vm14 =	vmand vm5, vm4  }
0xdd: {  	v50 =	vsel vm2, s21, v50;
	v41 =	vsel vm2, v42, v41;
	v36 =	vsel vm2, v36, v35  }
0xde: {  	s24 =	simm.s32 $0x3;
	v24 =	vld [tilespmem:s2+$0x20];
	vm7 =	vgt.s32 v48, $0x3FF;
	v49 =	vadd.s32 v48, v29;
	vm10 =	vmor vm12, vm6  }
0xdf: {  	vm11 =	vmand vm11, vm13;
	vm2 =	vmneg vm12;
	v61 =	vsel vm14, s24, v50  }
0xe0: {  	s25 =	simm.s32 $0x4;
	v5 =	vld [tilespmem:s2+$0x30];
	v41 =	vsel vm14, v43, v41;
	v36 =	vsel vm14, v37, v36;
	v34 =	vadd.s32 v49, v31  }
0xe1: {  	vm3 =	vmneg vm10;
	vm10 =	vmor vm10, vm9;
	v62 =	vsel vm11, s25, v61  }
0xe2: {  	[tilespmem:s2+$0xFFFFFF80] =	vst v1;
	vm2 =	vmand vm6, vm2;
	v41 =	vsel vm11, v44, v41;
	v36 =	vsel vm11, v38, v36  }
0xe3: {  	[tilespmem:s2+$0xFFFFFF90] =	vst v1;
	v23 =	vld [tilespmem:s2+$0x40];
	vm11 =	vgt.s32 v49, $0x3FF;
	vm8 =	vgt.s32 v34, $0x3FF;
	v32 =	vadd.s32 v34, v24  }
0xe4: {  	[tilespmem:s2+$0xFFFFFFA0] =	vst v1;
	s26 =	simm.s32 $0x5;
	vm6 =	vmneg vm10;
	v63 =	vsel vm2, v45, v41;
	vm3 =	vmand vm9, vm3  }
0xe5: {  	[tilespmem:s2+$0xFFFFFFB0] =	vst v1;
	v25 =	vld [tilespmem:s2+$0x50];
	v37 =	vsel vm2, s26, v62;
	v36 =	vsel vm2, v39, v36;
	v33 =	vadd.s32 v32, v5  }
0xe6: {  	[tilespmem:s2+$0xFFFFFFC0] =	vst v1;
	s21 =	simm.s32 $0x6;
	vm15 =	vgt.s32 v32, $0x3FF;
	vm6 =	vmand vm7, vm6;
	v38 =	vsel vm3, v46, v63  }
0xe7: {  	[tilespmem:s2+$0xFFFFFFD0] =	vst v1;
	v21 =	vld [tilespmem:s2+$0x60];
	vm7 =	vmor vm10, vm7;
	v37 =	vsel vm3, s21, v37;
	v36 =	vsel vm3, v40, v36  }
0xe8: {  	[tilespmem:s2+$0xFFFFFFE0] =	vst v1;
	s24 =	simm.s32 $0x7;
	v28 =	vadd.s32 v33, v23;
	vm4 =	vgt.s32 v33, $0x3FF;
	v38 =	vsel vm6, v47, v38  }
0xe9: {  	[tilespmem:s2+$0x0] =	vst v1;
	v22 =	vld [tilespmem:s2+$0x70];
	vm9 =	vmneg vm7;
	vm10 =	vmor vm7, vm11;
	v37 =	vsel vm6, s24, v37  }
0xea: {  	[tilespmem:s2+$0x10] =	vst v1;
	v27 =	vadd.s32 v28, v25;
	vm5 =	vgt.s32 v28, $0x3FF;
	vm7 =	vmand vm11, vm9  }
0xeb: {  	p0 =	por $0x0, $0x0;
	[tilespmem:s2+$0x20] =	vst v1;
	vm11 =	vmor vm10, vm8;
	vm2 =	vmneg vm10;
	vm13 =	vgt.s32 v27, $0x3FF  }
.Ltmp6:
0xec: {  	[tilespmem:s2+$0x30] =	vst v1;
	s25 =	simm.s32 $0x8;
	v26 =	vadd.s32 v27, v21;
	vm12 =	vmor vm11, vm15;
	vm9 =	vmand vm8, vm2;
	(pc) =	sbr.rel @p0 .LBB2_8-.Ltmp6, $4  }
0xed: {  	[tilespmem:s2+$0x40] =	vst v1;
	s26 =	simm.s32 $0x9;
	v37 =	vsel vm7, s25, v37;
	v38 =	vsel vm7, v48, v38;
	vm0 =	vgt.s32 v26, $0x3FF  }
0xee: {  	[tilespmem:s2+$0x50] =	vst v1;
	v35 =	vadd.s32 v26, v22;
	vm2 =	vmor vm12, vm4;
	v37 =	vsel vm9, s26, v37  }
0xef: {  	[tilespmem:s2+$0x60] =	vst v1;
	v42 =	vsel vm9, v49, v38;
	vm1 =	vgt.s32 v35, $0x3FF;
	vm10 =	vmor vm2, vm5  }
0xf0: {  	[tilespmem:s2+$0x70] =	vst v1;
	s20 =	simm.s32 $0xF;
	s21 =	simm.s32 $0x1F;
	s24 =	simm.s32 $0x10180;
	vm3 =	vmneg vm2;
	vm2 =	vmneg vm11;
	vm8 =	vmor vm10, vm13  }
.LBB2_7:
0xf1: {  	v30 =	vsel vm6, v30, v36;
	vm6 =	vmneg vm12;
	vm11 =	vmor vm8, vm0  }
0xf2: {  	v29 =	vsel vm7, v29, v30;
	vm7 =	vmand vm4, vm6;
	vm4 =	vmand vm5, vm3  }
0xf3: {  	vm3 =	vmneg vm10;
	vm5 =	vmand vm15, vm2;
	vm10 =	vmneg vm11  }
0xf4: {  	v40 =	vld [tilespmem:s24+$0xFFFFFF80];
	s26 =	sadd.s32 $0xFFFFFFFB, s20;
	vm2 =	vmneg vm8;
	v29 =	vsel vm9, v31, v29;
	vm9 =	vmor vm11, vm1  }
0xf5: {  	v39 =	vld [tilespmem:s24+$0xFFFFFF90];
	v30 =	vsel vm5, s26, v37;
	v31 =	vsel vm5, v34, v42;
	vm3 =	vmand vm13, vm3  }
0xf6: {  	s26 =	sadd.s32 $0xFFFFFFFC, s20;
	vm2 =	vmand vm0, vm2;
	vm0 =	vmand vm1, vm10;
	vm6 =	vmneg vm9  }
0xf7: {  	v30 =	vsel vm7, s26, v30;
	s26 =	sadd.s32 $0xFFFFFFFD, s20;
	v24 =	vsel vm5, v24, v29;
	v31 =	vsel vm7, v32, v31  }
0xf8: {  	v36 =	vld [tilespmem:s24+$0xFFFFFFA0];
	v30 =	vsel vm4, s26, v30;
	s26 =	sadd.s32 $0xFFFFFFFE, s20;
	v32 =	vsel vm4, v33, v31;
	v5 =	vsel vm7, v5, v24  }
0xf9: {  	v44 =	vadd.s32 v35, v40;
	v30 =	vsel vm3, s26, v30;
	v5 =	vsel vm4, v23, v5  }
0xfa: {  	v38 =	vld [tilespmem:s24+$0xFFFFFFB0];
	s26 =	sadd.s32 $0xFFFFFFFF, s20;
	v23 =	vimm.s32 $0x0;
	vm8 =	vgt.s32 v44, $0x3FF;
	v45 =	vadd.s32 v44, v39  }
0xfb: {  	v29 =	vsel vm2, s26, v30;
	v62 =	vsel vm3, v25, v5;
	v25 =	vsel vm3, v28, v32  }
0xfc: {  	[tilespmem:s2+$0xFFFFFFF0] =	vst v1;
	vm9 =	vmor vm9, vm8;
	vm11 =	vgt.s32 v45, $0x3FF;
	vm1 =	vmand vm8, vm6  }
0xfd: {  	v60 =	vld [tilespmem:s24+$0xFFFFFFC0];
	v46 =	vadd.s32 v45, v36;
	v61 =	vsel vm0, s20, v29;
	v63 =	vsel vm2, v27, v25  }
0xfe: {  	v53 =	vsel vm2, v21, v62;
	v27 =	vimm.s32 $0x0;
	vm10 =	vmneg vm9  }
0xff: {  	s25 =	smov.u32 s21;
	v37 =	vld [tilespmem:s24+$0xFFFFFFD0];
	vm9 =	vmor vm9, vm11;
	v47 =	vadd.s32 v46, v38;
	v56 =	vsel vm0, v26, v63  }
0x100: {  	s20 =	smov.u32 s25;
	v26 =	vimm.s32 $0x0;
	v53 =	vsel vm0, v22, v53;
	vm6 =	vmand vm11, vm10  }
0x101: {  	v43 =	vld [tilespmem:s24+$0xFFFFFFE0];
	s25 =	sadd.s32 $0xFFFFFFF1, s20;
	vm8 =	vmneg vm9;
	vm10 =	vgt.s32 v46, $0x3FF;
	vm5 =	vgt.s32 v47, $0x3FF  }
0x102: {  	v41 =	vmovc v35;
	v48 =	vadd.s32 v47, v60;
	v54 =	vsel vm1, s25, v61;
	v40 =	vsel vm1, v40, v53  }
0x103: {  	v30 =	vld [tilespmem:s24+$0xFFFFFFF0];
	s26 =	sadd.s32 $0xFFFFFFF2, s20;
	v41 =	vsel vm1, v41, v56;
	vm11 =	vmor vm9, vm10;
	vm12 =	vgt.s32 v48, $0x3FF  }
0x104: {  	vm7 =	vmand vm10, vm8;
	v49 =	vadd.s32 v48, v37;
	v56 =	vsel vm6, s26, v54  }
0x105: {  	v29 =	vld [tilespmem:s24+$0x0];
	v41 =	vsel vm6, v44, v41;
	v39 =	vsel vm6, v39, v40;
	vm13 =	vmor vm11, vm5  }
0x106: {  	s26 =	sadd.s32 $0xFFFFFFF3, s20;
	vm4 =	vgt.s32 v49, $0x3FF;
	v50 =	vadd.s32 v49, v43;
	vm2 =	vmneg vm11  }
0x107: {  	v31 =	vld [tilespmem:s24+$0x10];
	v57 =	vsel vm7, s26, v56;
	v41 =	vsel vm7, v45, v41;
	v36 =	vsel vm7, v36, v39  }
0x108: {  	v23 =	vsel vm4, $0xFFFFFFFF, v23;
	vm9 =	vgt.s32 v50, $0x3FF;
	v51 =	vadd.s32 v50, v30  }
0x109: {  	v24 =	vld [tilespmem:s24+$0x20];
	vm14 =	vmneg vm13;
	vm3 =	vmor vm13, vm12;
	vm2 =	vmand vm5, vm2  }
0x10a: {  	v5 =	vld [tilespmem:s24+$0x30];
	s26 =	sadd.s32 $0xFFFFFFF4, s20;
	vm10 =	vgt.s32 v51, $0x3FF;
	v52 =	vadd.s32 v51, v29;
	vm15 =	vmor vm3, vm4  }
0x10b: {  	v25 =	vld [tilespmem:s24+$0x50];
	vm3 =	vmneg vm3;
	vm12 =	vmand vm12, vm14;
	v40 =	vsel vm2, s26, v57  }
0x10c: {  	[tilespmem:$0x1FFD0] =	vst v23;
	v23 =	vld [tilespmem:s24+$0x40];
	v41 =	vsel vm2, v46, v41;
	s26 =	sadd.s32 $0xFFFFFFF5, s20;
	v36 =	vsel vm2, v38, v36;
	v34 =	vadd.s32 v52, v31  }
0x10d: {  	vm4 =	vmneg vm15;
	vm14 =	vmor vm15, vm9;
	v40 =	vsel vm12, s26, v40;
	v58 =	vld [tilespmem:$0x1FFD0]  }
0x10e: {  	[tilespmem:s24+$0xFFFFFF80] =	vst v1;
	v41 =	vsel vm12, v47, v41;
	v36 =	vsel vm12, v60, v36;
	v27 =	vsel vm4, $0xFFFFFFFF, v27  }
0x10f: {  	v21 =	vld [tilespmem:s24+$0x60];
	vm11 =	vgt.s32 v34, $0x3FF;
	v32 =	vadd.s32 v34, v24;
	vm6 =	vmneg vm14;
	[tilespmem:$0x1FFE0] =	vst v27  }
0x110: {  	[tilespmem:s24+$0xFFFFFF90] =	vst v1;
	vm8 =	vgt.s32 v32, $0x3FF;
	v33 =	vadd.s32 v32, v5;
	vm6 =	vmand vm10, vm6;
	v60 =	vld [tilespmem:$0x1FFE0]  }
0x111: {  	[tilespmem:s24+$0xFFFFFFA0] =	vst v1;
	v55 =	vld [tilespmem:s24+$0x70];
	vm4 =	vgt.s32 v33, $0x3FF;
	vm15 =	vmmov vm8;
	v28 =	vadd.s32 v33, v23  }
0x112: {  	[tilespmem:s24+$0xFFFFFFB0] =	vst v1;
	vm5 =	vgt.s32 v28, $0x3FF;
	v27 =	vadd.s32 v28, v25;
	vm2 =	vnez.u8 v58  }
0x113: {  	[tilespmem:s24+$0x70] =	vst v1;
	s26 =	sadd.s32 $0xFFFFFFF6, s20;
	vm13 =	vgt.s32 v27, $0x3FF;
	vm2 =	vmand vm2, vm3;
	vm3 =	vgt.s32 v52, $0x3FF  }
0x114: {  	[tilespmem:s24+$0xFFFFFFC0] =	vst v1;
	v26 =	vsel vm13, $0xFFFFFFFF, v26;
	v59 =	vsel vm2, v48, v41;
	v61 =	vsel vm2, s26, v40  }
0x115: {  	v36 =	vsel vm2, v37, v36;
	[tilespmem:$0x1FFF0] =	vst v26;
	v26 =	vadd.s32 v27, v21;
	vm7 =	vnez.u8 v60  }
0x116: {  	[tilespmem:s24+$0xFFFFFFE0] =	vst v1;
	vm0 =	vgt.s32 v26, $0x3FF;
	v35 =	vadd.s32 v26, v55;
	vm8 =	vmand vm9, vm7  }
0x117: {  	[tilespmem:s24+$0xFFFFFFD0] =	vst v1;
	s26 =	sadd.s32 $0xFFFFFFF7, s20;
	vm7 =	vmor vm14, vm10;
	vm1 =	vgt.s32 v35, $0x3FF;
	v38 =	vsel vm8, v49, v59  }
0x118: {  	[tilespmem:s24+$0x10] =	vst v1;
	v63 =	vld [tilespmem:$0x1FFF0];
	vm9 =	vmneg vm7;
	vm10 =	vmor vm7, vm3;
	v39 =	vsel vm8, s26, v61  }
0x119: {  	p0 =	seq.s32 s21, $0xFF;
	[tilespmem:s24+$0x20] =	vst v1;
	v36 =	vsel vm8, v43, v36;
	v38 =	vsel vm6, v50, v38;
	vm13 =	vmor vm10, vm11  }
.Ltmp7:
0x11a: {  	[tilespmem:s24+$0x30] =	vst v1;
	s26 =	sadd.s32 $0xFFFFFFF8, s20;
	vm7 =	vmand vm3, vm9;
	vm2 =	vmneg vm10;
	vm12 =	vmor vm13, vm15;
	(pc) =	sbr.rel @!p0 .LBB2_7-.Ltmp7, $4  }
0x11b: {  	[tilespmem:s24+$0x0] =	vst v1;
	v62 =	vsel vm6, s26, v39;
	s26 =	sadd.s32 $0xFFFFFFF9, s20;
	vm9 =	vmand vm11, vm2;
	vm2 =	vmor vm12, vm4  }
0x11c: {  	[tilespmem:s24+$0x50] =	vst v1;
	v37 =	vsel vm7, s26, v62;
	v38 =	vsel vm7, v51, v38;
	vm10 =	vmor vm2, vm5  }
0x11d: {  	[tilespmem:s24+$0x60] =	vst v1;
	s26 =	sadd.s32 $0xFFFFFFFA, s20;
	vm3 =	vmneg vm2;
	vm2 =	vmneg vm13;
	vm13 =	vnez.u8 v63  }
0x11e: {  	s21 =	sadd.s32 $0x10, s21;
	s2 =	smov.u32 s24;
	v22 =	vmovc v55;
	[tilespmem:s24+$0x40] =	vst v1;
	s24 =	sadd.s32 $0x100, s24;
	v37 =	vsel vm9, s26, v37;
	v42 =	vsel vm9, v52, v38;
	vm8 =	vmor vm10, vm13  }
.LBB2_8:
0x11f: {  	v30 =	vsel vm6, v30, v36  }
0x120: {  	vm6 =	vmneg vm12;
	vm2 =	vmand vm15, vm2;
	vm3 =	vmand vm5, vm3  }
0x121: {  	s21 =	sadd.s32 $0xFFFFFFFB, s20;
	vm5 =	vmneg vm10;
	v29 =	vsel vm7, v29, v30;
	vm4 =	vmand vm4, vm6  }
0x122: {  	s26 =	sadd.s32 $0xFFFFFFFC, s20;
	v30 =	vsel vm2, s21, v37;
	vm5 =	vmand vm13, vm5;
	vm6 =	vmneg vm8  }
0x123: {  	s24 =	sadd.s32 $0xFFFFFFFD, s20;
	[tilespmem:s2+$0xFFFFFFF0] =	vst v1;
	v29 =	vsel vm9, v31, v29;
	v31 =	vsel vm2, v34, v42;
	v30 =	vsel vm4, s26, v30  }
0x124: {  	s25 =	sadd.s32 $0xFFFFFFFE, s20;
	v16 =	vld.idx.msk [tilespmem:v16+s3+$0x0], $0xffff;
	vm6 =	vmand vm0, vm6;
	v30 =	vsel vm3, s24, v30;
	v24 =	vsel vm2, v24, v29  }
0x125: {  	v20 =	vld.idx.msk [tilespmem:v20+s3+$0x0], $0xffff;
	s26 =	sadd.s32 $0xFFFFFFFF, s20;
	vm0 =	vmor vm8, vm0;
	v30 =	vsel vm5, s25, v30;
	v5 =	vsel vm4, v5, v24  }
0x126: {  	v19 =	vld.idx.msk [tilespmem:v19+s3+$0x0], $0xffff;
	v29 =	vsel vm6, s26, v30;
	v30 =	vsel vm4, v32, v31;
	v5 =	vsel vm3, v23, v5  }
0x127: {  	v18 =	vld.idx.msk [tilespmem:v18+s3+$0x0], $0xffff;
	vm0 =	vmneg vm0;
	v24 =	vsel vm3, v33, v30;
	v5 =	vsel vm5, v25, v5  }
0x128: {  	vm0 =	vmand vm1, vm0;
	v25 =	vld.idx.msk [tilespmem:v15+s3+$0x0], $0xffff;
	v23 =	vsel vm5, v28, v24;
	v5 =	vsel vm6, v21, v5  }
0x129: {  	v24 =	vsel vm6, v27, v23;
	v5 =	vsel vm0, v22, v5;
	v22 =	vld.idx.msk [tilespmem:v2+s3+$0x0], $0xffff  }
0x12a: {  	v21 =	vsel vm0, v26, v24;
	v24 =	vld.idx.msk [tilespmem:v17+s3+$0x0], $0xffff  }
0x12b: {  	v15 =	vshra.s32 v16, $0x1F;
	v26 =	vld.idx.msk [tilespmem:v12+s3+$0x0], $0xffff  }
0x12c: {  	v30 =	vshra.s32 v18, $0x1F;
	v15 =	vor.u32 $0x80000000, v15  }
0x12d: {  	v23 =	vsel vm0, s20, v29;
	v27 =	vshra.s32 v20, $0x1F;
	v28 =	vshra.s32 v25, $0x1F  }
0x12e: {  	v15 =	vxor.u32 v16, v15;
	v17 =	vshra.s32 v19, $0x1F;
	v28 =	vor.u32 $0x80000000, v28  }
0x12f: {  	v27 =	vor.u32 $0x80000000, v27;
	v12 =	vshra.s32 v22, $0x1F;
	v28 =	vxor.u32 v25, v28  }
0x130: {  	v12 =	vor.u32 $0x80000000, v12;
	v29 =	vshra.s32 v24, $0x1F;
	v31 =	vshra.s32 v26, $0x1F  }
0x131: {  	v12 =	vxor.u32 v22, v12;
	v22 =	vor.u32 $0x80000000, v30;
	v30 =	vor.u32 $0x80000000, v17  }
0x132: {  	v31 =	vor.u32 $0x80000000, v31;
	v29 =	vor.u32 $0x80000000, v29;
	v17 =	vxor.u32 v20, v27  }
0x133: {  	v60 =	vshrl.u32 v12, $0x18;
	v61 =	vxor.u32 v24, v29;
	v20 =	vxor.u32 v18, v22  }
0x134: {  	v18 =	vxor.u32 v19, v30;
	v16 =	vxor.u32 v26, v31;
	v29 =	vshrl.u32 v15, $0x18  }
0x135: {  	v27 =	vshrl.u32 v17, $0x18;
	v31 =	vshrl.u32 v28, $0x18;
	vm0 =	veq.s32 v60, v23  }
0x136: {  	v24 =	vshrl.u32 v18, $0x18;
	v19 =	vshrl.u32 v16, $0x18;
	v25 =	vshrl.u32 v61, $0x18  }
0x137: {  	v26 =	vshrl.u32 v20, $0x18;
	v30 =	vsel vm0, $0x1, v1;
	vm1 =	veq.s32 v19, v23  }
0x138: {  	v13 =	vld.idx.msk [tilespmem:v13+s3+$0x0], $0xffff;
	vm6 =	veq.s32 v31, v23;
	v19 =	vadd.s32 v30, v2;
	v30 =	vsel vm1, $0x1, v1  }
0x139: {  	v14 =	vld.idx.msk [tilespmem:v14+s3+$0x0], $0xffff;
	v31 =	vsel vm6, $0x1, v1;
	vm7 =	veq.s32 v25, v23;
	v30 =	vadd.s32 v30, v19  }
0x13a: {  	v11 =	vld.idx.msk [tilespmem:v11+s3+$0x0], $0xffff;
	vm2 =	veq.s32 v26, v23;
	v25 =	vsel vm7, $0x1, v1;
	v31 =	vadd.s32 v31, v30  }
0x13b: {  	v10 =	vld.idx.msk [tilespmem:v10+s3+$0x0], $0xffff;
	vm3 =	veq.s32 v24, v23;
	v26 =	vsel vm2, $0x1, v1;
	v25 =	vadd.s32 v25, v31  }
0x13c: {  	v22 =	vld.idx.msk [tilespmem:v6+s3+$0x0], $0xffff;
	vm4 =	veq.s32 v27, v23;
	v62 =	vsel vm3, $0x1, v1;
	v26 =	vadd.s32 v26, v25  }
0x13d: {  	vm5 =	veq.s32 v29, v23;
	v29 =	vld.idx.msk [tilespmem:v7+s3+$0x0], $0xffff;
	v63 =	vsel vm4, $0x1, v1;
	v27 =	vadd.s32 v62, v26  }
0x13e: {  	v24 =	vld.idx.msk [tilespmem:v9+s3+$0x0], $0xffff;
	[tilespmem:v30+s30+$0x0] =	vst.idx.msk vm6, v28;
	v28 =	vadd.s32 v63, v27;
	v30 =	vsel vm5, $0x1, v1  }
0x13f: {  	s2 =	simm.s32 $0x8;
	v9 =	vld.idx.msk [tilespmem:v8+s3+$0x0], $0xffff;
	v8 =	vadd.s32 $0x8, v6;
	v6 =	vmov v2;
	[tilespmem:v31+s30+$0x0] =	vst.idx.msk vm7, v61;
	v7 =	vadd.s32 v30, v28  }
.LBB2_9:
0x140: {  	v30 =	vor.u32 $0x5, v8;
	v31 =	vor.u32 $0x6, v8;
	v32 =	vor.u32 $0x7, v8;
	[tilespmem:v25+s30+$0x0] =	vst.idx.msk vm2, v20  }
0x141: {  	v33 =	vor.u32 $0x2, v8;
	v34 =	vor.u32 $0x3, v8;
	v35 =	vor.u32 $0x4, v8;
	[tilespmem:v26+s30+$0x0] =	vst.idx.msk vm3, v18  }
0x142: {  	v36 =	vor.u32 $0x1, v8;
	v20 =	vshra.s32 v13, $0x1F;
	v18 =	vshra.s32 v22, $0x1F;
	[tilespmem:v27+s30+$0x0] =	vst.idx.msk vm4, v17  }
0x143: {  	v25 =	vshra.s32 v14, $0x1F;
	v17 =	vor.u32 $0x80000000, v18;
	v18 =	vshra.s32 v11, $0x1F;
	[tilespmem:v28+s30+$0x0] =	vst.idx.msk vm5, v15  }
0x144: {  	v26 =	vshra.s32 v24, $0x1F;
	v27 =	vshra.s32 v10, $0x1F;
	v15 =	vshra.s32 v9, $0x1F;
	[tilespmem:v19+s30+$0x0] =	vst.idx.msk vm1, v16  }
0x145: {  	v20 =	vor.u32 $0x80000000, v20;
	v16 =	vshra.s32 v29, $0x1F;
	v19 =	vor.u32 $0x80000000, v25;
	[tilespmem:v6+s30+$0x0] =	vst.idx.msk vm0, v12;
	v6 =	vmovc v7  }
0x146: {  	v18 =	vor.u32 $0x80000000, v18;
	v12 =	vxor.u32 v22, v17;
	v22 =	vor.u32 $0x80000000, v27  }
0x147: {  	v26 =	vor.u32 $0x80000000, v26;
	v25 =	vor.u32 $0x80000000, v15;
	v16 =	vor.u32 $0x80000000, v16  }
0x148: {  	v15 =	vxor.u32 v13, v20;
	v17 =	vxor.u32 v14, v19;
	v27 =	vshrl.u32 v12, $0x18  }
0x149: {  	v37 =	vxor.u32 v24, v26;
	v18 =	vxor.u32 v11, v18;
	v20 =	vxor.u32 v10, v22  }
0x14a: {  	v28 =	vxor.u32 v9, v25;
	v9 =	vshrl.u32 v15, $0x18;
	v16 =	vxor.u32 v29, v16  }
0x14b: {  	v10 =	vshrl.u32 v18, $0x18;
	v24 =	vshrl.u32 v17, $0x18;
	vm0 =	veq.s32 v27, v23  }
0x14c: {  	v14 =	vshrl.u32 v37, $0x18;
	v11 =	vshrl.u32 v16, $0x18;
	v25 =	vshrl.u32 v20, $0x18  }
0x14d: {  	v13 =	vsel vm0, $0x1, v1;
	vm1 =	veq.s32 v11, v23;
	v11 =	vshrl.u32 v28, $0x18  }
0x14e: {  	v19 =	vadd.s32 v13, v7;
	v7 =	vsel vm1, $0x1, v1;
	vm6 =	veq.s32 v11, v23;
	v22 =	vld.idx.msk [tilespmem:v8+s3+$0x0], $0xffff  }
0x14f: {  	s2 =	sadd.s32 $0x8, s2;
	vm7 =	veq.s32 v14, v23;
	v7 =	vadd.s32 v7, v19;
	v11 =	vsel vm6, $0x1, v1;
	v13 =	vld.idx.msk [tilespmem:v32+s3+$0x0], $0xffff  }
0x150: {  	p0 =	slt.u32 s2, $0x7F8;
	v26 =	vsel vm7, $0x1, v1;
	vm2 =	veq.s32 v25, v23;
	v14 =	vld.idx.msk [tilespmem:v31+s3+$0x0], $0xffff;
	v31 =	vadd.s32 v11, v7  }
.Ltmp8:
0x151: {  	vm3 =	veq.s32 v10, v23;
	v11 =	vld.idx.msk [tilespmem:v30+s3+$0x0], $0xffff;
	v25 =	vadd.s32 v26, v31;
	v26 =	vsel vm2, $0x1, v1;
	(pc) =	sbr.rel @p0 .LBB2_9-.Ltmp8, $4  }
0x152: {  	vm4 =	veq.s32 v24, v23;
	v27 =	vsel vm3, $0x1, v1;
	v10 =	vld.idx.msk [tilespmem:v35+s3+$0x0], $0xffff;
	v26 =	vadd.s32 v26, v25  }
0x153: {  	vm5 =	veq.s32 v9, v23;
	v29 =	vsel vm4, $0x1, v1;
	v24 =	vld.idx.msk [tilespmem:v34+s3+$0x0], $0xffff;
	v27 =	vadd.s32 v27, v26  }
0x154: {  	v9 =	vld.idx.msk [tilespmem:v33+s3+$0x0], $0xffff;
	[tilespmem:v7+s30+$0x0] =	vst.idx.msk vm6, v28;
	v28 =	vadd.s32 v29, v27;
	v7 =	vsel vm5, $0x1, v1  }
0x155: {  	v8 =	vadd.s32 $0x8, v8;
	v29 =	vld.idx.msk [tilespmem:v36+s3+$0x0], $0xffff;
	[tilespmem:v31+s30+$0x0] =	vst.idx.msk vm7, v37;
	v7 =	vadd.s32 v7, v28  }
0x156: {  	v8 =	vshra.s32 v22, $0x1F  }
0x157: {  	v31 =	vshra.s32 v11, $0x1F;
	v32 =	vshra.s32 v14, $0x1F;
	v8 =	vor.u32 $0x80000000, v8  }
0x158: {  	v35 =	vshra.s32 v10, $0x1F;
	v32 =	vor.u32 $0x80000000, v32;
	v31 =	vor.u32 $0x80000000, v31  }
0x159: {  	v34 =	vshra.s32 v24, $0x1F;
	v8 =	vxor.u32 v22, v8;
	v35 =	vor.u32 $0x80000000, v35  }
0x15a: {  	v38 =	vxor.u32 v14, v32;
	v43 =	vxor.u32 v11, v31;
	v33 =	vshra.s32 v9, $0x1F  }
0x15b: {  	v34 =	vor.u32 $0x80000000, v34;
	v39 =	vshrl.u32 v8, $0x18;
	v42 =	vxor.u32 v10, v35  }
0x15c: {  	v46 =	vshrl.u32 v43, $0x18;
	v47 =	vshrl.u32 v38, $0x18;
	v22 =	vshra.s32 v29, $0x1F  }
0x15d: {  	v33 =	vor.u32 $0x80000000, v33;
	v41 =	vxor.u32 v24, v34;
	v22 =	vor.u32 $0x80000000, v22  }
0x15e: {  	vm6 =	veq.s32 v39, v23;
	v50 =	vshrl.u32 v42, $0x18;
	v22 =	vxor.u32 v29, v22  }
0x15f: {  	v44 =	vxor.u32 v9, v33;
	v49 =	vshrl.u32 v41, $0x18;
	v48 =	vshrl.u32 v22, $0x18  }
0x160: {  	v51 =	vsel vm6, $0x1, v1;
	v52 =	vshrl.u32 v44, $0x18;
	vm7 =	veq.s32 v48, v23  }
0x161: {  	[tilespmem:v25+s30+$0x0] =	vst.idx.msk vm2, v20;
	v20 =	vadd.s32 v51, v7;
	vm10 =	veq.s32 v52, v23;
	v53 =	vsel vm7, $0x1, v1  }
0x162: {  	vm11 =	veq.s32 v49, v23;
	v55 =	vsel vm10, $0x1, v1;
	v54 =	vadd.s32 v53, v20  }
0x163: {  	vm12 =	veq.s32 v50, v23;
	v57 =	vsel vm11, $0x1, v1;
	v56 =	vadd.s32 v55, v54  }
0x164: {  	vm13 =	veq.s32 v46, v23;
	v59 =	vsel vm12, $0x1, v1;
	v58 =	vadd.s32 v57, v56  }
0x165: {  	vm14 =	veq.s32 v47, v23;
	v61 =	vsel vm13, $0x1, v1;
	v60 =	vadd.s32 v59, v58  }
0x166: {  	[tilespmem:v6+s30+$0x0] =	vst.idx.msk vm0, v12;
	v6 =	vadd.s32 v61, v60;
	_ =	sdelay $0x3  }
0x167: {  	v62 =	vsel vm14, $0x1, v1  }
0x168: {  	v63 =	vadd.s32 v62, v6;
	[tilespmem:v6+s30+$0x0] =	vst.idx.msk vm14, v38;
	v6 =	vxor.u32 $0x80000000, v5  }
0x169: {  	(xrf0) =	vmax.scan.msk.u32 $0xffff, v6;
	_ =	sdelay $0x5  }
0x16a: {  	v6, _, _ =	vpop (xrf0)  }
0x16b: {  	(v2sf) =	vpush v6, $0xF;
	_ =	sdelay $0xb  }
0x16c: {  	v30 =	vshra.s32 v13, $0x1F;
	[tilespmem:v26+s30+$0x0] =	vst.idx.msk vm3, v18  }
0x16d: {  	[tilespmem:v27+s30+$0x0] =	vst.idx.msk vm4, v17;
	v30 =	vor.u32 $0x80000000, v30  }
0x16e: {  	[tilespmem:v28+s30+$0x0] =	vst.idx.msk vm5, v15;
	v40 =	vxor.u32 v13, v30  }
0x16f: {  	[tilespmem:v19+s30+$0x0] =	vst.idx.msk vm1, v16;
	v45 =	vshrl.u32 v40, $0x18;
	s2 =	spop (v2sf)  }
0x170: {  	vm15 =	veq.s32 v45, v23;
	[tilespmem:v7+s30+$0x0] =	vst.idx.msk vm6, v8;
	s21 =	sxor.u32 $0x80000000, s2  }
0x171: {  	[tilespmem:v20+s30+$0x0] =	vst.idx.msk vm7, v22;
	p0 =	slt.s32 s21, $0x2  }
.Ltmp9:
0x172: {  	[tilespmem:v54+s30+$0x0] =	vst.idx.msk vm10, v44;
	(pc) =	sbr.rel @p0 .LBB2_23-.Ltmp9, $4  }
0x173: {  	[tilespmem:v56+s30+$0x0] =	vst.idx.msk vm11, v41  }
0x174: {  	[tilespmem:v58+s30+$0x0] =	vst.idx.msk vm12, v42  }
0x175: {  	[tilespmem:v60+s30+$0x0] =	vst.idx.msk vm13, v43  }
0x176: {  	[tilespmem:v63+s30+$0x0] =	vst.idx.msk vm15, v40  }
.Ltmp10:
0x177: {  	(pc) =	sbr.rel .LBB2_12-.Ltmp10, $2  }
0x178: {  	_ =	sdelay $0x2  }
0x179: {  	v6 =	vsub.s32 $0x3FF, v21;
	s20 =	simm.s32 $0x1  }
.LBB2_22:
0x17a: {  	v7 =	vld [tilespmem:$0x1FFA0];
	_ =	sdelay $0x4  }
0x17b: {  	v5 =	vnsel vm5, $0x0, v15;
	vm2 =	vnez.u8 v7;
	v7 =	vld [tilespmem:$0x1FFB0]  }
0x17c: {  	v5 =	vsel vm4, v8, v5  }
0x17d: {  	v5 =	vsel vm9, v12, v5  }
0x17e: {  	v5 =	vsel vm10, v13, v5  }
0x17f: {  	v5 =	vsel vm6, v16, v5  }
0x180: {  	v5 =	vsel vm7, v18, v5;
	vm3 =	vnez.u8 v7;
	v7 =	vld [tilespmem:$0x1FFC0]  }
0x181: {  	v5 =	vsel vm11, v20, v5  }
0x182: {  	v5 =	vsel vm12, v22, v5  }
0x183: {  	v5 =	vsel vm13, v24, v5  }
0x184: {  	v5 =	vsel vm2, v26, v5  }
0x185: {  	v5 =	vsel vm3, v28, v5;
	vm4 =	vnez.u8 v7  }
0x186: {  	v5 =	vsel vm4, v31, v5  }
0x187: {  	v5 =	vsel vm14, v33, v5  }
0x188: {  	v5 =	vsel vm15, v35, v5  }
0x189: {  	v5 =	vsel vm0, v36, v5  }
0x18a: {  	v5 =	vsel vm1, v5, v37  }
0x18b: {  	v7 =	vxor.u32 $0x80000000, v5  }
0x18c: {  	(xrf0) =	vmax.scan.msk.u32 $0xffff, v7;
	_ =	sdelay $0x5  }
0x18d: {  	v7, _, _ =	vpop (xrf0)  }
0x18e: {  	(v2sf) =	vpush v7, $0xF;
	_ =	sdelay $0x7  }
0x18f: {  	v7 =	vnsel vm8, $0x0, v8  }
0x190: {  	v7 =	vsel vm9, v9, v7  }
0x191: {  	v7 =	vsel vm10, v10, v7  }
0x192: {  	v7 =	vsel vm6, v11, v7  }
0x193: {  	v7 =	vsel vm7, v14, v7  }
0x194: {  	v7 =	vsel vm11, v17, v7  }
0x195: {  	v7 =	vsel vm12, v19, v7  }
0x196: {  	v7 =	vsel vm13, v21, v7;
	s2 =	spop (v2sf)  }
0x197: {  	p0 =	sgt.u32 s20, $0x5;
	v7 =	vsel vm2, v23, v7;
	s21 =	sxor.u32 $0x80000000, s2  }
0x198: {  	v7 =	vsel vm3, v25, v7;
	p1 =	sgt.s32 @!p0 s21, $0x1  }
0x199: {  	v7 =	vsel vm4, v27, v7;
	p0 =	por p0, !p1  }
.Ltmp11:
0x19a: {  	v7 =	vsel vm14, v29, v7;
	(pc) =	sbr.rel @p0 .LBB2_23-.Ltmp11, $4  }
0x19b: {  	v7 =	vsel vm15, v30, v7  }
0x19c: {  	v7 =	vsel vm0, v32, v7  }
0x19d: {  	v7 =	vsel vm1, v7, v34  }
0x19e: {  	s20 =	sadd.s32 $0x1, s20;
	v6 =	vsub.s32 v6, v7  }
.LBB2_12:
0x19f: {  	v8 =	vimm.s32 $0x0  }
0x1a0: {  	[tilespmem:$0x11000] =	vst v8  }
0x1a1: {  	[tilespmem:$0x11010] =	vst v8  }
0x1a2: {  	[tilespmem:$0x11020] =	vst v8  }
0x1a3: {  	[tilespmem:$0x11030] =	vst v8  }
0x1a4: {  	[tilespmem:$0x11040] =	vst v8  }
0x1a5: {  	[tilespmem:$0x11050] =	vst v8  }
0x1a6: {  	[tilespmem:$0x11060] =	vst v8  }
0x1a7: {  	[tilespmem:$0x11070] =	vst v8  }
0x1a8: {  	s24 =	sand.u32 $0x3, s2;
	[tilespmem:$0x11080] =	vst v8  }
0x1a9: {  	[tilespmem:$0x11090] =	vst v8;
	s2 =	ssub.s32 s21, s24  }
0x1aa: {  	[tilespmem:$0x110A0] =	vst v8;
	p1 =	slt.s32 s2, $0x1  }
.Ltmp12:
0x1ab: {  	[tilespmem:$0x110B0] =	vst v8;
	(pc) =	sbr.rel @p1 .LBB2_15-.Ltmp12, $4  }
0x1ac: {  	[tilespmem:$0x110C0] =	vst v8  }
0x1ad: {  	s25 =	sshll.u32 s20, $0x2;
	[tilespmem:$0x110D0] =	vst v8  }
0x1ae: {  	s25 =	ssub.s32 $0x18, s25;
	[tilespmem:$0x110E0] =	vst v8  }
0x1af: {  	[tilespmem:$0x110F0] =	vst v8;
	v7 =	vmov s25  }
0x1b0: {  	p2 =	sgt.s32 s2, $0x4  }
.Ltmp13:
0x1b1: {  	v9 =	vmul.u32 $0x800, v0;
	(pc) =	sbr.rel @!p2 .LBB2_14-.Ltmp13, $4  }
0x1b2: {  	_ = 	snop  }
0x1b3: {  	v8 =	vimm.s32 $0x0;
	v10 =	vor.u32 $0x1, v9  }
0x1b4: {  	v11 =	vor.u32 $0x2, v9;
	v12 =	vor.u32 $0x3, v9;
	v13 =	vadd.s32 v9, v8  }
0x1b5: {  	p0 =	por $0x0, $0x0;
	v14 =	vadd.s32 v10, v8;
	v18 =	vadd.s32 v11, v8;
	v16 =	vadd.s32 v12, v8  }
0x1b6: {  	_ =	sdelay $0x3  }
0x1b7: {  	v15 =	vld.idx.msk [tilespmem:v18+s30+$0x0], $0xffff  }
0x1b8: {  	v14 =	vld.idx.msk [tilespmem:v14+s30+$0x0], $0xffff  }
0x1b9: {  	v16 =	vld.idx.msk [tilespmem:v16+s30+$0x0], $0xffff  }
0x1ba: {  	v13 =	vld.idx.msk [tilespmem:v13+s30+$0x0], $0xffff  }
0x1bb: {  	v17 =	vor.u32 $0x2, v8  }
0x1bc: {  	v18 =	vor.u32 $0x1, v8;
	vm0 =	vgt.s32 v5, v8;
	vm1 =	vgt.s32 v5, v17  }
0x1bd: {  	v17 =	vor.u32 $0x3, v8;
	vm2 =	vgt.s32 v5, v18;
	v8 =	vadd.s32 $0x4, v8  }
0x1be: {  	p2 =	sgt.s32 s2, $0x8;
	vm3 =	vgt.s32 v5, v17;
	v18 =	vadd.s32 v11, v8;
	v17 =	vshrl.u32 v14, v7  }
.Ltmp14:
0x1bf: {  	v15 =	vshrl.u32 v15, v7;
	v19 =	vshrl.u32 v16, v7;
	v16 =	vshrl.u32 v13, v7;
	(pc) =	sbr.rel @!p2 .LBB2_28-.Ltmp14, $4  }
0x1c0: {  	v14 =	vadd.s32 v10, v8;
	v13 =	vadd.s32 v9, v8;
	v20 =	vshll.u32 v16, $0x4  }
0x1c1: {  	v16 =	vadd.s32 v12, v8;
	v15 =	vshll.u32 v15, $0x4;
	v22 =	vshll.u32 v17, $0x4  }
0x1c2: {  	v21 =	vor.u32 v0, v20;
	v15 =	vor.u32 v0, v15;
	v20 =	vshll.u32 v19, $0x4  }
0x1c3: {  	s25 =	simm.s32 $0x8;
	p0 =	por $0x1, $0x1;
	v19 =	vor.u32 v0, v22;
	v17 =	vand.u32 $0xFF, v21;
	v15 =	vand.u32 $0xFF, v15  }
.LBB2_27:
0x1c4: {  	v21 =	vor.u32 $0x1, v8;
	v22 =	vor.u32 $0x2, v8;
	v20 =	vor.u32 v0, v20  }
0x1c5: {  	s25 =	sadd.s32 $0x4, s25;
	v18 =	vld.idx.msk [tilespmem:v18+s30+$0x0], $0xffff;
	vm4 =	vmmov vm1;
	vm5 =	vmmov vm2;
	vm6 =	vmmov vm3  }
0x1c6: {  	p2 =	slt.s32 s25, s2;
	v14 =	vld.idx.msk [tilespmem:v14+s30+$0x0], $0xffff;
	vm1 =	vgt.s32 v5, v22;
	v22 =	vor.u32 $0x3, v8;
	v20 =	vand.u32 $0xFF, v20  }
0x1c7: {  	v19 =	vand.u32 $0xFF, v19;
	v16 =	vld.idx.msk [tilespmem:v16+s30+$0x0], $0xffff  }
0x1c8: {  	v13 =	vld.idx.msk [tilespmem:v13+s30+$0x0], $0xffff  }
0x1c9: {  	[tilespmem:v17+s31+$0x0] =	vst.idx.add.s32.msk vm0, v3  }
0x1ca: {  	vm2 =	vgt.s32 v5, v21  }
0x1cb: {  	vm3 =	vgt.s32 v5, v22;
	vm0 =	vgt.s32 v5, v8;
	[tilespmem:v15+s31+$0x0] =	vst.idx.add.s32.msk vm4, v3  }
0x1cc: {  	v8 =	vadd.s32 $0x4, v8;
	v17 =	vshrl.u32 v18, v7;
	v15 =	vshrl.u32 v14, v7;
	[tilespmem:v19+s31+$0x0] =	vst.idx.add.s32.msk vm5, v3  }
0x1cd: {  	v19 =	vshrl.u32 v16, v7;
	[tilespmem:v20+s31+$0x0] =	vst.idx.add.s32.msk vm6, v3  }
.Ltmp15:
0x1ce: {  	v18 =	vadd.s32 v11, v8;
	v14 =	vadd.s32 v10, v8;
	v16 =	vshrl.u32 v13, v7;
	(pc) =	sbr.rel @p2 .LBB2_27-.Ltmp15, $4  }
0x1cf: {  	v13 =	vadd.s32 v9, v8;
	v20 =	vshll.u32 v16, $0x4  }
0x1d0: {  	v17 =	vshll.u32 v17, $0x4;
	v16 =	vadd.s32 v12, v8;
	v21 =	vor.u32 v0, v20  }
0x1d1: {  	v15 =	vshll.u32 v15, $0x4;
	v22 =	vor.u32 v0, v17;
	v20 =	vshll.u32 v19, $0x4  }
0x1d2: {  	v19 =	vor.u32 v0, v15;
	v15 =	vand.u32 $0xFF, v22;
	v17 =	vand.u32 $0xFF, v21  }
.LBB2_28:
0x1d3: {  	_ =	sdelay $0x3  }
0x1d4: {  	v9 =	vld.idx.msk [tilespmem:v18+s30+$0x0], $0xffff  }
0x1d5: {  	v12 =	vld.idx.msk [tilespmem:v13+s30+$0x0], $0xffff  }
0x1d6: {  	v10 =	vld.idx.msk [tilespmem:v14+s30+$0x0], $0xffff;
	v11 =	vor.u32 $0x1, v8;
	v61 =	vor.u32 $0x2, v8  }
0x1d7: {  	v14 =	vor.u32 @p0 v0, v20;
	vm1 =	vmmov @p0 vm1;
	v16 =	vld.idx.msk [tilespmem:v16+s30+$0x0], $0xffff;
	vm2 =	vmmov @p0 vm2  }
0x1d8: {  	vm3 =	vmmov @p0 vm3;
	v62 =	vor.u32 $0x3, v8;
	v18 =	vand.u32 @p0 $0xFF, v19  }
0x1d9: {  	vm6 =	vgt.s32 v5, v8;
	vm4 =	vgt.s32 v5, v61;
	v14 =	vand.u32 @p0 $0xFF, v14  }
0x1da: {  	vm5 =	vgt.s32 v5, v11;
	vm4 =	vmmov vm4;
	v11 =	vshrl.u32 v12, v7  }
0x1db: {  	v10 =	vshrl.u32 v10, v7;
	v9 =	vshrl.u32 v9, v7;
	v11 =	vshll.u32 v11, $0x4  }
0x1dc: {  	v63 =	vshrl.u32 v16, v7;
	v9 =	vshll.u32 v9, $0x4;
	v11 =	vor.u32 v0, v11  }
0x1dd: {  	v10 =	vshll.u32 v10, $0x4;
	v9 =	vor.u32 v0, v9;
	v11 =	vand.u32 $0xFF, v11  }
0x1de: {  	[tilespmem:v17+s31+$0x0] =	vst.idx.add.s32.msk @p0 vm0, v3;
	v12 =	vshll.u32 v63, $0x4;
	v10 =	vor.u32 v0, v10;
	v9 =	vand.u32 $0xFF, v9  }
0x1df: {  	vm7 =	vgt.s32 v5, v62;
	[tilespmem:v15+s31+$0x0] =	vst.idx.add.s32.msk @p0 vm1, v3;
	v12 =	vor.u32 v0, v12;
	v10 =	vand.u32 $0xFF, v10  }
0x1e0: {  	[tilespmem:v18+s31+$0x0] =	vst.idx.add.s32.msk @p0 vm2, v3;
	v12 =	vand.u32 $0xFF, v12  }
0x1e1: {  	[tilespmem:v14+s31+$0x0] =	vst.idx.add.s32.msk @p0 vm3, v3  }
0x1e2: {  	[tilespmem:v11+s31+$0x0] =	vst.idx.add.s32.msk vm6, v3  }
0x1e3: {  	[tilespmem:v9+s31+$0x0] =	vst.idx.add.s32.msk vm4, v3  }
0x1e4: {  	[tilespmem:v10+s31+$0x0] =	vst.idx.add.s32.msk vm5, v3  }
0x1e5: {  	v8 =	vadd.s32 $0x4, v8;
	vm14 =	vmmov vm5;
	vm15 =	vmmov vm7;
	[tilespmem:v12+s31+$0x0] =	vst.idx.add.s32.msk vm7, v3  }
.LBB2_15:
0x1e6: {  	p0 =	seq.s32 s24, $0x0  }
.Ltmp16:
0x1e7: {  	_ = 	snop;
	(pc) =	sbr.rel @p0 .LBB2_18-.Ltmp16, $1  }
0x1e8: {  	_ =	sdelay $0x3  }
0x1e9: {  	s24 =	smov.u32 s2  }
.LBB2_17:
0x1ea: {  	v9 =	vadd.s32 v2, v8;
	_ =	sdelay $0x4  }
0x1eb: {  	v9 =	vld.idx.msk [tilespmem:v9+s30+$0x0], $0xffff;
	_ =	sdelay $0x4  }
0x1ec: {  	v9 =	vshrl.u32 v9, v7  }
0x1ed: {  	v9 =	vshll.u32 v9, $0x4  }
0x1ee: {  	vm0 =	vgt.s32 v5, v8;
	s24 =	sadd.s32 $0x1, s24;
	v9 =	vor.u32 v0, v9  }
0x1ef: {  	p2 =	slt.s32 s24, s21;
	v9 =	vand.u32 $0xFF, v9  }
.Ltmp17:
0x1f0: {  	_ = 	snop;
	(pc) =	sbr.rel @p2 .LBB2_17-.Ltmp17, $2  }
0x1f1: {  	_ =	sdelay $0x2  }
0x1f2: {  	v8 =	vadd.s32 $0x1, v8;
	[tilespmem:v9+s31+$0x0] =	vst.idx.add.s32.msk vm0, v3  }
.LBB2_18:
0x1f3: {  	v8 =	vld [tilespmem:$0x11000]  }
0x1f4: {  	v15 =	vld [tilespmem:$0x11010];
	_ =	sdelay $0x1  }
0x1f5: {  	v12 =	vld [tilespmem:$0x11020];
	_ =	sdelay $0x1  }
0x1f6: {  	v13 =	vld [tilespmem:$0x11030]  }
0x1f7: {  	v30 =	vimm.s32 $0x0;
	v9 =	vadd.s32 v8, v15  }
0x1f8: {  	v16 =	vld [tilespmem:$0x11040];
	v38 =	vimm.s32 $0x0;
	vm4 =	vgt.s32 v8, v6;
	vm5 =	vgt.s32 v9, v6  }
0x1f9: {  	vm0 =	vle.s32 v8, v6;
	v10 =	vadd.s32 v12, v9;
	vm1 =	vmor vm4, vm5  }
0x1fa: {  	v18 =	vld [tilespmem:$0x11050];
	vm8 =	vmand vm5, vm0;
	vm2 =	vgt.s32 v10, v6;
	vm0 =	vmneg vm1  }
0x1fb: {  	v11 =	vadd.s32 v13, v10;
	v14 =	vsel vm8, $0x1, v1;
	vm9 =	vmand vm2, vm0  }
0x1fc: {  	v20 =	vld [tilespmem:$0x11060];
	vm0 =	vmor vm1, vm2;
	vm1 =	vgt.s32 v11, v6;
	v17 =	vsel vm9, $0x2, v14  }
0x1fd: {  	vm2 =	vmneg vm0;
	vm0 =	vmor vm0, vm1;
	v14 =	vadd.s32 v16, v11  }
0x1fe: {  	v22 =	vld [tilespmem:$0x11070];
	vm10 =	vmand vm1, vm2;
	vm1 =	vmneg vm0;
	vm2 =	vgt.s32 v14, v6  }
0x1ff: {  	v19 =	vsel vm10, $0x3, v17;
	vm6 =	vmand vm2, vm1;
	v17 =	vadd.s32 v18, v14  }
0x200: {  	v24 =	vld [tilespmem:$0x11080];
	vm0 =	vmor vm0, vm2;
	v21 =	vsel vm6, $0x4, v19;
	vm1 =	vgt.s32 v17, v6  }
0x201: {  	vm2 =	vmneg vm0;
	v19 =	vadd.s32 v20, v17;
	vm0 =	vmor vm0, vm1  }
0x202: {  	v26 =	vld [tilespmem:$0x11090];
	vm7 =	vmand vm1, vm2;
	vm2 =	vgt.s32 v19, v6;
	vm1 =	vmneg vm0  }
0x203: {  	v23 =	vsel vm7, $0x5, v21;
	v21 =	vadd.s32 v22, v19;
	vm0 =	vmor vm0, vm2  }
0x204: {  	v28 =	vld [tilespmem:$0x110A0];
	vm11 =	vmand vm2, vm1;
	vm1 =	vgt.s32 v21, v6;
	vm2 =	vmneg vm0  }
0x205: {  	v25 =	vsel vm11, $0x6, v23;
	vm0 =	vmor vm0, vm1;
	v23 =	vadd.s32 v24, v21  }
0x206: {  	vm12 =	vmand vm1, vm2;
	vm1 =	vmneg vm0;
	vm2 =	vgt.s32 v23, v6  }
0x207: {  	v31 =	vld [tilespmem:$0x110B0];
	v27 =	vsel vm12, $0x7, v25;
	v25 =	vadd.s32 v26, v23;
	vm13 =	vmand vm2, vm1  }
0x208: {  	vm0 =	vmor vm0, vm2;
	vm1 =	vgt.s32 v25, v6;
	v29 =	vsel vm13, $0x8, v27  }
0x209: {  	v33 =	vld [tilespmem:$0x110C0];
	vm2 =	vmneg vm0;
	vm0 =	vmor vm0, vm1;
	v27 =	vadd.s32 v28, v25  }
0x20a: {  	vm3 =	vmand vm1, vm2;
	vm1 =	vmneg vm0;
	vm2 =	vgt.s32 v27, v6  }
0x20b: {  	v35 =	vld [tilespmem:$0x110D0];
	v30 =	vsel vm3, $0xFFFFFFFF, v30;
	v29 =	vsel vm3, $0x9, v29;
	vm1 =	vmand vm2, vm1  }
0x20c: {  	[tilespmem:$0x1FFA0] =	vst v30;
	v30 =	vimm.s32 $0x0;
	v34 =	vsel vm1, $0xA, v29;
	v29 =	vadd.s32 v31, v27  }
0x20d: {  	v36 =	vld [tilespmem:$0x110E0];
	vm0 =	vmor vm0, vm2;
	v30 =	vsel vm1, $0xFFFFFFFF, v30;
	vm2 =	vgt.s32 v29, v6  }
0x20e: {  	v37 =	vld [tilespmem:$0x110F0];
	vm1 =	vmneg vm0;
	[tilespmem:$0x1FFB0] =	vst v30;
	v30 =	vadd.s32 v33, v29;
	vm0 =	vmor vm0, vm2  }
0x20f: {  	vm3 =	vmand vm2, vm1;
	vm1 =	vgt.s32 v30, v6;
	vm2 =	vmneg vm0  }
0x210: {  	v32 =	vadd.s32 v35, v30;
	v38 =	vsel vm3, $0xFFFFFFFF, v38;
	v63 =	vsel vm3, $0xB, v34  }
0x211: {  	vm0 =	vmor vm0, vm1;
	vm14 =	vmand vm1, vm2;
	vm2 =	vgt.s32 v32, v6  }
0x212: {  	[tilespmem:$0x1FFC0] =	vst v38;
	v34 =	vadd.s32 v36, v32;
	vm1 =	vmneg vm0;
	v38 =	vsel vm14, $0xC, v63  }
.Ltmp18:
0x213: {  	v39 =	vadd.s32 v37, v34;
	vm15 =	vmand vm2, vm1;
	vm1 =	vmor vm0, vm2;
	(pc) =	sbr.rel @p1 .LBB2_19-.Ltmp18, $4  }
0x214: {  	vm2 =	vgt.s32 v34, v6;
	vm3 =	vle.s32 v39, v6;
	vm0 =	vmneg vm1  }
0x215: {  	v38 =	vsel vm15, $0xD, v38;
	vm0 =	vmand vm2, vm0;
	vm2 =	vmor vm2, vm3  }
0x216: {  	vm1 =	vmor vm1, vm2;
	v38 =	vsel vm0, $0xE, v38  }
0x217: {  	v38 =	vnsel vm1, $0xF, v38  }
0x218: {  	v42 =	vmul.u32 $0x800, v0  }
0x219: {  	v56 =	vimm.s32 $0x0  }
0x21a: {  	v48 =	vor.u32 $0x3, v42;
	v43 =	vadd.s32 v42, v56  }
0x21b: {  	v49 =	vor.u32 $0x2, v42;
	v39 =	vadd.s32 v48, v56  }
0x21c: {  	v41 =	vadd.s32 v49, v56;
	_ =	sdelay $0x2  }
0x21d: {  	v44 =	vimm.s32 $0x0;
	v43 =	vld.idx.msk [tilespmem:v43+s30+$0x0], $0xffff  }
0x21e: {  	v58 =	vimm.s32 $0x0;
	v44 =	vsel vm4, $0xFFFFFFFF, v44;
	v40 =	vld.idx.msk [tilespmem:v39+s30+$0x0], $0xffff  }
0x21f: {  	v59 =	vimm.s32 $0x0;
	v41 =	vld.idx.msk [tilespmem:v41+s30+$0x0], $0xffff;
	[tilespmem:$0x1FF30] =	vst v44;
	v44 =	vsel vm5, $0xFFFFFFFF, v58  }
0x220: {  	p2 =	sgt.s32 s2, $0x4;
	v60 =	vimm.s32 $0x0;
	[tilespmem:$0x1FF40] =	vst v44;
	v44 =	vsel vm6, $0xFFFFFFFF, v59  }
.Ltmp19:
0x221: {  	v61 =	vimm.s32 $0x0;
	[tilespmem:$0x1FF50] =	vst v44;
	v44 =	vsel vm7, $0xFFFFFFFF, v60;
	(pc) =	sbr.rel @!p2 .LBB2_30-.Ltmp19, $4  }
0x222: {  	v62 =	vimm.s32 $0x0;
	[tilespmem:$0x1FF60] =	vst v44;
	v44 =	vsel vm11, $0xFFFFFFFF, v61  }
0x223: {  	v63 =	vimm.s32 $0x0;
	[tilespmem:$0x1FF70] =	vst v44;
	v44 =	vsel vm12, $0xFFFFFFFF, v62  }
0x224: {  	v50 =	vor.u32 $0x1, v42;
	[tilespmem:$0x1FF80] =	vst v44;
	v44 =	vsel vm13, $0xFFFFFFFF, v63  }
0x225: {  	p1 =	por $0x0, $0x0;
	v47 =	vadd.s32 v50, v56;
	v39 =	vadd.s32 $0x4, v56;
	[tilespmem:$0x1FF90] =	vst v44  }
0x226: {  	_ =	sdelay $0x3  }
0x227: {  	v44 =	vld.idx.msk [tilespmem:v47+s30+$0x0], $0xffff;
	v45 =	vor.u32 $0x2, v56;
	v46 =	vor.u32 $0x3, v56  }
0x228: {  	v51 =	vadd.s32 v48, v39;
	vm2 =	vgt.s32 v5, v56;
	v52 =	vor.u32 $0x1, v56  }
0x229: {  	v53 =	vadd.s32 v42, v39;
	v47 =	vadd.s32 v50, v39;
	v55 =	vadd.s32 v49, v39  }
0x22a: {  	v57 =	vshrl.u32 v43, v7;
	v58 =	vshrl.u32 v41, v7;
	v59 =	vshrl.u32 v40, v7  }
0x22b: {  	vm3 =	vgt.s32 v5, v52;
	vm4 =	vgt.s32 v5, v45;
	vm5 =	vgt.s32 v5, v46  }
0x22c: {  	v45 =	vand.u32 $0xF, v57;
	v52 =	vand.u32 $0xF, v59;
	v54 =	vshrl.u32 v44, v7  }
0x22d: {  	p2 =	sgt.s32 s2, $0x8;
	v46 =	vand.u32 $0xF, v58;
	vm6 =	veq.s32 v45, v38;
	v60 =	vand.u32 $0xF, v54  }
.Ltmp20:
0x22e: {  	vm7 =	veq.s32 v52, v38;
	vm2 =	vmand vm2, vm6;
	vm6 =	veq.s32 v60, v38;
	(pc) =	sbr.rel @!p2 .LBB2_32-.Ltmp20, $4  }
0x22f: {  	v61 =	vsel vm2, $0x1, v1;
	vm3 =	vmand vm3, vm6;
	vm6 =	veq.s32 v46, v38  }
0x230: {  	v45 =	vld.idx.msk [tilespmem:v51+s30+$0x0], $0xffff;
	v51 =	vmovc v42;
	v54 =	vadd.s32 v61, v42;
	v62 =	vsel vm3, $0x1, v1;
	vm4 =	vmand vm4, vm6  }
0x231: {  	vm5 =	vmand vm5, vm7;
	v57 =	vld.idx.msk [tilespmem:v53+s30+$0x0], $0xffff;
	v52 =	vadd.s32 v62, v54;
	v63 =	vsel vm4, $0x1, v1  }
0x232: {  	s24 =	simm.s32 $0x8;
	p1 =	por $0x1, $0x1;
	v58 =	vsel vm5, $0x1, v1;
	v46 =	vld.idx.msk [tilespmem:v55+s30+$0x0], $0xffff;
	v55 =	vadd.s32 $0x4, v39;
	v53 =	vadd.s32 v63, v52  }
.LBB2_33:
0x233: {  	_ = 	snop  }
0x234: {  	v56 =	vld.idx.msk [tilespmem:v47+s30+$0x0], $0xffff;
	v58 =	vadd.s32 v58, v53  }
0x235: {  	v59 =	vor.u32 $0x2, v39;
	v60 =	vor.u32 $0x3, v39;
	v61 =	vadd.s32 v48, v55;
	[tilespmem:v51+s30+$0x0] =	vst.idx.msk vm2, v43;
	v51 =	vmovc v58  }
0x236: {  	v62 =	vadd.s32 v42, v55;
	vm2 =	vgt.s32 v5, v39;
	v43 =	vor.u32 $0x1, v39;
	[tilespmem:v54+s30+$0x0] =	vst.idx.msk vm3, v44  }
0x237: {  	v47 =	vadd.s32 v50, v55;
	v63 =	vadd.s32 v49, v55;
	s24 =	sadd.s32 $0x4, s24;
	v39 =	vmovc v55;
	v44 =	vshrl.u32 v57, v7  }
0x238: {  	p2 =	slt.s32 s24, s2;
	vm7 =	vgt.s32 v5, v59;
	vm6 =	vgt.s32 v5, v60;
	vm3 =	vgt.s32 v5, v43  }
0x239: {  	v59 =	vshrl.u32 v45, v7;
	v54 =	vshrl.u32 v46, v7;
	v43 =	vmov v57  }
0x23a: {  	v59 =	vand.u32 $0xF, v59;
	v57 =	vand.u32 $0xF, v44;
	v60 =	vshrl.u32 v56, v7;
	[tilespmem:v53+s30+$0x0] =	vst.idx.msk vm5, v40;
	v44 =	vmovc v56  }
0x23b: {  	v54 =	vand.u32 $0xF, v54;
	vm5 =	veq.s32 v57, v38;
	v53 =	vand.u32 $0xF, v60;
	v40 =	vmovc v45;
	[tilespmem:v52+s30+$0x0] =	vst.idx.msk vm4, v41  }
.Ltmp21:
0x23c: {  	vm2 =	vmand vm2, vm5;
	vm5 =	veq.s32 v59, v38;
	vm4 =	veq.s32 v53, v38;
	v41 =	vmovc v46;
	(pc) =	sbr.rel @p2 .LBB2_33-.Ltmp21, $4  }
0x23d: {  	v46 =	vsel vm2, $0x1, v1;
	vm3 =	vmand vm3, vm4;
	vm4 =	veq.s32 v54, v38  }
0x23e: {  	v54 =	vadd.s32 v46, v58;
	v52 =	vsel vm3, $0x1, v1;
	vm4 =	vmand vm7, vm4;
	v45 =	vld.idx.msk [tilespmem:v61+s30+$0x0], $0xffff  }
0x23f: {  	vm5 =	vmand vm6, vm5;
	v52 =	vadd.s32 v52, v54;
	v53 =	vsel vm4, $0x1, v1;
	v46 =	vld.idx.msk [tilespmem:v63+s30+$0x0], $0xffff  }
0x240: {  	v55 =	vadd.s32 $0x4, v55;
	v58 =	vsel vm5, $0x1, v1;
	v53 =	vadd.s32 v53, v52;
	v57 =	vld.idx.msk [tilespmem:v62+s30+$0x0], $0xffff  }
0x241: {  	_ =	sdelay $0x2  }
0x242: {  	vm13 =	vmmov vm10;
	vm12 =	vmmov vm9  }
0x243: {  	vm11 =	vmmov vm8;
	v56 =	vmovc v39;
	v48 =	vmovc v43;
	v39 =	vmov v55;
	v43 =	vmov v57  }
.LBB2_35:
0x244: {  	_ =	sdelay $0x3  }
0x245: {  	v47 =	vld.idx.msk [tilespmem:v47+s30+$0x0], $0xffff  }
0x246: {  	v49 =	vadd.s32 @p1 v58, v53;
	v50 =	vor.u32 $0x2, v56;
	v55 =	vor.u32 $0x3, v56  }
0x247: {  	vm6 =	vgt.s32 v5, v56;
	v60 =	vor.u32 $0x1, v56;
	v61 =	vshrl.u32 v43, v7  }
0x248: {  	v63 =	vshrl.u32 v46, v7;
	v59 =	vshrl.u32 v45, v7;
	v42 =	vpsel p1, v49, v42  }
0x249: {  	vm7 =	vgt.s32 v5, v60;
	vm8 =	vgt.s32 v5, v50;
	v49 =	vand.u32 $0xF, v61  }
0x24a: {  	vm9 =	vgt.s32 v5, v55;
	vm10 =	veq.s32 v49, v38;
	v62 =	vshrl.u32 v47, v7  }
0x24b: {  	v58 =	vand.u32 $0xF, v63;
	vm6 =	vmand vm6, vm10;
	v57 =	vand.u32 $0xF, v62  }
0x24c: {  	v49 =	vand.u32 $0xF, v59;
	v60 =	vsel vm6, $0x1, v1;
	vm10 =	veq.s32 v57, v38  }
0x24d: {  	v61 =	vadd.s32 v60, v42;
	vm7 =	vmand vm7, vm10;
	vm10 =	veq.s32 v58, v38  }
0x24e: {  	[tilespmem:v51+s30+$0x0] =	vst.idx.msk @p1 vm2, v48;
	vm8 =	vmand vm8, vm10;
	vm10 =	veq.s32 v49, v38;
	v62 =	vsel vm7, $0x1, v1  }
0x24f: {  	[tilespmem:v54+s30+$0x0] =	vst.idx.msk @p1 vm3, v44;
	vm2 =	vmand vm9, vm10;
	v63 =	vadd.s32 v62, v61;
	v55 =	vsel vm8, $0x1, v1  }
0x250: {  	[tilespmem:v53+s30+$0x0] =	vst.idx.msk @p1 vm5, v40;
	v56 =	vadd.s32 v55, v63  }
0x251: {  	[tilespmem:v52+s30+$0x0] =	vst.idx.msk @p1 vm4, v41  }
0x252: {  	[tilespmem:v42+s30+$0x0] =	vst.idx.msk vm6, v43  }
0x253: {  	[tilespmem:v61+s30+$0x0] =	vst.idx.msk vm7, v47  }
0x254: {  	[tilespmem:v63+s30+$0x0] =	vst.idx.msk vm8, v46  }
0x255: {  	[tilespmem:v56+s30+$0x0] =	vst.idx.msk vm2, v45  }
0x256: {  	v41 =	vld [tilespmem:$0x1FF30]  }
0x257: {  	v58 =	vld [tilespmem:$0x1FF40]  }
0x258: {  	v59 =	vld [tilespmem:$0x1FF50]  }
0x259: {  	v60 =	vld [tilespmem:$0x1FF60]  }
0x25a: {  	v61 =	vld [tilespmem:$0x1FF70]  }
0x25b: {  	v62 =	vld [tilespmem:$0x1FF80]  }
0x25c: {  	v63 =	vld [tilespmem:$0x1FF90]  }
.Ltmp22:
0x25d: {  	_ = 	snop;
	(pc) =	sbr.rel .LBB2_20-.Ltmp22, $4  }
0x25e: {  	vm9 =	vmmov vm12;
	vm10 =	vmmov vm13;
	v57 =	vsel vm2, $0x1, v1  }
0x25f: {  	v40 =	vadd.s32 v57, v56;
	vm8 =	vmmov vm11;
	vm4 =	vnez.u8 v41  }
0x260: {  	vm5 =	vnez.u8 v58;
	vm6 =	vnez.u8 v59;
	vm7 =	vnez.u8 v60  }
0x261: {  	vm11 =	vnez.u8 v61;
	vm12 =	vnez.u8 v62;
	vm13 =	vnez.u8 v63  }
.LBB2_19:
0x262: {  	v39 =	vimm.s32 $0x0;
	v40 =	vmov v2  }
.LBB2_20:
.Ltmp23:
0x263: {  	(pc) =	sbr.rel @p0 .LBB2_22-.Ltmp23, $1  }
0x264: {  	_ =	sdelay $0x3  }
.LBB2_21:
0x265: {  	v41 =	vmul.u32 $0x800, v0;
	_ =	sdelay $0x1  }
0x266: {  	v41 =	vadd.s32 v41, v39;
	_ =	sdelay $0x4  }
0x267: {  	v41 =	vld.idx.msk [tilespmem:v41+s30+$0x0], $0xffff;
	_ =	sdelay $0x4  }
0x268: {  	v42 =	vshrl.u32 v41, v7  }
0x269: {  	v42 =	vand.u32 $0xF, v42  }
0x26a: {  	vm3 =	vgt.s32 v5, v39;
	vm2 =	veq.s32 v42, v38  }
0x26b: {  	s2 =	sadd.s32 $0x1, s2;
	vm2 =	vmand vm3, vm2  }
0x26c: {  	p0 =	slt.s32 s2, s21  }
.Ltmp24:
0x26d: {  	_ = 	snop;
	(pc) =	sbr.rel @p0 .LBB2_21-.Ltmp24, $3  }
0x26e: {  	_ =	sdelay $0x1  }
0x26f: {  	v63 =	vsel vm2, $0x1, v1  }
0x270: {  	v39 =	vadd.s32 $0x1, v39;
	[tilespmem:v40+s30+$0x0] =	vst.idx.msk vm2, v41;
	v40 =	vadd.s32 v63, v40  }
.Ltmp25:
0x271: {  	_ = 	snop;
	(pc) =	sbr.rel .LBB2_22-.Ltmp25, $1  }
0x272: {  	_ =	sdelay $0x3  }
.LBB2_14:
.Ltmp26:
0x273: {  	(pc) =	sbr.rel .LBB2_28-.Ltmp26, $2  }
0x274: {  	_ =	sdelay $0x2  }
0x275: {  	_ = 	snop  }
.LBB2_30:
.Ltmp27:
0x276: {  	(pc) =	sbr.rel .LBB2_35-.Ltmp27, $2  }
0x277: {  	_ =	sdelay $0x2  }
0x278: {  	vm13 =	vmmov vm10;
	vm12 =	vmmov vm9;
	vm11 =	vmmov vm8;
	v46 =	vmovc v41;
	v45 =	vmovc v40  }
.LBB2_32:
.Ltmp28:
0x279: {  	(pc) =	sbr.rel .LBB2_35-.Ltmp28, $3  }
0x27a: {  	_ =	sdelay $0x1  }
0x27b: {  	vm13 =	vmmov vm10;
	vm12 =	vmmov vm9;
	vm11 =	vmmov vm8  }
0x27c: {  	v56 =	vmovc v39;
	v48 =	vmovc v43;
	v51 =	vmov v42;
	v39 =	vmov v55;
	v43 =	vmov v57  }
.LBB2_25:
0x27d: {  	_ =	sfence.sel $0x180000  }
0x27e: {  	[bflag:$0x0] =	sbarrier.arrive $0xFFFF  }
0x27f: {  	_ =	strace $0x90000047  }
0x280: {  	s0 =	stileid.u32;
	[bflag:$0x2] =	sbarrier.arrive $0xFFFF  }
0x281: {  	p0 =	sne.s32 s0, $0x0;
	s0 =	rddreg [dreg:$0x2]  }
0x282: {  	s0 =	sadd.s32 @!p0 $0x100000, s0  }
0x283: {  	[sflag:s0] =	ssyncadd.tile.s32 @!p0 $0x1;
	_ =	shalt  }
.Lfunc_end2:
_tile_overlayer_lowered:
.L_overlay_start_2:
0x284: {  	(tag) =	ssettag $0x2  }
0x285: {  	s0 =	rddreg [dreg:$0x0];
	s2 =	stileid.u32  }
0x286: {  	s1 =	rddreg [dreg:$0x1];
	p0 =	sne.s32 s2, $0x0  }
0x287: {  	s3 =	rddreg [dreg:$0x2];
	[bflag:$0x3] =	sbarrier.arrive $0xFFFF;
	s2 =	simm.s32 @!p0 $0x1C02  }
0x288: {  	[timem:s3], [sflag:s2] =	dma.local @!p0 [hbm:s0], s1  }
0x289: {  	s0 =	simm.s32 @!p0 $0x2  }
0x28a: {  	_ =	swait.ge @!p0 [sflag:s0], s1  }
0x28b: {  	s1 =	ssub.s32 @!p0 $0x0, s1;
	[sflag:s0] =	ssyncset.done @!p0 $0x0  }
0x28c: {  	[sflag:s0] =	ssyncadd.s32 @!p0 s1  }
0x28d: {  	[bflag:$0x3] =	sbarrier.arrive $0xFFFF  }
0x28e: {  	_ =	shalt  }

</sc_bundles>
